<compile_context>
chip_gen: v7x
topology: tpu7x:2x2x1
jax: 0.10.2.dev20260603
libtpu: 0.0.44.dev20260713+nightly
codegen_flags: <defaults>
</compile_context>

<pallas_src>
import functools

import jax
import jax.numpy as jnp
from jax import lax
from jax.experimental import pallas as pl
from jax.experimental.pallas import tpu as pltpu
from jax.experimental.pallas import tpu_sc as plsc

N_NODES = 100000
N_ELEMENTS = 200000
D_FEAT = 128

NC, NS, L = 2, 16, 16
NW = NC * NS
K = 800
NCH = 8
EW = NCH * K
E_PAD = NW * EW
SLICE = 6256
N_PAD = NS * SLICE

_mesh = plsc.VectorSubcoreMesh(
    core_axis_name="c", subcore_axis_name="s", num_cores=NC, num_subcores=NS
)

_scratch = (
    [pltpu.VMEM((K,), jnp.int32) for _ in range(3 * NCH)]
    + [pltpu.VMEM((K,), jnp.float32) for _ in range(12)]
    + [pltpu.VMEM((K,), jnp.float32) for _ in range(2)]
    + [
        pltpu.VMEM((SLICE,), jnp.float32),
        pltpu.VMEM_SHARED((N_PAD,), jnp.float32),
        pltpu.SemaphoreType.DMA,
        pltpu.SemaphoreType.DMA,
        pltpu.SemaphoreType.DMA,
        pltpu.SemaphoreType.DMA,
    ]
)


@functools.partial(
    pl.kernel,
    out_type=(
        jax.ShapeDtypeStruct((N_PAD,), jnp.float32),
        jax.ShapeDtypeStruct((N_PAD,), jnp.float32),
    ),
    mesh=_mesh,
    scratch_types=_scratch,
)
def _sc_node_weights(xs_hbm, ys_hbm, idx_hbm, out0_hbm, out1_hbm, *scr):
    iv = [scr[0:NCH], scr[NCH:2 * NCH], scr[2 * NCH:3 * NCH]]
    b = 3 * NCH
    xv = [scr[b + 2 * j: b + 2 * j + 2] for j in range(3)]
    yv = [scr[b + 6 + 2 * j: b + 8 + 2 * j] for j in range(3)]
    wv = scr[b + 12: b + 14]
    z_v = scr[b + 14]
    s_sh = scr[b + 15]
    semg = scr[b + 16: b + 18]
    sems = scr[b + 18: b + 20]

    cid = lax.axis_index("c")
    sid = lax.axis_index("s")
    wid = sid * NC + cid

    def _zero(j, carry):
        z_v[pl.ds(j * L, L)] = jnp.zeros((L,), jnp.float32)
        return carry

    lax.fori_loop(0, SLICE // L, _zero, 0)
    pltpu.sync_copy(z_v, s_sh.at[pl.ds(sid * SLICE, SLICE)])

    plsc.subcore_barrier()

    stage = [
        pltpu.async_copy(idx_hbm.at[j, wid, c], iv[j][c], semg[0])
        for j in range(3)
        for c in range(NCH)
    ]
    for h in stage:
        h.wait()

    def fire_gathers(c):
        p = c % 2
        hs = []
        for j in range(3):
            hs.append(
                pltpu.async_copy(xs_hbm.at[iv[j][c]], xv[j][p], semg[p]))
            hs.append(
                pltpu.async_copy(ys_hbm.at[iv[j][c]], yv[j][p], semg[p]))
        return hs

    def fire_scatters(c):
        p = c % 2
        return [
            pltpu.async_copy(wv[p], s_sh.at[iv[j][c]], sems[p], add=True)
            for j in range(3)
        ]

    def compute(c):
        p = c % 2

        def _wcompute(t, carry):
            sl = pl.ds(t * L, L)
            ax = xv[1][p][sl] - xv[0][p][sl]
            ay = yv[1][p][sl] - yv[0][p][sl]
            bx = xv[2][p][sl] - xv[0][p][sl]
            by = yv[2][p][sl] - yv[0][p][sl]
            det = ax * by - bx * ay
            wv[p][sl] = jnp.abs(det) * jnp.float32(1.0 / 6.0)
            return carry

        lax.fori_loop(0, K // L, _wcompute, 0)

    handles_g = [None] * NCH
    handles_s = [None] * NCH
    handles_g[0] = fire_gathers(0)
    for c in range(NCH):
        if c + 1 < NCH:
            handles_g[c + 1] = fire_gathers(c + 1)
        for h in handles_g[c]:
            h.wait()
        if c >= 2:
            for h in handles_s[c - 2]:
                h.wait()
        compute(c)
        handles_s[c] = fire_scatters(c)
    for h in handles_s[NCH - 2]:
        h.wait()
    for h in handles_s[NCH - 1]:
        h.wait()

    plsc.subcore_barrier()
    sl_out = pl.ds(sid * SLICE, SLICE)
    pltpu.sync_copy(s_sh.at[sl_out], z_v)

    @pl.when(cid == 0)
    def _():
        pltpu.sync_copy(z_v, out0_hbm.at[sl_out])

    @pl.when(cid == 1)
    def _():
        pltpu.sync_copy(z_v, out1_hbm.at[sl_out])


_BN = 4000


def _tc_body(s0_ref, s1_ref, v_ref, o_ref):
    i = pl.program_id(0)

    @pl.when(i == 0)
    def _():
        o_ref[...] = jnp.zeros_like(o_ref)

    s = s0_ref[...] + s1_ref[...]
    o_ref[...] += jnp.sum(v_ref[...] * s, axis=0, keepdims=True)


def kernel(coords, elements, nodal_values):
    el = elements.astype(jnp.int32)
    xs = coords[:, 0]
    ys = coords[:, 1]
    idx = jnp.zeros((3, E_PAD), jnp.int32).at[:, :N_ELEMENTS].set(el.T)
    idx = idx.reshape(3, NW, NCH, K)

    sa, sb = _sc_node_weights(xs, ys, idx)

    s0 = sa.reshape(N_PAD, 1)
    s1 = sb.reshape(N_PAD, 1)
    out = pl.pallas_call(
        _tc_body,
        grid=(N_NODES // _BN,),
        in_specs=[
            pl.BlockSpec((_BN, 1), lambda i: (i, 0)),
            pl.BlockSpec((_BN, 1), lambda i: (i, 0)),
            pl.BlockSpec((_BN, D_FEAT), lambda i: (i, 0)),
        ],
        out_specs=pl.BlockSpec((1, D_FEAT), lambda i: (0, 0)),
        out_shape=jax.ShapeDtypeStruct((1, D_FEAT), jnp.float32),
    )(s0, s1, nodal_values)
    return out[0]

# --- scband reference (transcript-rebuilt; emitter-appended) ---
"""Pipeline reference for scband-operator-89215060672931 (READ-ONLY COPY).

The authoritative reference and input builder live on the scoring server;
editing this copy changes nothing except your own understanding.
"""

import jax, jax.numpy as jnp
import numpy as np

N_NODES = 100000
N_ELEMENTS = 200000
D_FEAT = 128

# Tri3 element: single quadrature point at barycenter, weight = 1/2 (reference triangle area)
QUAD_POINTS = jnp.array([[1.0 / 3.0, 1.0 / 3.0]], dtype=jnp.float32)  # (n_q=1, n_dim=2)
QUAD_WEIGHTS = jnp.array([0.5], dtype=jnp.float32)


def shape_function(xi):
    # Tri3 linear shape functions: N = [1 - xi - eta, xi, eta]
    return jnp.array([1.0 - xi[0] - xi[1], xi[0], xi[1]], dtype=jnp.float32)


def shape_function_grad(xi):
    # Constant gradients for linear triangle, shape (n_nodes_per_el=3, n_dim=2)
    return jnp.array([[-1.0, -1.0], [1.0, 0.0], [0.0, 1.0]], dtype=jnp.float32)


def setup_inputs(seed: int = 0) -> dict:
    key = jax.random.key(seed)
    k1, k2, k3 = jax.random.split(key, 3)
    coords = jax.random.uniform(k1, (N_NODES, 2), dtype=jnp.float32)
    elements = jax.random.randint(k2, (N_ELEMENTS, 3), 0, N_NODES, dtype=jnp.int64)
    nodal_values = jax.random.normal(k3, (N_NODES, D_FEAT), dtype=jnp.float32)
    return {"coords": coords, "elements": elements, "nodal_values": nodal_values}


def reference(coords, elements, nodal_values):
    # Operator._vmap_over_elements_and_quads: gather nodal quantities per element
    el_coords = coords[elements]          # (E, 3, 2)   -- gather
    el_vals = nodal_values[elements]      # (E, 3, D)   -- gather (dominant memory traffic)

    # Evaluate shape functions at every quad point: (n_q, 3)
    N_all = jax.vmap(shape_function)(QUAD_POINTS)

    # Interpolate nodal values at quad points of each element: (E, n_q, D)
    quad_vals = jnp.einsum("qn,end->eqd", N_all, el_vals)

    # Jacobian of the isoparametric map (constant over linear triangle): (E, 2, 2)
    dN = shape_function_grad(QUAD_POINTS[0])  # (3, 2)
    J = jnp.einsum("enk,nl->ekl", el_coords, dN)
    detJ = J[:, 0, 0] * J[:, 1, 1] - J[:, 0, 1] * J[:, 1, 0]  # (E,)

    # Operator.integrate: sum_e sum_q w_q * |detJ_e| * f(x_q) -> (D,)
    integral = jnp.einsum("eqd,q,e->d", quad_vals, QUAD_WEIGHTS, jnp.abs(detJ))
    return integral

if __name__ == "__main__":
    import jax
    _d = setup_inputs()
    print(jax.jit(kernel)(*tuple(_d.values())))

</pallas_src>

<mosaic_0001>
#map = affine_map<(d0, d1) -> (0)>
#map1 = affine_map<(d0, d1) -> (0, 0, 0, 0)>
module attributes {stable_mosaic.version = 14 : i64} {
  func.func @_sc_node_weights(%arg0: i32, %arg1: i32, %arg2: memref<100000xf32, #tpu.memory_space<hbm>>, %arg3: memref<100000xf32, #tpu.memory_space<hbm>>, %arg4: memref<3x32x8x800xi32, #tpu.memory_space<hbm>>, %arg5: memref<100096xf32, #tpu.memory_space<hbm>>, %arg6: memref<100096xf32, #tpu.memory_space<hbm>>, %arg7: memref<800xi32, #tpu.memory_space<vmem>>, %arg8: memref<800xi32, #tpu.memory_space<vmem>>, %arg9: memref<800xi32, #tpu.memory_space<vmem>>, %arg10: memref<800xi32, #tpu.memory_space<vmem>>, %arg11: memref<800xi32, #tpu.memory_space<vmem>>, %arg12: memref<800xi32, #tpu.memory_space<vmem>>, %arg13: memref<800xi32, #tpu.memory_space<vmem>>, %arg14: memref<800xi32, #tpu.memory_space<vmem>>, %arg15: memref<800xi32, #tpu.memory_space<vmem>>, %arg16: memref<800xi32, #tpu.memory_space<vmem>>, %arg17: memref<800xi32, #tpu.memory_space<vmem>>, %arg18: memref<800xi32, #tpu.memory_space<vmem>>, %arg19: memref<800xi32, #tpu.memory_space<vmem>>, %arg20: memref<800xi32, #tpu.memory_space<vmem>>, %arg21: memref<800xi32, #tpu.memory_space<vmem>>, %arg22: memref<800xi32, #tpu.memory_space<vmem>>, %arg23: memref<800xi32, #tpu.memory_space<vmem>>, %arg24: memref<800xi32, #tpu.memory_space<vmem>>, %arg25: memref<800xi32, #tpu.memory_space<vmem>>, %arg26: memref<800xi32, #tpu.memory_space<vmem>>, %arg27: memref<800xi32, #tpu.memory_space<vmem>>, %arg28: memref<800xi32, #tpu.memory_space<vmem>>, %arg29: memref<800xi32, #tpu.memory_space<vmem>>, %arg30: memref<800xi32, #tpu.memory_space<vmem>>, %arg31: memref<800xf32, #tpu.memory_space<vmem>>, %arg32: memref<800xf32, #tpu.memory_space<vmem>>, %arg33: memref<800xf32, #tpu.memory_space<vmem>>, %arg34: memref<800xf32, #tpu.memory_space<vmem>>, %arg35: memref<800xf32, #tpu.memory_space<vmem>>, %arg36: memref<800xf32, #tpu.memory_space<vmem>>, %arg37: memref<800xf32, #tpu.memory_space<vmem>>, %arg38: memref<800xf32, #tpu.memory_space<vmem>>, %arg39: memref<800xf32, #tpu.memory_space<vmem>>, %arg40: memref<800xf32, #tpu.memory_space<vmem>>, %arg41: memref<800xf32, #tpu.memory_space<vmem>>, %arg42: memref<800xf32, #tpu.memory_space<vmem>>, %arg43: memref<800xf32, #tpu.memory_space<vmem>>, %arg44: memref<800xf32, #tpu.memory_space<vmem>>, %arg45: memref<6256xf32, #tpu.memory_space<vmem>>, %arg46: memref<100096xf32, #tpu.memory_space<vmem_shared>>, %arg47: memref<!tpu.dma_semaphore, #tpu.memory_space<semaphore_mem>>, %arg48: memref<!tpu.dma_semaphore, #tpu.memory_space<semaphore_mem>>, %arg49: memref<!tpu.dma_semaphore, #tpu.memory_space<semaphore_mem>>, %arg50: memref<!tpu.dma_semaphore, #tpu.memory_space<semaphore_mem>>) attributes {dimension_semantics = [#tpu.dimension_semantics<core_parallel>, #tpu.dimension_semantics<subcore_parallel>], iteration_bounds = array<i64: 2, 16>, scalar_prefetch = 0 : i64, scratch_operands = 44 : i64, tpu.core_type = #tpu.core_type<sc_vector_subcore>, window_params = [{transform_indices = #map}, {transform_indices = #map}, {transform_indices = #map1}, {transform_indices = #map}, {transform_indices = #map}]} {
    %mul3A = arith.constant 2 : i32
    %mul3A_0 = arith.muli %arg1, %mul3A : i32
    %add3A = arith.addi %mul3A_0, %arg0 : i32
    %scan3A = arith.constant 0 : i32
    %scan3A_1 = arith.constant 0 : i32
    %scan3A_2 = arith.constant 391 : i32
    %scan3A_3 = arith.addi %scan3A_1, %scan3A_2 : i32
    %scan3A_4 = arith.constant 1 : i32
    scf.for %scan3A_736 = %scan3A_1 to %scan3A_3 step %scan3A_4  : i32 {
      %broadcast_in_dim3A = arith.constant 0.000000e+00 : f32
      %broadcast_in_dim3A_737 = vector.broadcast %broadcast_in_dim3A : f32 to vector<16xf32>
      %mul3A_738 = arith.constant 16 : i32
      %mul3A_739 = arith.muli %scan3A_736, %mul3A_738 : i32
      %swap3A = arith.index_cast %mul3A_739 : i32 to index
      %swap3A_740 = tpu.vector_load %arg45[%swap3A] {strides = array<i32>} : memref<6256xf32, #tpu.memory_space<vmem>>, vector<16xf32>,
      %swap3A_741 = vector.shape_cast %swap3A_740 : vector<16xf32> to vector<16xf32>
      %swap3A_742 = vector.shape_cast %broadcast_in_dim3A_737 : vector<16xf32> to vector<16xf32>
      tpu.vector_store %arg45[%swap3A], %swap3A_742 {strides = array<i32>} : memref<6256xf32, #tpu.memory_space<vmem>>, vector<16xf32>,
    }
    %scan3A_5 = arith.constant 391 : i32
    %mul3A_6 = arith.constant 6256 : i32
    %mul3A_7 = arith.muli %arg1, %mul3A_6 : i32
    "tpu.region"() ({
      %run_scoped3A = tpu.sem_alloc : memref<!tpu.dma_semaphore, #tpu.memory_space<semaphore_mem>>
      %dma_start3A_736 = tpu.memref_slice %arg46[%mul3A_7] : memref<100096xf32, #tpu.memory_space<vmem_shared>> -> memref<6256xf32, #tpu.memory_space<vmem_shared>>
      %dma_start3A_737 = tpu.memref_slice %arg46[%mul3A_7] : memref<100096xf32, #tpu.memory_space<vmem_shared>> -> memref<6256xf32, #tpu.memory_space<vmem_shared>>
      tpu.enqueue_dma source(%arg45 : memref<6256xf32, #tpu.memory_space<vmem>>) target(%dma_start3A_737 : memref<6256xf32, #tpu.memory_space<vmem_shared>>) target_semaphore(%run_scoped3A : memref<!tpu.dma_semaphore, #tpu.memory_space<semaphore_mem>>)
      %dma_wait3A_738 = tpu.memref_slice %arg46[%mul3A_7] : memref<100096xf32, #tpu.memory_space<vmem_shared>> -> memref<6256xf32, #tpu.memory_space<vmem_shared>>
      %dma_wait3A_739 = tpu.memref_slice %arg46[%mul3A_7] : memref<100096xf32, #tpu.memory_space<vmem_shared>> -> memref<6256xf32, #tpu.memory_space<vmem_shared>>
      tpu.wait_dma2 semaphore(%run_scoped3A : memref<!tpu.dma_semaphore, #tpu.memory_space<semaphore_mem>>) src(%arg45 : memref<6256xf32, #tpu.memory_space<vmem>>) dst(%dma_wait3A_739 : memref<6256xf32, #tpu.memory_space<vmem_shared>>)
      tpu.yield
    }) : () -> ()
    %barrier3A = arith.constant 0 : index
    tpu.barrier barrier_id(%barrier3A)
    %dma_start3A = arith.constant 0 : i32
    %dma_start3A_8 = arith.constant 0 : i32
    %dma_start3A_9 = arith.constant 0 : i32
    %dma_start3A_10 = tpu.memref_slice %arg4[%dma_start3A, %add3A, %dma_start3A_8, %dma_start3A_9] : memref<3x32x8x800xi32, #tpu.memory_space<hbm>> -> memref<1x1x1x800xi32, #tpu.memory_space<hbm>>
    %dma_start3A_11 = tpu.memref_squeeze %dma_start3A_10 : memref<1x1x1x800xi32, #tpu.memory_space<hbm>> -> memref<800xi32, #tpu.memory_space<hbm>>
    %dma_start3A_12 = arith.constant 0 : i32
    %dma_start3A_13 = tpu.memref_slice %arg4[%dma_start3A, %add3A, %dma_start3A_8, %dma_start3A_12] : memref<3x32x8x800xi32, #tpu.memory_space<hbm>> -> memref<1x1x1x800xi32, #tpu.memory_space<hbm>>
    %dma_start3A_14 = tpu.memref_squeeze %dma_start3A_13 : memref<1x1x1x800xi32, #tpu.memory_space<hbm>> -> memref<800xi32, #tpu.memory_space<hbm>>
    tpu.enqueue_dma source(%dma_start3A_14 : memref<800xi32, #tpu.memory_space<hbm>>) target(%arg7 : memref<800xi32, #tpu.memory_space<vmem>>) target_semaphore(%arg47 : memref<!tpu.dma_semaphore, #tpu.memory_space<semaphore_mem>>)
    %dma_start3A_15 = arith.constant 0 : i32
    %dma_start3A_16 = arith.constant 1 : i32
    %dma_start3A_17 = arith.constant 0 : i32
    %dma_start3A_18 = tpu.memref_slice %arg4[%dma_start3A_15, %add3A, %dma_start3A_16, %dma_start3A_17] : memref<3x32x8x800xi32, #tpu.memory_space<hbm>> -> memref<1x1x1x800xi32, #tpu.memory_space<hbm>>
    %dma_start3A_19 = tpu.memref_squeeze %dma_start3A_18 : memref<1x1x1x800xi32, #tpu.memory_space<hbm>> -> memref<800xi32, #tpu.memory_space<hbm>>
    %dma_start3A_20 = arith.constant 0 : i32
    %dma_start3A_21 = tpu.memref_slice %arg4[%dma_start3A_15, %add3A, %dma_start3A_16, %dma_start3A_20] : memref<3x32x8x800xi32, #tpu.memory_space<hbm>> -> memref<1x1x1x800xi32, #tpu.memory_space<hbm>>
    %dma_start3A_22 = tpu.memref_squeeze %dma_start3A_21 : memref<1x1x1x800xi32, #tpu.memory_space<hbm>> -> memref<800xi32, #tpu.memory_space<hbm>>
    tpu.enqueue_dma source(%dma_start3A_22 : memref<800xi32, #tpu.memory_space<hbm>>) target(%arg8 : memref<800xi32, #tpu.memory_space<vmem>>) target_semaphore(%arg47 : memref<!tpu.dma_semaphore, #tpu.memory_space<semaphore_mem>>)
    %dma_start3A_23 = arith.constant 0 : i32
    %dma_start3A_24 = arith.constant 2 : i32
    %dma_start3A_25 = arith.constant 0 : i32
    %dma_start3A_26 = tpu.memref_slice %arg4[%dma_start3A_23, %add3A, %dma_start3A_24, %dma_start3A_25] : memref<3x32x8x800xi32, #tpu.memory_space<hbm>> -> memref<1x1x1x800xi32, #tpu.memory_space<hbm>>
    %dma_start3A_27 = tpu.memref_squeeze %dma_start3A_26 : memref<1x1x1x800xi32, #tpu.memory_space<hbm>> -> memref<800xi32, #tpu.memory_space<hbm>>
    %dma_start3A_28 = arith.constant 0 : i32
    %dma_start3A_29 = tpu.memref_slice %arg4[%dma_start3A_23, %add3A, %dma_start3A_24, %dma_start3A_28] : memref<3x32x8x800xi32, #tpu.memory_space<hbm>> -> memref<1x1x1x800xi32, #tpu.memory_space<hbm>>
    %dma_start3A_30 = tpu.memref_squeeze %dma_start3A_29 : memref<1x1x1x800xi32, #tpu.memory_space<hbm>> -> memref<800xi32, #tpu.memory_space<hbm>>
    tpu.enqueue_dma source(%dma_start3A_30 : memref<800xi32, #tpu.memory_space<hbm>>) target(%arg9 : memref<800xi32, #tpu.memory_space<vmem>>) target_semaphore(%arg47 : memref<!tpu.dma_semaphore, #tpu.memory_space<semaphore_mem>>)
    %dma_start3A_31 = arith.constant 0 : i32
    %dma_start3A_32 = arith.constant 3 : i32
    %dma_start3A_33 = arith.constant 0 : i32
    %dma_start3A_34 = tpu.memref_slice %arg4[%dma_start3A_31, %add3A, %dma_start3A_32, %dma_start3A_33] : memref<3x32x8x800xi32, #tpu.memory_space<hbm>> -> memref<1x1x1x800xi32, #tpu.memory_space<hbm>>
    %dma_start3A_35 = tpu.memref_squeeze %dma_start3A_34 : memref<1x1x1x800xi32, #tpu.memory_space<hbm>> -> memref<800xi32, #tpu.memory_space<hbm>>
    %dma_start3A_36 = arith.constant 0 : i32
    %dma_start3A_37 = tpu.memref_slice %arg4[%dma_start3A_31, %add3A, %dma_start3A_32, %dma_start3A_36] : memref<3x32x8x800xi32, #tpu.memory_space<hbm>> -> memref<1x1x1x800xi32, #tpu.memory_space<hbm>>
    %dma_start3A_38 = tpu.memref_squeeze %dma_start3A_37 : memref<1x1x1x800xi32, #tpu.memory_space<hbm>> -> memref<800xi32, #tpu.memory_space<hbm>>
    tpu.enqueue_dma source(%dma_start3A_38 : memref<800xi32, #tpu.memory_space<hbm>>) target(%arg10 : memref<800xi32, #tpu.memory_space<vmem>>) target_semaphore(%arg47 : memref<!tpu.dma_semaphore, #tpu.memory_space<semaphore_mem>>)
    %dma_start3A_39 = arith.constant 0 : i32
    %dma_start3A_40 = arith.constant 4 : i32
    %dma_start3A_41 = arith.constant 0 : i32
    %dma_start3A_42 = tpu.memref_slice %arg4[%dma_start3A_39, %add3A, %dma_start3A_40, %dma_start3A_41] : memref<3x32x8x800xi32, #tpu.memory_space<hbm>> -> memref<1x1x1x800xi32, #tpu.memory_space<hbm>>
    %dma_start3A_43 = tpu.memref_squeeze %dma_start3A_42 : memref<1x1x1x800xi32, #tpu.memory_space<hbm>> -> memref<800xi32, #tpu.memory_space<hbm>>
    %dma_start3A_44 = arith.constant 0 : i32
    %dma_start3A_45 = tpu.memref_slice %arg4[%dma_start3A_39, %add3A, %dma_start3A_40, %dma_start3A_44] : memref<3x32x8x800xi32, #tpu.memory_space<hbm>> -> memref<1x1x1x800xi32, #tpu.memory_space<hbm>>
    %dma_start3A_46 = tpu.memref_squeeze %dma_start3A_45 : memref<1x1x1x800xi32, #tpu.memory_space<hbm>> -> memref<800xi32, #tpu.memory_space<hbm>>
    tpu.enqueue_dma source(%dma_start3A_46 : memref<800xi32, #tpu.memory_space<hbm>>) target(%arg11 : memref<800xi32, #tpu.memory_space<vmem>>) target_semaphore(%arg47 : memref<!tpu.dma_semaphore, #tpu.memory_space<semaphore_mem>>)
    %dma_start3A_47 = arith.constant 0 : i32
    %dma_start3A_48 = arith.constant 5 : i32
    %dma_start3A_49 = arith.constant 0 : i32
    %dma_start3A_50 = tpu.memref_slice %arg4[%dma_start3A_47, %add3A, %dma_start3A_48, %dma_start3A_49] : memref<3x32x8x800xi32, #tpu.memory_space<hbm>> -> memref<1x1x1x800xi32, #tpu.memory_space<hbm>>
    %dma_start3A_51 = tpu.memref_squeeze %dma_start3A_50 : memref<1x1x1x800xi32, #tpu.memory_space<hbm>> -> memref<800xi32, #tpu.memory_space<hbm>>
    %dma_start3A_52 = arith.constant 0 : i32
    %dma_start3A_53 = tpu.memref_slice %arg4[%dma_start3A_47, %add3A, %dma_start3A_48, %dma_start3A_52] : memref<3x32x8x800xi32, #tpu.memory_space<hbm>> -> memref<1x1x1x800xi32, #tpu.memory_space<hbm>>
    %dma_start3A_54 = tpu.memref_squeeze %dma_start3A_53 : memref<1x1x1x800xi32, #tpu.memory_space<hbm>> -> memref<800xi32, #tpu.memory_space<hbm>>
    tpu.enqueue_dma source(%dma_start3A_54 : memref<800xi32, #tpu.memory_space<hbm>>) target(%arg12 : memref<800xi32, #tpu.memory_space<vmem>>) target_semaphore(%arg47 : memref<!tpu.dma_semaphore, #tpu.memory_space<semaphore_mem>>)
    %dma_start3A_55 = arith.constant 0 : i32
    %dma_start3A_56 = arith.constant 6 : i32
    %dma_start3A_57 = arith.constant 0 : i32
    %dma_start3A_58 = tpu.memref_slice %arg4[%dma_start3A_55, %add3A, %dma_start3A_56, %dma_start3A_57] : memref<3x32x8x800xi32, #tpu.memory_space<hbm>> -> memref<1x1x1x800xi32, #tpu.memory_space<hbm>>
    %dma_start3A_59 = tpu.memref_squeeze %dma_start3A_58 : memref<1x1x1x800xi32, #tpu.memory_space<hbm>> -> memref<800xi32, #tpu.memory_space<hbm>>
    %dma_start3A_60 = arith.constant 0 : i32
    %dma_start3A_61 = tpu.memref_slice %arg4[%dma_start3A_55, %add3A, %dma_start3A_56, %dma_start3A_60] : memref<3x32x8x800xi32, #tpu.memory_space<hbm>> -> memref<1x1x1x800xi32, #tpu.memory_space<hbm>>
    %dma_start3A_62 = tpu.memref_squeeze %dma_start3A_61 : memref<1x1x1x800xi32, #tpu.memory_space<hbm>> -> memref<800xi32, #tpu.memory_space<hbm>>
    tpu.enqueue_dma source(%dma_start3A_62 : memref<800xi32, #tpu.memory_space<hbm>>) target(%arg13 : memref<800xi32, #tpu.memory_space<vmem>>) target_semaphore(%arg47 : memref<!tpu.dma_semaphore, #tpu.memory_space<semaphore_mem>>)
    %dma_start3A_63 = arith.constant 0 : i32
    %dma_start3A_64 = arith.constant 7 : i32
    %dma_start3A_65 = arith.constant 0 : i32
    %dma_start3A_66 = tpu.memref_slice %arg4[%dma_start3A_63, %add3A, %dma_start3A_64, %dma_start3A_65] : memref<3x32x8x800xi32, #tpu.memory_space<hbm>> -> memref<1x1x1x800xi32, #tpu.memory_space<hbm>>
    %dma_start3A_67 = tpu.memref_squeeze %dma_start3A_66 : memref<1x1x1x800xi32, #tpu.memory_space<hbm>> -> memref<800xi32, #tpu.memory_space<hbm>>
    %dma_start3A_68 = arith.constant 0 : i32
    %dma_start3A_69 = tpu.memref_slice %arg4[%dma_start3A_63, %add3A, %dma_start3A_64, %dma_start3A_68] : memref<3x32x8x800xi32, #tpu.memory_space<hbm>> -> memref<1x1x1x800xi32, #tpu.memory_space<hbm>>
    %dma_start3A_70 = tpu.memref_squeeze %dma_start3A_69 : memref<1x1x1x800xi32, #tpu.memory_space<hbm>> -> memref<800xi32, #tpu.memory_space<hbm>>
    tpu.enqueue_dma source(%dma_start3A_70 : memref<800xi32, #tpu.memory_space<hbm>>) target(%arg14 : memref<800xi32, #tpu.memory_space<vmem>>) target_semaphore(%arg47 : memref<!tpu.dma_semaphore, #tpu.memory_space<semaphore_mem>>)
    %dma_start3A_71 = arith.constant 1 : i32
    %dma_start3A_72 = arith.constant 0 : i32
    %dma_start3A_73 = arith.constant 0 : i32
    %dma_start3A_74 = tpu.memref_slice %arg4[%dma_start3A_71, %add3A, %dma_start3A_72, %dma_start3A_73] : memref<3x32x8x800xi32, #tpu.memory_space<hbm>> -> memref<1x1x1x800xi32, #tpu.memory_space<hbm>>
    %dma_start3A_75 = tpu.memref_squeeze %dma_start3A_74 : memref<1x1x1x800xi32, #tpu.memory_space<hbm>> -> memref<800xi32, #tpu.memory_space<hbm>>
    %dma_start3A_76 = arith.constant 0 : i32
    %dma_start3A_77 = tpu.memref_slice %arg4[%dma_start3A_71, %add3A, %dma_start3A_72, %dma_start3A_76] : memref<3x32x8x800xi32, #tpu.memory_space<hbm>> -> memref<1x1x1x800xi32, #tpu.memory_space<hbm>>
    %dma_start3A_78 = tpu.memref_squeeze %dma_start3A_77 : memref<1x1x1x800xi32, #tpu.memory_space<hbm>> -> memref<800xi32, #tpu.memory_space<hbm>>
    tpu.enqueue_dma source(%dma_start3A_78 : memref<800xi32, #tpu.memory_space<hbm>>) target(%arg15 : memref<800xi32, #tpu.memory_space<vmem>>) target_semaphore(%arg47 : memref<!tpu.dma_semaphore, #tpu.memory_space<semaphore_mem>>)
    %dma_start3A_79 = arith.constant 1 : i32
    %dma_start3A_80 = arith.constant 1 : i32
    %dma_start3A_81 = arith.constant 0 : i32
    %dma_start3A_82 = tpu.memref_slice %arg4[%dma_start3A_79, %add3A, %dma_start3A_80, %dma_start3A_81] : memref<3x32x8x800xi32, #tpu.memory_space<hbm>> -> memref<1x1x1x800xi32, #tpu.memory_space<hbm>>
    %dma_start3A_83 = tpu.memref_squeeze %dma_start3A_82 : memref<1x1x1x800xi32, #tpu.memory_space<hbm>> -> memref<800xi32, #tpu.memory_space<hbm>>
    %dma_start3A_84 = arith.constant 0 : i32
    %dma_start3A_85 = tpu.memref_slice %arg4[%dma_start3A_79, %add3A, %dma_start3A_80, %dma_start3A_84] : memref<3x32x8x800xi32, #tpu.memory_space<hbm>> -> memref<1x1x1x800xi32, #tpu.memory_space<hbm>>
    %dma_start3A_86 = tpu.memref_squeeze %dma_start3A_85 : memref<1x1x1x800xi32, #tpu.memory_space<hbm>> -> memref<800xi32, #tpu.memory_space<hbm>>
    tpu.enqueue_dma source(%dma_start3A_86 : memref<800xi32, #tpu.memory_space<hbm>>) target(%arg16 : memref<800xi32, #tpu.memory_space<vmem>>) target_semaphore(%arg47 : memref<!tpu.dma_semaphore, #tpu.memory_space<semaphore_mem>>)
    %dma_start3A_87 = arith.constant 1 : i32
    %dma_start3A_88 = arith.constant 2 : i32
    %dma_start3A_89 = arith.constant 0 : i32
    %dma_start3A_90 = tpu.memref_slice %arg4[%dma_start3A_87, %add3A, %dma_start3A_88, %dma_start3A_89] : memref<3x32x8x800xi32, #tpu.memory_space<hbm>> -> memref<1x1x1x800xi32, #tpu.memory_space<hbm>>
    %dma_start3A_91 = tpu.memref_squeeze %dma_start3A_90 : memref<1x1x1x800xi32, #tpu.memory_space<hbm>> -> memref<800xi32, #tpu.memory_space<hbm>>
    %dma_start3A_92 = arith.constant 0 : i32
    %dma_start3A_93 = tpu.memref_slice %arg4[%dma_start3A_87, %add3A, %dma_start3A_88, %dma_start3A_92] : memref<3x32x8x800xi32, #tpu.memory_space<hbm>> -> memref<1x1x1x800xi32, #tpu.memory_space<hbm>>
    %dma_start3A_94 = tpu.memref_squeeze %dma_start3A_93 : memref<1x1x1x800xi32, #tpu.memory_space<hbm>> -> memref<800xi32, #tpu.memory_space<hbm>>
    tpu.enqueue_dma source(%dma_start3A_94 : memref<800xi32, #tpu.memory_space<hbm>>) target(%arg17 : memref<800xi32, #tpu.memory_space<vmem>>) target_semaphore(%arg47 : memref<!tpu.dma_semaphore, #tpu.memory_space<semaphore_mem>>)
    %dma_start3A_95 = arith.constant 1 : i32
    %dma_start3A_96 = arith.constant 3 : i32
    %dma_start3A_97 = arith.constant 0 : i32
    %dma_start3A_98 = tpu.memref_slice %arg4[%dma_start3A_95, %add3A, %dma_start3A_96, %dma_start3A_97] : memref<3x32x8x800xi32, #tpu.memory_space<hbm>> -> memref<1x1x1x800xi32, #tpu.memory_space<hbm>>
    %dma_start3A_99 = tpu.memref_squeeze %dma_start3A_98 : memref<1x1x1x800xi32, #tpu.memory_space<hbm>> -> memref<800xi32, #tpu.memory_space<hbm>>
    %dma_start3A_100 = arith.constant 0 : i32
    %dma_start3A_101 = tpu.memref_slice %arg4[%dma_start3A_95, %add3A, %dma_start3A_96, %dma_start3A_100] : memref<3x32x8x800xi32, #tpu.memory_space<hbm>> -> memref<1x1x1x800xi32, #tpu.memory_space<hbm>>
    %dma_start3A_102 = tpu.memref_squeeze %dma_start3A_101 : memref<1x1x1x800xi32, #tpu.memory_space<hbm>> -> memref<800xi32, #tpu.memory_space<hbm>>
    tpu.enqueue_dma source(%dma_start3A_102 : memref<800xi32, #tpu.memory_space<hbm>>) target(%arg18 : memref<800xi32, #tpu.memory_space<vmem>>) target_semaphore(%arg47 : memref<!tpu.dma_semaphore, #tpu.memory_space<semaphore_mem>>)
    %dma_start3A_103 = arith.constant 1 : i32
    %dma_start3A_104 = arith.constant 4 : i32
    %dma_start3A_105 = arith.constant 0 : i32
    %dma_start3A_106 = tpu.memref_slice %arg4[%dma_start3A_103, %add3A, %dma_start3A_104, %dma_start3A_105] : memref<3x32x8x800xi32, #tpu.memory_space<hbm>> -> memref<1x1x1x800xi32, #tpu.memory_space<hbm>>
    %dma_start3A_107 = tpu.memref_squeeze %dma_start3A_106 : memref<1x1x1x800xi32, #tpu.memory_space<hbm>> -> memref<800xi32, #tpu.memory_space<hbm>>
    %dma_start3A_108 = arith.constant 0 : i32
    %dma_start3A_109 = tpu.memref_slice %arg4[%dma_start3A_103, %add3A, %dma_start3A_104, %dma_start3A_108] : memref<3x32x8x800xi32, #tpu.memory_space<hbm>> -> memref<1x1x1x800xi32, #tpu.memory_space<hbm>>
    %dma_start3A_110 = tpu.memref_squeeze %dma_start3A_109 : memref<1x1x1x800xi32, #tpu.memory_space<hbm>> -> memref<800xi32, #tpu.memory_space<hbm>>
    tpu.enqueue_dma source(%dma_start3A_110 : memref<800xi32, #tpu.memory_space<hbm>>) target(%arg19 : memref<800xi32, #tpu.memory_space<vmem>>) target_semaphore(%arg47 : memref<!tpu.dma_semaphore, #tpu.memory_space<semaphore_mem>>)
    %dma_start3A_111 = arith.constant 1 : i32
    %dma_start3A_112 = arith.constant 5 : i32
    %dma_start3A_113 = arith.constant 0 : i32
    %dma_start3A_114 = tpu.memref_slice %arg4[%dma_start3A_111, %add3A, %dma_start3A_112, %dma_start3A_113] : memref<3x32x8x800xi32, #tpu.memory_space<hbm>> -> memref<1x1x1x800xi32, #tpu.memory_space<hbm>>
    %dma_start3A_115 = tpu.memref_squeeze %dma_start3A_114 : memref<1x1x1x800xi32, #tpu.memory_space<hbm>> -> memref<800xi32, #tpu.memory_space<hbm>>
    %dma_start3A_116 = arith.constant 0 : i32
    %dma_start3A_117 = tpu.memref_slice %arg4[%dma_start3A_111, %add3A, %dma_start3A_112, %dma_start3A_116] : memref<3x32x8x800xi32, #tpu.memory_space<hbm>> -> memref<1x1x1x800xi32, #tpu.memory_space<hbm>>
    %dma_start3A_118 = tpu.memref_squeeze %dma_start3A_117 : memref<1x1x1x800xi32, #tpu.memory_space<hbm>> -> memref<800xi32, #tpu.memory_space<hbm>>
    tpu.enqueue_dma source(%dma_start3A_118 : memref<800xi32, #tpu.memory_space<hbm>>) target(%arg20 : memref<800xi32, #tpu.memory_space<vmem>>) target_semaphore(%arg47 : memref<!tpu.dma_semaphore, #tpu.memory_space<semaphore_mem>>)
    %dma_start3A_119 = arith.constant 1 : i32
    %dma_start3A_120 = arith.constant 6 : i32
    %dma_start3A_121 = arith.constant 0 : i32
    %dma_start3A_122 = tpu.memref_slice %arg4[%dma_start3A_119, %add3A, %dma_start3A_120, %dma_start3A_121] : memref<3x32x8x800xi32, #tpu.memory_space<hbm>> -> memref<1x1x1x800xi32, #tpu.memory_space<hbm>>
    %dma_start3A_123 = tpu.memref_squeeze %dma_start3A_122 : memref<1x1x1x800xi32, #tpu.memory_space<hbm>> -> memref<800xi32, #tpu.memory_space<hbm>>
    %dma_start3A_124 = arith.constant 0 : i32
    %dma_start3A_125 = tpu.memref_slice %arg4[%dma_start3A_119, %add3A, %dma_start3A_120, %dma_start3A_124] : memref<3x32x8x800xi32, #tpu.memory_space<hbm>> -> memref<1x1x1x800xi32, #tpu.memory_space<hbm>>
    %dma_start3A_126 = tpu.memref_squeeze %dma_start3A_125 : memref<1x1x1x800xi32, #tpu.memory_space<hbm>> -> memref<800xi32, #tpu.memory_space<hbm>>
    tpu.enqueue_dma source(%dma_start3A_126 : memref<800xi32, #tpu.memory_space<hbm>>) target(%arg21 : memref<800xi32, #tpu.memory_space<vmem>>) target_semaphore(%arg47 : memref<!tpu.dma_semaphore, #tpu.memory_space<semaphore_mem>>)
    %dma_start3A_127 = arith.constant 1 : i32
    %dma_start3A_128 = arith.constant 7 : i32
    %dma_start3A_129 = arith.constant 0 : i32
    %dma_start3A_130 = tpu.memref_slice %arg4[%dma_start3A_127, %add3A, %dma_start3A_128, %dma_start3A_129] : memref<3x32x8x800xi32, #tpu.memory_space<hbm>> -> memref<1x1x1x800xi32, #tpu.memory_space<hbm>>
    %dma_start3A_131 = tpu.memref_squeeze %dma_start3A_130 : memref<1x1x1x800xi32, #tpu.memory_space<hbm>> -> memref<800xi32, #tpu.memory_space<hbm>>
    %dma_start3A_132 = arith.constant 0 : i32
    %dma_start3A_133 = tpu.memref_slice %arg4[%dma_start3A_127, %add3A, %dma_start3A_128, %dma_start3A_132] : memref<3x32x8x800xi32, #tpu.memory_space<hbm>> -> memref<1x1x1x800xi32, #tpu.memory_space<hbm>>
    %dma_start3A_134 = tpu.memref_squeeze %dma_start3A_133 : memref<1x1x1x800xi32, #tpu.memory_space<hbm>> -> memref<800xi32, #tpu.memory_space<hbm>>
    tpu.enqueue_dma source(%dma_start3A_134 : memref<800xi32, #tpu.memory_space<hbm>>) target(%arg22 : memref<800xi32, #tpu.memory_space<vmem>>) target_semaphore(%arg47 : memref<!tpu.dma_semaphore, #tpu.memory_space<semaphore_mem>>)
    %dma_start3A_135 = arith.constant 2 : i32
    %dma_start3A_136 = arith.constant 0 : i32
    %dma_start3A_137 = arith.constant 0 : i32
    %dma_start3A_138 = tpu.memref_slice %arg4[%dma_start3A_135, %add3A, %dma_start3A_136, %dma_start3A_137] : memref<3x32x8x800xi32, #tpu.memory_space<hbm>> -> memref<1x1x1x800xi32, #tpu.memory_space<hbm>>
    %dma_start3A_139 = tpu.memref_squeeze %dma_start3A_138 : memref<1x1x1x800xi32, #tpu.memory_space<hbm>> -> memref<800xi32, #tpu.memory_space<hbm>>
    %dma_start3A_140 = arith.constant 0 : i32
    %dma_start3A_141 = tpu.memref_slice %arg4[%dma_start3A_135, %add3A, %dma_start3A_136, %dma_start3A_140] : memref<3x32x8x800xi32, #tpu.memory_space<hbm>> -> memref<1x1x1x800xi32, #tpu.memory_space<hbm>>
    %dma_start3A_142 = tpu.memref_squeeze %dma_start3A_141 : memref<1x1x1x800xi32, #tpu.memory_space<hbm>> -> memref<800xi32, #tpu.memory_space<hbm>>
    tpu.enqueue_dma source(%dma_start3A_142 : memref<800xi32, #tpu.memory_space<hbm>>) target(%arg23 : memref<800xi32, #tpu.memory_space<vmem>>) target_semaphore(%arg47 : memref<!tpu.dma_semaphore, #tpu.memory_space<semaphore_mem>>)
    %dma_start3A_143 = arith.constant 2 : i32
    %dma_start3A_144 = arith.constant 1 : i32
    %dma_start3A_145 = arith.constant 0 : i32
    %dma_start3A_146 = tpu.memref_slice %arg4[%dma_start3A_143, %add3A, %dma_start3A_144, %dma_start3A_145] : memref<3x32x8x800xi32, #tpu.memory_space<hbm>> -> memref<1x1x1x800xi32, #tpu.memory_space<hbm>>
    %dma_start3A_147 = tpu.memref_squeeze %dma_start3A_146 : memref<1x1x1x800xi32, #tpu.memory_space<hbm>> -> memref<800xi32, #tpu.memory_space<hbm>>
    %dma_start3A_148 = arith.constant 0 : i32
    %dma_start3A_149 = tpu.memref_slice %arg4[%dma_start3A_143, %add3A, %dma_start3A_144, %dma_start3A_148] : memref<3x32x8x800xi32, #tpu.memory_space<hbm>> -> memref<1x1x1x800xi32, #tpu.memory_space<hbm>>
    %dma_start3A_150 = tpu.memref_squeeze %dma_start3A_149 : memref<1x1x1x800xi32, #tpu.memory_space<hbm>> -> memref<800xi32, #tpu.memory_space<hbm>>
    tpu.enqueue_dma source(%dma_start3A_150 : memref<800xi32, #tpu.memory_space<hbm>>) target(%arg24 : memref<800xi32, #tpu.memory_space<vmem>>) target_semaphore(%arg47 : memref<!tpu.dma_semaphore, #tpu.memory_space<semaphore_mem>>)
    %dma_start3A_151 = arith.constant 2 : i32
    %dma_start3A_152 = arith.constant 2 : i32
    %dma_start3A_153 = arith.constant 0 : i32
    %dma_start3A_154 = tpu.memref_slice %arg4[%dma_start3A_151, %add3A, %dma_start3A_152, %dma_start3A_153] : memref<3x32x8x800xi32, #tpu.memory_space<hbm>> -> memref<1x1x1x800xi32, #tpu.memory_space<hbm>>
    %dma_start3A_155 = tpu.memref_squeeze %dma_start3A_154 : memref<1x1x1x800xi32, #tpu.memory_space<hbm>> -> memref<800xi32, #tpu.memory_space<hbm>>
    %dma_start3A_156 = arith.constant 0 : i32
    %dma_start3A_157 = tpu.memref_slice %arg4[%dma_start3A_151, %add3A, %dma_start3A_152, %dma_start3A_156] : memref<3x32x8x800xi32, #tpu.memory_space<hbm>> -> memref<1x1x1x800xi32, #tpu.memory_space<hbm>>
    %dma_start3A_158 = tpu.memref_squeeze %dma_start3A_157 : memref<1x1x1x800xi32, #tpu.memory_space<hbm>> -> memref<800xi32, #tpu.memory_space<hbm>>
    tpu.enqueue_dma source(%dma_start3A_158 : memref<800xi32, #tpu.memory_space<hbm>>) target(%arg25 : memref<800xi32, #tpu.memory_space<vmem>>) target_semaphore(%arg47 : memref<!tpu.dma_semaphore, #tpu.memory_space<semaphore_mem>>)
    %dma_start3A_159 = arith.constant 2 : i32
    %dma_start3A_160 = arith.constant 3 : i32
    %dma_start3A_161 = arith.constant 0 : i32
    %dma_start3A_162 = tpu.memref_slice %arg4[%dma_start3A_159, %add3A, %dma_start3A_160, %dma_start3A_161] : memref<3x32x8x800xi32, #tpu.memory_space<hbm>> -> memref<1x1x1x800xi32, #tpu.memory_space<hbm>>
    %dma_start3A_163 = tpu.memref_squeeze %dma_start3A_162 : memref<1x1x1x800xi32, #tpu.memory_space<hbm>> -> memref<800xi32, #tpu.memory_space<hbm>>
    %dma_start3A_164 = arith.constant 0 : i32
    %dma_start3A_165 = tpu.memref_slice %arg4[%dma_start3A_159, %add3A, %dma_start3A_160, %dma_start3A_164] : memref<3x32x8x800xi32, #tpu.memory_space<hbm>> -> memref<1x1x1x800xi32, #tpu.memory_space<hbm>>
    %dma_start3A_166 = tpu.memref_squeeze %dma_start3A_165 : memref<1x1x1x800xi32, #tpu.memory_space<hbm>> -> memref<800xi32, #tpu.memory_space<hbm>>
    tpu.enqueue_dma source(%dma_start3A_166 : memref<800xi32, #tpu.memory_space<hbm>>) target(%arg26 : memref<800xi32, #tpu.memory_space<vmem>>) target_semaphore(%arg47 : memref<!tpu.dma_semaphore, #tpu.memory_space<semaphore_mem>>)
    %dma_start3A_167 = arith.constant 2 : i32
    %dma_start3A_168 = arith.constant 4 : i32
    %dma_start3A_169 = arith.constant 0 : i32
    %dma_start3A_170 = tpu.memref_slice %arg4[%dma_start3A_167, %add3A, %dma_start3A_168, %dma_start3A_169] : memref<3x32x8x800xi32, #tpu.memory_space<hbm>> -> memref<1x1x1x800xi32, #tpu.memory_space<hbm>>
    %dma_start3A_171 = tpu.memref_squeeze %dma_start3A_170 : memref<1x1x1x800xi32, #tpu.memory_space<hbm>> -> memref<800xi32, #tpu.memory_space<hbm>>
    %dma_start3A_172 = arith.constant 0 : i32
    %dma_start3A_173 = tpu.memref_slice %arg4[%dma_start3A_167, %add3A, %dma_start3A_168, %dma_start3A_172] : memref<3x32x8x800xi32, #tpu.memory_space<hbm>> -> memref<1x1x1x800xi32, #tpu.memory_space<hbm>>
    %dma_start3A_174 = tpu.memref_squeeze %dma_start3A_173 : memref<1x1x1x800xi32, #tpu.memory_space<hbm>> -> memref<800xi32, #tpu.memory_space<hbm>>
    tpu.enqueue_dma source(%dma_start3A_174 : memref<800xi32, #tpu.memory_space<hbm>>) target(%arg27 : memref<800xi32, #tpu.memory_space<vmem>>) target_semaphore(%arg47 : memref<!tpu.dma_semaphore, #tpu.memory_space<semaphore_mem>>)
    %dma_start3A_175 = arith.constant 2 : i32
    %dma_start3A_176 = arith.constant 5 : i32
    %dma_start3A_177 = arith.constant 0 : i32
    %dma_start3A_178 = tpu.memref_slice %arg4[%dma_start3A_175, %add3A, %dma_start3A_176, %dma_start3A_177] : memref<3x32x8x800xi32, #tpu.memory_space<hbm>> -> memref<1x1x1x800xi32, #tpu.memory_space<hbm>>
    %dma_start3A_179 = tpu.memref_squeeze %dma_start3A_178 : memref<1x1x1x800xi32, #tpu.memory_space<hbm>> -> memref<800xi32, #tpu.memory_space<hbm>>
    %dma_start3A_180 = arith.constant 0 : i32
    %dma_start3A_181 = tpu.memref_slice %arg4[%dma_start3A_175, %add3A, %dma_start3A_176, %dma_start3A_180] : memref<3x32x8x800xi32, #tpu.memory_space<hbm>> -> memref<1x1x1x800xi32, #tpu.memory_space<hbm>>
    %dma_start3A_182 = tpu.memref_squeeze %dma_start3A_181 : memref<1x1x1x800xi32, #tpu.memory_space<hbm>> -> memref<800xi32, #tpu.memory_space<hbm>>
    tpu.enqueue_dma source(%dma_start3A_182 : memref<800xi32, #tpu.memory_space<hbm>>) target(%arg28 : memref<800xi32, #tpu.memory_space<vmem>>) target_semaphore(%arg47 : memref<!tpu.dma_semaphore, #tpu.memory_space<semaphore_mem>>)
    %dma_start3A_183 = arith.constant 2 : i32
    %dma_start3A_184 = arith.constant 6 : i32
    %dma_start3A_185 = arith.constant 0 : i32
    %dma_start3A_186 = tpu.memref_slice %arg4[%dma_start3A_183, %add3A, %dma_start3A_184, %dma_start3A_185] : memref<3x32x8x800xi32, #tpu.memory_space<hbm>> -> memref<1x1x1x800xi32, #tpu.memory_space<hbm>>
    %dma_start3A_187 = tpu.memref_squeeze %dma_start3A_186 : memref<1x1x1x800xi32, #tpu.memory_space<hbm>> -> memref<800xi32, #tpu.memory_space<hbm>>
    %dma_start3A_188 = arith.constant 0 : i32
    %dma_start3A_189 = tpu.memref_slice %arg4[%dma_start3A_183, %add3A, %dma_start3A_184, %dma_start3A_188] : memref<3x32x8x800xi32, #tpu.memory_space<hbm>> -> memref<1x1x1x800xi32, #tpu.memory_space<hbm>>
    %dma_start3A_190 = tpu.memref_squeeze %dma_start3A_189 : memref<1x1x1x800xi32, #tpu.memory_space<hbm>> -> memref<800xi32, #tpu.memory_space<hbm>>
    tpu.enqueue_dma source(%dma_start3A_190 : memref<800xi32, #tpu.memory_space<hbm>>) target(%arg29 : memref<800xi32, #tpu.memory_space<vmem>>) target_semaphore(%arg47 : memref<!tpu.dma_semaphore, #tpu.memory_space<semaphore_mem>>)
    %dma_start3A_191 = arith.constant 2 : i32
    %dma_start3A_192 = arith.constant 7 : i32
    %dma_start3A_193 = arith.constant 0 : i32
    %dma_start3A_194 = tpu.memref_slice %arg4[%dma_start3A_191, %add3A, %dma_start3A_192, %dma_start3A_193] : memref<3x32x8x800xi32, #tpu.memory_space<hbm>> -> memref<1x1x1x800xi32, #tpu.memory_space<hbm>>
    %dma_start3A_195 = tpu.memref_squeeze %dma_start3A_194 : memref<1x1x1x800xi32, #tpu.memory_space<hbm>> -> memref<800xi32, #tpu.memory_space<hbm>>
    %dma_start3A_196 = arith.constant 0 : i32
    %dma_start3A_197 = tpu.memref_slice %arg4[%dma_start3A_191, %add3A, %dma_start3A_192, %dma_start3A_196] : memref<3x32x8x800xi32, #tpu.memory_space<hbm>> -> memref<1x1x1x800xi32, #tpu.memory_space<hbm>>
    %dma_start3A_198 = tpu.memref_squeeze %dma_start3A_197 : memref<1x1x1x800xi32, #tpu.memory_space<hbm>> -> memref<800xi32, #tpu.memory_space<hbm>>
    tpu.enqueue_dma source(%dma_start3A_198 : memref<800xi32, #tpu.memory_space<hbm>>) target(%arg30 : memref<800xi32, #tpu.memory_space<vmem>>) target_semaphore(%arg47 : memref<!tpu.dma_semaphore, #tpu.memory_space<semaphore_mem>>)
    %dma_wait3A = arith.constant 0 : i32
    %dma_wait3A_199 = arith.constant 0 : i32
    %dma_wait3A_200 = arith.constant 0 : i32
    %dma_wait3A_201 = tpu.memref_slice %arg4[%dma_wait3A, %add3A, %dma_wait3A_199, %dma_wait3A_200] : memref<3x32x8x800xi32, #tpu.memory_space<hbm>> -> memref<1x1x1x800xi32, #tpu.memory_space<hbm>>
    %dma_wait3A_202 = tpu.memref_squeeze %dma_wait3A_201 : memref<1x1x1x800xi32, #tpu.memory_space<hbm>> -> memref<800xi32, #tpu.memory_space<hbm>>
    %dma_wait3A_203 = arith.constant 0 : i32
    %dma_wait3A_204 = tpu.memref_slice %arg4[%dma_wait3A, %add3A, %dma_wait3A_199, %dma_wait3A_203] : memref<3x32x8x800xi32, #tpu.memory_space<hbm>> -> memref<1x1x1x800xi32, #tpu.memory_space<hbm>>
    %dma_wait3A_205 = tpu.memref_squeeze %dma_wait3A_204 : memref<1x1x1x800xi32, #tpu.memory_space<hbm>> -> memref<800xi32, #tpu.memory_space<hbm>>
    tpu.wait_dma2 semaphore(%arg47 : memref<!tpu.dma_semaphore, #tpu.memory_space<semaphore_mem>>) src(%dma_wait3A_205 : memref<800xi32, #tpu.memory_space<hbm>>) dst(%arg7 : memref<800xi32, #tpu.memory_space<vmem>>)
    %dma_wait3A_206 = arith.constant 0 : i32
    %dma_wait3A_207 = arith.constant 1 : i32
    %dma_wait3A_208 = arith.constant 0 : i32
    %dma_wait3A_209 = tpu.memref_slice %arg4[%dma_wait3A_206, %add3A, %dma_wait3A_207, %dma_wait3A_208] : memref<3x32x8x800xi32, #tpu.memory_space<hbm>> -> memref<1x1x1x800xi32, #tpu.memory_space<hbm>>
    %dma_wait3A_210 = tpu.memref_squeeze %dma_wait3A_209 : memref<1x1x1x800xi32, #tpu.memory_space<hbm>> -> memref<800xi32, #tpu.memory_space<hbm>>
    %dma_wait3A_211 = arith.constant 0 : i32
    %dma_wait3A_212 = tpu.memref_slice %arg4[%dma_wait3A_206, %add3A, %dma_wait3A_207, %dma_wait3A_211] : memref<3x32x8x800xi32, #tpu.memory_space<hbm>> -> memref<1x1x1x800xi32, #tpu.memory_space<hbm>>
    %dma_wait3A_213 = tpu.memref_squeeze %dma_wait3A_212 : memref<1x1x1x800xi32, #tpu.memory_space<hbm>> -> memref<800xi32, #tpu.memory_space<hbm>>
    tpu.wait_dma2 semaphore(%arg47 : memref<!tpu.dma_semaphore, #tpu.memory_space<semaphore_mem>>) src(%dma_wait3A_213 : memref<800xi32, #tpu.memory_space<hbm>>) dst(%arg8 : memref<800xi32, #tpu.memory_space<vmem>>)
    %dma_wait3A_214 = arith.constant 0 : i32
    %dma_wait3A_215 = arith.constant 2 : i32
    %dma_wait3A_216 = arith.constant 0 : i32
    %dma_wait3A_217 = tpu.memref_slice %arg4[%dma_wait3A_214, %add3A, %dma_wait3A_215, %dma_wait3A_216] : memref<3x32x8x800xi32, #tpu.memory_space<hbm>> -> memref<1x1x1x800xi32, #tpu.memory_space<hbm>>
    %dma_wait3A_218 = tpu.memref_squeeze %dma_wait3A_217 : memref<1x1x1x800xi32, #tpu.memory_space<hbm>> -> memref<800xi32, #tpu.memory_space<hbm>>
    %dma_wait3A_219 = arith.constant 0 : i32
    %dma_wait3A_220 = tpu.memref_slice %arg4[%dma_wait3A_214, %add3A, %dma_wait3A_215, %dma_wait3A_219] : memref<3x32x8x800xi32, #tpu.memory_space<hbm>> -> memref<1x1x1x800xi32, #tpu.memory_space<hbm>>
    %dma_wait3A_221 = tpu.memref_squeeze %dma_wait3A_220 : memref<1x1x1x800xi32, #tpu.memory_space<hbm>> -> memref<800xi32, #tpu.memory_space<hbm>>
    tpu.wait_dma2 semaphore(%arg47 : memref<!tpu.dma_semaphore, #tpu.memory_space<semaphore_mem>>) src(%dma_wait3A_221 : memref<800xi32, #tpu.memory_space<hbm>>) dst(%arg9 : memref<800xi32, #tpu.memory_space<vmem>>)
    %dma_wait3A_222 = arith.constant 0 : i32
    %dma_wait3A_223 = arith.constant 3 : i32
    %dma_wait3A_224 = arith.constant 0 : i32
    %dma_wait3A_225 = tpu.memref_slice %arg4[%dma_wait3A_222, %add3A, %dma_wait3A_223, %dma_wait3A_224] : memref<3x32x8x800xi32, #tpu.memory_space<hbm>> -> memref<1x1x1x800xi32, #tpu.memory_space<hbm>>
    %dma_wait3A_226 = tpu.memref_squeeze %dma_wait3A_225 : memref<1x1x1x800xi32, #tpu.memory_space<hbm>> -> memref<800xi32, #tpu.memory_space<hbm>>
    %dma_wait3A_227 = arith.constant 0 : i32
    %dma_wait3A_228 = tpu.memref_slice %arg4[%dma_wait3A_222, %add3A, %dma_wait3A_223, %dma_wait3A_227] : memref<3x32x8x800xi32, #tpu.memory_space<hbm>> -> memref<1x1x1x800xi32, #tpu.memory_space<hbm>>
    %dma_wait3A_229 = tpu.memref_squeeze %dma_wait3A_228 : memref<1x1x1x800xi32, #tpu.memory_space<hbm>> -> memref<800xi32, #tpu.memory_space<hbm>>
    tpu.wait_dma2 semaphore(%arg47 : memref<!tpu.dma_semaphore, #tpu.memory_space<semaphore_mem>>) src(%dma_wait3A_229 : memref<800xi32, #tpu.memory_space<hbm>>) dst(%arg10 : memref<800xi32, #tpu.memory_space<vmem>>)
    %dma_wait3A_230 = arith.constant 0 : i32
    %dma_wait3A_231 = arith.constant 4 : i32
    %dma_wait3A_232 = arith.constant 0 : i32
    %dma_wait3A_233 = tpu.memref_slice %arg4[%dma_wait3A_230, %add3A, %dma_wait3A_231, %dma_wait3A_232] : memref<3x32x8x800xi32, #tpu.memory_space<hbm>> -> memref<1x1x1x800xi32, #tpu.memory_space<hbm>>
    %dma_wait3A_234 = tpu.memref_squeeze %dma_wait3A_233 : memref<1x1x1x800xi32, #tpu.memory_space<hbm>> -> memref<800xi32, #tpu.memory_space<hbm>>
    %dma_wait3A_235 = arith.constant 0 : i32
    %dma_wait3A_236 = tpu.memref_slice %arg4[%dma_wait3A_230, %add3A, %dma_wait3A_231, %dma_wait3A_235] : memref<3x32x8x800xi32, #tpu.memory_space<hbm>> -> memref<1x1x1x800xi32, #tpu.memory_space<hbm>>
    %dma_wait3A_237 = tpu.memref_squeeze %dma_wait3A_236 : memref<1x1x1x800xi32, #tpu.memory_space<hbm>> -> memref<800xi32, #tpu.memory_space<hbm>>
    tpu.wait_dma2 semaphore(%arg47 : memref<!tpu.dma_semaphore, #tpu.memory_space<semaphore_mem>>) src(%dma_wait3A_237 : memref<800xi32, #tpu.memory_space<hbm>>) dst(%arg11 : memref<800xi32, #tpu.memory_space<vmem>>)
    %dma_wait3A_238 = arith.constant 0 : i32
    %dma_wait3A_239 = arith.constant 5 : i32
    %dma_wait3A_240 = arith.constant 0 : i32
    %dma_wait3A_241 = tpu.memref_slice %arg4[%dma_wait3A_238, %add3A, %dma_wait3A_239, %dma_wait3A_240] : memref<3x32x8x800xi32, #tpu.memory_space<hbm>> -> memref<1x1x1x800xi32, #tpu.memory_space<hbm>>
    %dma_wait3A_242 = tpu.memref_squeeze %dma_wait3A_241 : memref<1x1x1x800xi32, #tpu.memory_space<hbm>> -> memref<800xi32, #tpu.memory_space<hbm>>
    %dma_wait3A_243 = arith.constant 0 : i32
    %dma_wait3A_244 = tpu.memref_slice %arg4[%dma_wait3A_238, %add3A, %dma_wait3A_239, %dma_wait3A_243] : memref<3x32x8x800xi32, #tpu.memory_space<hbm>> -> memref<1x1x1x800xi32, #tpu.memory_space<hbm>>
    %dma_wait3A_245 = tpu.memref_squeeze %dma_wait3A_244 : memref<1x1x1x800xi32, #tpu.memory_space<hbm>> -> memref<800xi32, #tpu.memory_space<hbm>>
    tpu.wait_dma2 semaphore(%arg47 : memref<!tpu.dma_semaphore, #tpu.memory_space<semaphore_mem>>) src(%dma_wait3A_245 : memref<800xi32, #tpu.memory_space<hbm>>) dst(%arg12 : memref<800xi32, #tpu.memory_space<vmem>>)
    %dma_wait3A_246 = arith.constant 0 : i32
    %dma_wait3A_247 = arith.constant 6 : i32
    %dma_wait3A_248 = arith.constant 0 : i32
    %dma_wait3A_249 = tpu.memref_slice %arg4[%dma_wait3A_246, %add3A, %dma_wait3A_247, %dma_wait3A_248] : memref<3x32x8x800xi32, #tpu.memory_space<hbm>> -> memref<1x1x1x800xi32, #tpu.memory_space<hbm>>
    %dma_wait3A_250 = tpu.memref_squeeze %dma_wait3A_249 : memref<1x1x1x800xi32, #tpu.memory_space<hbm>> -> memref<800xi32, #tpu.memory_space<hbm>>
    %dma_wait3A_251 = arith.constant 0 : i32
    %dma_wait3A_252 = tpu.memref_slice %arg4[%dma_wait3A_246, %add3A, %dma_wait3A_247, %dma_wait3A_251] : memref<3x32x8x800xi32, #tpu.memory_space<hbm>> -> memref<1x1x1x800xi32, #tpu.memory_space<hbm>>
    %dma_wait3A_253 = tpu.memref_squeeze %dma_wait3A_252 : memref<1x1x1x800xi32, #tpu.memory_space<hbm>> -> memref<800xi32, #tpu.memory_space<hbm>>
    tpu.wait_dma2 semaphore(%arg47 : memref<!tpu.dma_semaphore, #tpu.memory_space<semaphore_mem>>) src(%dma_wait3A_253 : memref<800xi32, #tpu.memory_space<hbm>>) dst(%arg13 : memref<800xi32, #tpu.memory_space<vmem>>)
    %dma_wait3A_254 = arith.constant 0 : i32
    %dma_wait3A_255 = arith.constant 7 : i32
    %dma_wait3A_256 = arith.constant 0 : i32
    %dma_wait3A_257 = tpu.memref_slice %arg4[%dma_wait3A_254, %add3A, %dma_wait3A_255, %dma_wait3A_256] : memref<3x32x8x800xi32, #tpu.memory_space<hbm>> -> memref<1x1x1x800xi32, #tpu.memory_space<hbm>>
    %dma_wait3A_258 = tpu.memref_squeeze %dma_wait3A_257 : memref<1x1x1x800xi32, #tpu.memory_space<hbm>> -> memref<800xi32, #tpu.memory_space<hbm>>
    %dma_wait3A_259 = arith.constant 0 : i32
    %dma_wait3A_260 = tpu.memref_slice %arg4[%dma_wait3A_254, %add3A, %dma_wait3A_255, %dma_wait3A_259] : memref<3x32x8x800xi32, #tpu.memory_space<hbm>> -> memref<1x1x1x800xi32, #tpu.memory_space<hbm>>
    %dma_wait3A_261 = tpu.memref_squeeze %dma_wait3A_260 : memref<1x1x1x800xi32, #tpu.memory_space<hbm>> -> memref<800xi32, #tpu.memory_space<hbm>>
    tpu.wait_dma2 semaphore(%arg47 : memref<!tpu.dma_semaphore, #tpu.memory_space<semaphore_mem>>) src(%dma_wait3A_261 : memref<800xi32, #tpu.memory_space<hbm>>) dst(%arg14 : memref<800xi32, #tpu.memory_space<vmem>>)
    %dma_wait3A_262 = arith.constant 1 : i32
    %dma_wait3A_263 = arith.constant 0 : i32
    %dma_wait3A_264 = arith.constant 0 : i32
    %dma_wait3A_265 = tpu.memref_slice %arg4[%dma_wait3A_262, %add3A, %dma_wait3A_263, %dma_wait3A_264] : memref<3x32x8x800xi32, #tpu.memory_space<hbm>> -> memref<1x1x1x800xi32, #tpu.memory_space<hbm>>
    %dma_wait3A_266 = tpu.memref_squeeze %dma_wait3A_265 : memref<1x1x1x800xi32, #tpu.memory_space<hbm>> -> memref<800xi32, #tpu.memory_space<hbm>>
    %dma_wait3A_267 = arith.constant 0 : i32
    %dma_wait3A_268 = tpu.memref_slice %arg4[%dma_wait3A_262, %add3A, %dma_wait3A_263, %dma_wait3A_267] : memref<3x32x8x800xi32, #tpu.memory_space<hbm>> -> memref<1x1x1x800xi32, #tpu.memory_space<hbm>>
    %dma_wait3A_269 = tpu.memref_squeeze %dma_wait3A_268 : memref<1x1x1x800xi32, #tpu.memory_space<hbm>> -> memref<800xi32, #tpu.memory_space<hbm>>
    tpu.wait_dma2 semaphore(%arg47 : memref<!tpu.dma_semaphore, #tpu.memory_space<semaphore_mem>>) src(%dma_wait3A_269 : memref<800xi32, #tpu.memory_space<hbm>>) dst(%arg15 : memref<800xi32, #tpu.memory_space<vmem>>)
    %dma_wait3A_270 = arith.constant 1 : i32
    %dma_wait3A_271 = arith.constant 1 : i32
    %dma_wait3A_272 = arith.constant 0 : i32
    %dma_wait3A_273 = tpu.memref_slice %arg4[%dma_wait3A_270, %add3A, %dma_wait3A_271, %dma_wait3A_272] : memref<3x32x8x800xi32, #tpu.memory_space<hbm>> -> memref<1x1x1x800xi32, #tpu.memory_space<hbm>>
    %dma_wait3A_274 = tpu.memref_squeeze %dma_wait3A_273 : memref<1x1x1x800xi32, #tpu.memory_space<hbm>> -> memref<800xi32, #tpu.memory_space<hbm>>
    %dma_wait3A_275 = arith.constant 0 : i32
    %dma_wait3A_276 = tpu.memref_slice %arg4[%dma_wait3A_270, %add3A, %dma_wait3A_271, %dma_wait3A_275] : memref<3x32x8x800xi32, #tpu.memory_space<hbm>> -> memref<1x1x1x800xi32, #tpu.memory_space<hbm>>
    %dma_wait3A_277 = tpu.memref_squeeze %dma_wait3A_276 : memref<1x1x1x800xi32, #tpu.memory_space<hbm>> -> memref<800xi32, #tpu.memory_space<hbm>>
    tpu.wait_dma2 semaphore(%arg47 : memref<!tpu.dma_semaphore, #tpu.memory_space<semaphore_mem>>) src(%dma_wait3A_277 : memref<800xi32, #tpu.memory_space<hbm>>) dst(%arg16 : memref<800xi32, #tpu.memory_space<vmem>>)
    %dma_wait3A_278 = arith.constant 1 : i32
    %dma_wait3A_279 = arith.constant 2 : i32
    %dma_wait3A_280 = arith.constant 0 : i32
    %dma_wait3A_281 = tpu.memref_slice %arg4[%dma_wait3A_278, %add3A, %dma_wait3A_279, %dma_wait3A_280] : memref<3x32x8x800xi32, #tpu.memory_space<hbm>> -> memref<1x1x1x800xi32, #tpu.memory_space<hbm>>
    %dma_wait3A_282 = tpu.memref_squeeze %dma_wait3A_281 : memref<1x1x1x800xi32, #tpu.memory_space<hbm>> -> memref<800xi32, #tpu.memory_space<hbm>>
    %dma_wait3A_283 = arith.constant 0 : i32
    %dma_wait3A_284 = tpu.memref_slice %arg4[%dma_wait3A_278, %add3A, %dma_wait3A_279, %dma_wait3A_283] : memref<3x32x8x800xi32, #tpu.memory_space<hbm>> -> memref<1x1x1x800xi32, #tpu.memory_space<hbm>>
    %dma_wait3A_285 = tpu.memref_squeeze %dma_wait3A_284 : memref<1x1x1x800xi32, #tpu.memory_space<hbm>> -> memref<800xi32, #tpu.memory_space<hbm>>
    tpu.wait_dma2 semaphore(%arg47 : memref<!tpu.dma_semaphore, #tpu.memory_space<semaphore_mem>>) src(%dma_wait3A_285 : memref<800xi32, #tpu.memory_space<hbm>>) dst(%arg17 : memref<800xi32, #tpu.memory_space<vmem>>)
    %dma_wait3A_286 = arith.constant 1 : i32
    %dma_wait3A_287 = arith.constant 3 : i32
    %dma_wait3A_288 = arith.constant 0 : i32
    %dma_wait3A_289 = tpu.memref_slice %arg4[%dma_wait3A_286, %add3A, %dma_wait3A_287, %dma_wait3A_288] : memref<3x32x8x800xi32, #tpu.memory_space<hbm>> -> memref<1x1x1x800xi32, #tpu.memory_space<hbm>>
    %dma_wait3A_290 = tpu.memref_squeeze %dma_wait3A_289 : memref<1x1x1x800xi32, #tpu.memory_space<hbm>> -> memref<800xi32, #tpu.memory_space<hbm>>
    %dma_wait3A_291 = arith.constant 0 : i32
    %dma_wait3A_292 = tpu.memref_slice %arg4[%dma_wait3A_286, %add3A, %dma_wait3A_287, %dma_wait3A_291] : memref<3x32x8x800xi32, #tpu.memory_space<hbm>> -> memref<1x1x1x800xi32, #tpu.memory_space<hbm>>
    %dma_wait3A_293 = tpu.memref_squeeze %dma_wait3A_292 : memref<1x1x1x800xi32, #tpu.memory_space<hbm>> -> memref<800xi32, #tpu.memory_space<hbm>>
    tpu.wait_dma2 semaphore(%arg47 : memref<!tpu.dma_semaphore, #tpu.memory_space<semaphore_mem>>) src(%dma_wait3A_293 : memref<800xi32, #tpu.memory_space<hbm>>) dst(%arg18 : memref<800xi32, #tpu.memory_space<vmem>>)
    %dma_wait3A_294 = arith.constant 1 : i32
    %dma_wait3A_295 = arith.constant 4 : i32
    %dma_wait3A_296 = arith.constant 0 : i32
    %dma_wait3A_297 = tpu.memref_slice %arg4[%dma_wait3A_294, %add3A, %dma_wait3A_295, %dma_wait3A_296] : memref<3x32x8x800xi32, #tpu.memory_space<hbm>> -> memref<1x1x1x800xi32, #tpu.memory_space<hbm>>
    %dma_wait3A_298 = tpu.memref_squeeze %dma_wait3A_297 : memref<1x1x1x800xi32, #tpu.memory_space<hbm>> -> memref<800xi32, #tpu.memory_space<hbm>>
    %dma_wait3A_299 = arith.constant 0 : i32
    %dma_wait3A_300 = tpu.memref_slice %arg4[%dma_wait3A_294, %add3A, %dma_wait3A_295, %dma_wait3A_299] : memref<3x32x8x800xi32, #tpu.memory_space<hbm>> -> memref<1x1x1x800xi32, #tpu.memory_space<hbm>>
    %dma_wait3A_301 = tpu.memref_squeeze %dma_wait3A_300 : memref<1x1x1x800xi32, #tpu.memory_space<hbm>> -> memref<800xi32, #tpu.memory_space<hbm>>
    tpu.wait_dma2 semaphore(%arg47 : memref<!tpu.dma_semaphore, #tpu.memory_space<semaphore_mem>>) src(%dma_wait3A_301 : memref<800xi32, #tpu.memory_space<hbm>>) dst(%arg19 : memref<800xi32, #tpu.memory_space<vmem>>)
    %dma_wait3A_302 = arith.constant 1 : i32
    %dma_wait3A_303 = arith.constant 5 : i32
    %dma_wait3A_304 = arith.constant 0 : i32
    %dma_wait3A_305 = tpu.memref_slice %arg4[%dma_wait3A_302, %add3A, %dma_wait3A_303, %dma_wait3A_304] : memref<3x32x8x800xi32, #tpu.memory_space<hbm>> -> memref<1x1x1x800xi32, #tpu.memory_space<hbm>>
    %dma_wait3A_306 = tpu.memref_squeeze %dma_wait3A_305 : memref<1x1x1x800xi32, #tpu.memory_space<hbm>> -> memref<800xi32, #tpu.memory_space<hbm>>
    %dma_wait3A_307 = arith.constant 0 : i32
    %dma_wait3A_308 = tpu.memref_slice %arg4[%dma_wait3A_302, %add3A, %dma_wait3A_303, %dma_wait3A_307] : memref<3x32x8x800xi32, #tpu.memory_space<hbm>> -> memref<1x1x1x800xi32, #tpu.memory_space<hbm>>
    %dma_wait3A_309 = tpu.memref_squeeze %dma_wait3A_308 : memref<1x1x1x800xi32, #tpu.memory_space<hbm>> -> memref<800xi32, #tpu.memory_space<hbm>>
    tpu.wait_dma2 semaphore(%arg47 : memref<!tpu.dma_semaphore, #tpu.memory_space<semaphore_mem>>) src(%dma_wait3A_309 : memref<800xi32, #tpu.memory_space<hbm>>) dst(%arg20 : memref<800xi32, #tpu.memory_space<vmem>>)
    %dma_wait3A_310 = arith.constant 1 : i32
    %dma_wait3A_311 = arith.constant 6 : i32
    %dma_wait3A_312 = arith.constant 0 : i32
    %dma_wait3A_313 = tpu.memref_slice %arg4[%dma_wait3A_310, %add3A, %dma_wait3A_311, %dma_wait3A_312] : memref<3x32x8x800xi32, #tpu.memory_space<hbm>> -> memref<1x1x1x800xi32, #tpu.memory_space<hbm>>
    %dma_wait3A_314 = tpu.memref_squeeze %dma_wait3A_313 : memref<1x1x1x800xi32, #tpu.memory_space<hbm>> -> memref<800xi32, #tpu.memory_space<hbm>>
    %dma_wait3A_315 = arith.constant 0 : i32
    %dma_wait3A_316 = tpu.memref_slice %arg4[%dma_wait3A_310, %add3A, %dma_wait3A_311, %dma_wait3A_315] : memref<3x32x8x800xi32, #tpu.memory_space<hbm>> -> memref<1x1x1x800xi32, #tpu.memory_space<hbm>>
    %dma_wait3A_317 = tpu.memref_squeeze %dma_wait3A_316 : memref<1x1x1x800xi32, #tpu.memory_space<hbm>> -> memref<800xi32, #tpu.memory_space<hbm>>
    tpu.wait_dma2 semaphore(%arg47 : memref<!tpu.dma_semaphore, #tpu.memory_space<semaphore_mem>>) src(%dma_wait3A_317 : memref<800xi32, #tpu.memory_space<hbm>>) dst(%arg21 : memref<800xi32, #tpu.memory_space<vmem>>)
    %dma_wait3A_318 = arith.constant 1 : i32
    %dma_wait3A_319 = arith.constant 7 : i32
    %dma_wait3A_320 = arith.constant 0 : i32
    %dma_wait3A_321 = tpu.memref_slice %arg4[%dma_wait3A_318, %add3A, %dma_wait3A_319, %dma_wait3A_320] : memref<3x32x8x800xi32, #tpu.memory_space<hbm>> -> memref<1x1x1x800xi32, #tpu.memory_space<hbm>>
    %dma_wait3A_322 = tpu.memref_squeeze %dma_wait3A_321 : memref<1x1x1x800xi32, #tpu.memory_space<hbm>> -> memref<800xi32, #tpu.memory_space<hbm>>
    %dma_wait3A_323 = arith.constant 0 : i32
    %dma_wait3A_324 = tpu.memref_slice %arg4[%dma_wait3A_318, %add3A, %dma_wait3A_319, %dma_wait3A_323] : memref<3x32x8x800xi32, #tpu.memory_space<hbm>> -> memref<1x1x1x800xi32, #tpu.memory_space<hbm>>
    %dma_wait3A_325 = tpu.memref_squeeze %dma_wait3A_324 : memref<1x1x1x800xi32, #tpu.memory_space<hbm>> -> memref<800xi32, #tpu.memory_space<hbm>>
    tpu.wait_dma2 semaphore(%arg47 : memref<!tpu.dma_semaphore, #tpu.memory_space<semaphore_mem>>) src(%dma_wait3A_325 : memref<800xi32, #tpu.memory_space<hbm>>) dst(%arg22 : memref<800xi32, #tpu.memory_space<vmem>>)
    %dma_wait3A_326 = arith.constant 2 : i32
    %dma_wait3A_327 = arith.constant 0 : i32
    %dma_wait3A_328 = arith.constant 0 : i32
    %dma_wait3A_329 = tpu.memref_slice %arg4[%dma_wait3A_326, %add3A, %dma_wait3A_327, %dma_wait3A_328] : memref<3x32x8x800xi32, #tpu.memory_space<hbm>> -> memref<1x1x1x800xi32, #tpu.memory_space<hbm>>
    %dma_wait3A_330 = tpu.memref_squeeze %dma_wait3A_329 : memref<1x1x1x800xi32, #tpu.memory_space<hbm>> -> memref<800xi32, #tpu.memory_space<hbm>>
    %dma_wait3A_331 = arith.constant 0 : i32
    %dma_wait3A_332 = tpu.memref_slice %arg4[%dma_wait3A_326, %add3A, %dma_wait3A_327, %dma_wait3A_331] : memref<3x32x8x800xi32, #tpu.memory_space<hbm>> -> memref<1x1x1x800xi32, #tpu.memory_space<hbm>>
    %dma_wait3A_333 = tpu.memref_squeeze %dma_wait3A_332 : memref<1x1x1x800xi32, #tpu.memory_space<hbm>> -> memref<800xi32, #tpu.memory_space<hbm>>
    tpu.wait_dma2 semaphore(%arg47 : memref<!tpu.dma_semaphore, #tpu.memory_space<semaphore_mem>>) src(%dma_wait3A_333 : memref<800xi32, #tpu.memory_space<hbm>>) dst(%arg23 : memref<800xi32, #tpu.memory_space<vmem>>)
    %dma_wait3A_334 = arith.constant 2 : i32
    %dma_wait3A_335 = arith.constant 1 : i32
    %dma_wait3A_336 = arith.constant 0 : i32
    %dma_wait3A_337 = tpu.memref_slice %arg4[%dma_wait3A_334, %add3A, %dma_wait3A_335, %dma_wait3A_336] : memref<3x32x8x800xi32, #tpu.memory_space<hbm>> -> memref<1x1x1x800xi32, #tpu.memory_space<hbm>>
    %dma_wait3A_338 = tpu.memref_squeeze %dma_wait3A_337 : memref<1x1x1x800xi32, #tpu.memory_space<hbm>> -> memref<800xi32, #tpu.memory_space<hbm>>
    %dma_wait3A_339 = arith.constant 0 : i32
    %dma_wait3A_340 = tpu.memref_slice %arg4[%dma_wait3A_334, %add3A, %dma_wait3A_335, %dma_wait3A_339] : memref<3x32x8x800xi32, #tpu.memory_space<hbm>> -> memref<1x1x1x800xi32, #tpu.memory_space<hbm>>
    %dma_wait3A_341 = tpu.memref_squeeze %dma_wait3A_340 : memref<1x1x1x800xi32, #tpu.memory_space<hbm>> -> memref<800xi32, #tpu.memory_space<hbm>>
    tpu.wait_dma2 semaphore(%arg47 : memref<!tpu.dma_semaphore, #tpu.memory_space<semaphore_mem>>) src(%dma_wait3A_341 : memref<800xi32, #tpu.memory_space<hbm>>) dst(%arg24 : memref<800xi32, #tpu.memory_space<vmem>>)
    %dma_wait3A_342 = arith.constant 2 : i32
    %dma_wait3A_343 = arith.constant 2 : i32
    %dma_wait3A_344 = arith.constant 0 : i32
    %dma_wait3A_345 = tpu.memref_slice %arg4[%dma_wait3A_342, %add3A, %dma_wait3A_343, %dma_wait3A_344] : memref<3x32x8x800xi32, #tpu.memory_space<hbm>> -> memref<1x1x1x800xi32, #tpu.memory_space<hbm>>
    %dma_wait3A_346 = tpu.memref_squeeze %dma_wait3A_345 : memref<1x1x1x800xi32, #tpu.memory_space<hbm>> -> memref<800xi32, #tpu.memory_space<hbm>>
    %dma_wait3A_347 = arith.constant 0 : i32
    %dma_wait3A_348 = tpu.memref_slice %arg4[%dma_wait3A_342, %add3A, %dma_wait3A_343, %dma_wait3A_347] : memref<3x32x8x800xi32, #tpu.memory_space<hbm>> -> memref<1x1x1x800xi32, #tpu.memory_space<hbm>>
    %dma_wait3A_349 = tpu.memref_squeeze %dma_wait3A_348 : memref<1x1x1x800xi32, #tpu.memory_space<hbm>> -> memref<800xi32, #tpu.memory_space<hbm>>
    tpu.wait_dma2 semaphore(%arg47 : memref<!tpu.dma_semaphore, #tpu.memory_space<semaphore_mem>>) src(%dma_wait3A_349 : memref<800xi32, #tpu.memory_space<hbm>>) dst(%arg25 : memref<800xi32, #tpu.memory_space<vmem>>)
    %dma_wait3A_350 = arith.constant 2 : i32
    %dma_wait3A_351 = arith.constant 3 : i32
    %dma_wait3A_352 = arith.constant 0 : i32
    %dma_wait3A_353 = tpu.memref_slice %arg4[%dma_wait3A_350, %add3A, %dma_wait3A_351, %dma_wait3A_352] : memref<3x32x8x800xi32, #tpu.memory_space<hbm>> -> memref<1x1x1x800xi32, #tpu.memory_space<hbm>>
    %dma_wait3A_354 = tpu.memref_squeeze %dma_wait3A_353 : memref<1x1x1x800xi32, #tpu.memory_space<hbm>> -> memref<800xi32, #tpu.memory_space<hbm>>
    %dma_wait3A_355 = arith.constant 0 : i32
    %dma_wait3A_356 = tpu.memref_slice %arg4[%dma_wait3A_350, %add3A, %dma_wait3A_351, %dma_wait3A_355] : memref<3x32x8x800xi32, #tpu.memory_space<hbm>> -> memref<1x1x1x800xi32, #tpu.memory_space<hbm>>
    %dma_wait3A_357 = tpu.memref_squeeze %dma_wait3A_356 : memref<1x1x1x800xi32, #tpu.memory_space<hbm>> -> memref<800xi32, #tpu.memory_space<hbm>>
    tpu.wait_dma2 semaphore(%arg47 : memref<!tpu.dma_semaphore, #tpu.memory_space<semaphore_mem>>) src(%dma_wait3A_357 : memref<800xi32, #tpu.memory_space<hbm>>) dst(%arg26 : memref<800xi32, #tpu.memory_space<vmem>>)
    %dma_wait3A_358 = arith.constant 2 : i32
    %dma_wait3A_359 = arith.constant 4 : i32
    %dma_wait3A_360 = arith.constant 0 : i32
    %dma_wait3A_361 = tpu.memref_slice %arg4[%dma_wait3A_358, %add3A, %dma_wait3A_359, %dma_wait3A_360] : memref<3x32x8x800xi32, #tpu.memory_space<hbm>> -> memref<1x1x1x800xi32, #tpu.memory_space<hbm>>
    %dma_wait3A_362 = tpu.memref_squeeze %dma_wait3A_361 : memref<1x1x1x800xi32, #tpu.memory_space<hbm>> -> memref<800xi32, #tpu.memory_space<hbm>>
    %dma_wait3A_363 = arith.constant 0 : i32
    %dma_wait3A_364 = tpu.memref_slice %arg4[%dma_wait3A_358, %add3A, %dma_wait3A_359, %dma_wait3A_363] : memref<3x32x8x800xi32, #tpu.memory_space<hbm>> -> memref<1x1x1x800xi32, #tpu.memory_space<hbm>>
    %dma_wait3A_365 = tpu.memref_squeeze %dma_wait3A_364 : memref<1x1x1x800xi32, #tpu.memory_space<hbm>> -> memref<800xi32, #tpu.memory_space<hbm>>
    tpu.wait_dma2 semaphore(%arg47 : memref<!tpu.dma_semaphore, #tpu.memory_space<semaphore_mem>>) src(%dma_wait3A_365 : memref<800xi32, #tpu.memory_space<hbm>>) dst(%arg27 : memref<800xi32, #tpu.memory_space<vmem>>)
    %dma_wait3A_366 = arith.constant 2 : i32
    %dma_wait3A_367 = arith.constant 5 : i32
    %dma_wait3A_368 = arith.constant 0 : i32
    %dma_wait3A_369 = tpu.memref_slice %arg4[%dma_wait3A_366, %add3A, %dma_wait3A_367, %dma_wait3A_368] : memref<3x32x8x800xi32, #tpu.memory_space<hbm>> -> memref<1x1x1x800xi32, #tpu.memory_space<hbm>>
    %dma_wait3A_370 = tpu.memref_squeeze %dma_wait3A_369 : memref<1x1x1x800xi32, #tpu.memory_space<hbm>> -> memref<800xi32, #tpu.memory_space<hbm>>
    %dma_wait3A_371 = arith.constant 0 : i32
    %dma_wait3A_372 = tpu.memref_slice %arg4[%dma_wait3A_366, %add3A, %dma_wait3A_367, %dma_wait3A_371] : memref<3x32x8x800xi32, #tpu.memory_space<hbm>> -> memref<1x1x1x800xi32, #tpu.memory_space<hbm>>
    %dma_wait3A_373 = tpu.memref_squeeze %dma_wait3A_372 : memref<1x1x1x800xi32, #tpu.memory_space<hbm>> -> memref<800xi32, #tpu.memory_space<hbm>>
    tpu.wait_dma2 semaphore(%arg47 : memref<!tpu.dma_semaphore, #tpu.memory_space<semaphore_mem>>) src(%dma_wait3A_373 : memref<800xi32, #tpu.memory_space<hbm>>) dst(%arg28 : memref<800xi32, #tpu.memory_space<vmem>>)
    %dma_wait3A_374 = arith.constant 2 : i32
    %dma_wait3A_375 = arith.constant 6 : i32
    %dma_wait3A_376 = arith.constant 0 : i32
    %dma_wait3A_377 = tpu.memref_slice %arg4[%dma_wait3A_374, %add3A, %dma_wait3A_375, %dma_wait3A_376] : memref<3x32x8x800xi32, #tpu.memory_space<hbm>> -> memref<1x1x1x800xi32, #tpu.memory_space<hbm>>
    %dma_wait3A_378 = tpu.memref_squeeze %dma_wait3A_377 : memref<1x1x1x800xi32, #tpu.memory_space<hbm>> -> memref<800xi32, #tpu.memory_space<hbm>>
    %dma_wait3A_379 = arith.constant 0 : i32
    %dma_wait3A_380 = tpu.memref_slice %arg4[%dma_wait3A_374, %add3A, %dma_wait3A_375, %dma_wait3A_379] : memref<3x32x8x800xi32, #tpu.memory_space<hbm>> -> memref<1x1x1x800xi32, #tpu.memory_space<hbm>>
    %dma_wait3A_381 = tpu.memref_squeeze %dma_wait3A_380 : memref<1x1x1x800xi32, #tpu.memory_space<hbm>> -> memref<800xi32, #tpu.memory_space<hbm>>
    tpu.wait_dma2 semaphore(%arg47 : memref<!tpu.dma_semaphore, #tpu.memory_space<semaphore_mem>>) src(%dma_wait3A_381 : memref<800xi32, #tpu.memory_space<hbm>>) dst(%arg29 : memref<800xi32, #tpu.memory_space<vmem>>)
    %dma_wait3A_382 = arith.constant 2 : i32
    %dma_wait3A_383 = arith.constant 7 : i32
    %dma_wait3A_384 = arith.constant 0 : i32
    %dma_wait3A_385 = tpu.memref_slice %arg4[%dma_wait3A_382, %add3A, %dma_wait3A_383, %dma_wait3A_384] : memref<3x32x8x800xi32, #tpu.memory_space<hbm>> -> memref<1x1x1x800xi32, #tpu.memory_space<hbm>>
    %dma_wait3A_386 = tpu.memref_squeeze %dma_wait3A_385 : memref<1x1x1x800xi32, #tpu.memory_space<hbm>> -> memref<800xi32, #tpu.memory_space<hbm>>
    %dma_wait3A_387 = arith.constant 0 : i32
    %dma_wait3A_388 = tpu.memref_slice %arg4[%dma_wait3A_382, %add3A, %dma_wait3A_383, %dma_wait3A_387] : memref<3x32x8x800xi32, #tpu.memory_space<hbm>> -> memref<1x1x1x800xi32, #tpu.memory_space<hbm>>
    %dma_wait3A_389 = tpu.memref_squeeze %dma_wait3A_388 : memref<1x1x1x800xi32, #tpu.memory_space<hbm>> -> memref<800xi32, #tpu.memory_space<hbm>>
    tpu.wait_dma2 semaphore(%arg47 : memref<!tpu.dma_semaphore, #tpu.memory_space<semaphore_mem>>) src(%dma_wait3A_389 : memref<800xi32, #tpu.memory_space<hbm>>) dst(%arg30 : memref<800xi32, #tpu.memory_space<vmem>>)
    %dma_start3A_390 = arith.constant 0 : i32
    %dma_start3A_391 = tpu.memref_slice %arg2[%dma_start3A_390] : memref<100000xf32, #tpu.memory_space<hbm>> -> memref<100000xf32, #tpu.memory_space<hbm>>
    tpu.enqueue_indirect_dma source(%dma_start3A_391 : memref<100000xf32, #tpu.memory_space<hbm>>) target(%arg31 : memref<800xf32, #tpu.memory_space<vmem>>) offsets(%arg7 : memref<800xi32, #tpu.memory_space<vmem>>) semaphore(%arg47 : memref<!tpu.dma_semaphore, #tpu.memory_space<semaphore_mem>>)
    %dma_start3A_392 = arith.constant 0 : i32
    %dma_start3A_393 = tpu.memref_slice %arg3[%dma_start3A_392] : memref<100000xf32, #tpu.memory_space<hbm>> -> memref<100000xf32, #tpu.memory_space<hbm>>
    tpu.enqueue_indirect_dma source(%dma_start3A_393 : memref<100000xf32, #tpu.memory_space<hbm>>) target(%arg37 : memref<800xf32, #tpu.memory_space<vmem>>) offsets(%arg7 : memref<800xi32, #tpu.memory_space<vmem>>) semaphore(%arg47 : memref<!tpu.dma_semaphore, #tpu.memory_space<semaphore_mem>>)
    %dma_start3A_394 = arith.constant 0 : i32
    %dma_start3A_395 = tpu.memref_slice %arg2[%dma_start3A_394] : memref<100000xf32, #tpu.memory_space<hbm>> -> memref<100000xf32, #tpu.memory_space<hbm>>
    tpu.enqueue_indirect_dma source(%dma_start3A_395 : memref<100000xf32, #tpu.memory_space<hbm>>) target(%arg33 : memref<800xf32, #tpu.memory_space<vmem>>) offsets(%arg15 : memref<800xi32, #tpu.memory_space<vmem>>) semaphore(%arg47 : memref<!tpu.dma_semaphore, #tpu.memory_space<semaphore_mem>>)
    %dma_start3A_396 = arith.constant 0 : i32
    %dma_start3A_397 = tpu.memref_slice %arg3[%dma_start3A_396] : memref<100000xf32, #tpu.memory_space<hbm>> -> memref<100000xf32, #tpu.memory_space<hbm>>
    tpu.enqueue_indirect_dma source(%dma_start3A_397 : memref<100000xf32, #tpu.memory_space<hbm>>) target(%arg39 : memref<800xf32, #tpu.memory_space<vmem>>) offsets(%arg15 : memref<800xi32, #tpu.memory_space<vmem>>) semaphore(%arg47 : memref<!tpu.dma_semaphore, #tpu.memory_space<semaphore_mem>>)
    %dma_start3A_398 = arith.constant 0 : i32
    %dma_start3A_399 = tpu.memref_slice %arg2[%dma_start3A_398] : memref<100000xf32, #tpu.memory_space<hbm>> -> memref<100000xf32, #tpu.memory_space<hbm>>
    tpu.enqueue_indirect_dma source(%dma_start3A_399 : memref<100000xf32, #tpu.memory_space<hbm>>) target(%arg35 : memref<800xf32, #tpu.memory_space<vmem>>) offsets(%arg23 : memref<800xi32, #tpu.memory_space<vmem>>) semaphore(%arg47 : memref<!tpu.dma_semaphore, #tpu.memory_space<semaphore_mem>>)
    %dma_start3A_400 = arith.constant 0 : i32
    %dma_start3A_401 = tpu.memref_slice %arg3[%dma_start3A_400] : memref<100000xf32, #tpu.memory_space<hbm>> -> memref<100000xf32, #tpu.memory_space<hbm>>
    tpu.enqueue_indirect_dma source(%dma_start3A_401 : memref<100000xf32, #tpu.memory_space<hbm>>) target(%arg41 : memref<800xf32, #tpu.memory_space<vmem>>) offsets(%arg23 : memref<800xi32, #tpu.memory_space<vmem>>) semaphore(%arg47 : memref<!tpu.dma_semaphore, #tpu.memory_space<semaphore_mem>>)
    %dma_start3A_402 = arith.constant 0 : i32
    %dma_start3A_403 = tpu.memref_slice %arg2[%dma_start3A_402] : memref<100000xf32, #tpu.memory_space<hbm>> -> memref<100000xf32, #tpu.memory_space<hbm>>
    tpu.enqueue_indirect_dma source(%dma_start3A_403 : memref<100000xf32, #tpu.memory_space<hbm>>) target(%arg32 : memref<800xf32, #tpu.memory_space<vmem>>) offsets(%arg8 : memref<800xi32, #tpu.memory_space<vmem>>) semaphore(%arg48 : memref<!tpu.dma_semaphore, #tpu.memory_space<semaphore_mem>>)
    %dma_start3A_404 = arith.constant 0 : i32
    %dma_start3A_405 = tpu.memref_slice %arg3[%dma_start3A_404] : memref<100000xf32, #tpu.memory_space<hbm>> -> memref<100000xf32, #tpu.memory_space<hbm>>
    tpu.enqueue_indirect_dma source(%dma_start3A_405 : memref<100000xf32, #tpu.memory_space<hbm>>) target(%arg38 : memref<800xf32, #tpu.memory_space<vmem>>) offsets(%arg8 : memref<800xi32, #tpu.memory_space<vmem>>) semaphore(%arg48 : memref<!tpu.dma_semaphore, #tpu.memory_space<semaphore_mem>>)
    %dma_start3A_406 = arith.constant 0 : i32
    %dma_start3A_407 = tpu.memref_slice %arg2[%dma_start3A_406] : memref<100000xf32, #tpu.memory_space<hbm>> -> memref<100000xf32, #tpu.memory_space<hbm>>
    tpu.enqueue_indirect_dma source(%dma_start3A_407 : memref<100000xf32, #tpu.memory_space<hbm>>) target(%arg34 : memref<800xf32, #tpu.memory_space<vmem>>) offsets(%arg16 : memref<800xi32, #tpu.memory_space<vmem>>) semaphore(%arg48 : memref<!tpu.dma_semaphore, #tpu.memory_space<semaphore_mem>>)
    %dma_start3A_408 = arith.constant 0 : i32
    %dma_start3A_409 = tpu.memref_slice %arg3[%dma_start3A_408] : memref<100000xf32, #tpu.memory_space<hbm>> -> memref<100000xf32, #tpu.memory_space<hbm>>
    tpu.enqueue_indirect_dma source(%dma_start3A_409 : memref<100000xf32, #tpu.memory_space<hbm>>) target(%arg40 : memref<800xf32, #tpu.memory_space<vmem>>) offsets(%arg16 : memref<800xi32, #tpu.memory_space<vmem>>) semaphore(%arg48 : memref<!tpu.dma_semaphore, #tpu.memory_space<semaphore_mem>>)
    %dma_start3A_410 = arith.constant 0 : i32
    %dma_start3A_411 = tpu.memref_slice %arg2[%dma_start3A_410] : memref<100000xf32, #tpu.memory_space<hbm>> -> memref<100000xf32, #tpu.memory_space<hbm>>
    tpu.enqueue_indirect_dma source(%dma_start3A_411 : memref<100000xf32, #tpu.memory_space<hbm>>) target(%arg36 : memref<800xf32, #tpu.memory_space<vmem>>) offsets(%arg24 : memref<800xi32, #tpu.memory_space<vmem>>) semaphore(%arg48 : memref<!tpu.dma_semaphore, #tpu.memory_space<semaphore_mem>>)
    %dma_start3A_412 = arith.constant 0 : i32
    %dma_start3A_413 = tpu.memref_slice %arg3[%dma_start3A_412] : memref<100000xf32, #tpu.memory_space<hbm>> -> memref<100000xf32, #tpu.memory_space<hbm>>
    tpu.enqueue_indirect_dma source(%dma_start3A_413 : memref<100000xf32, #tpu.memory_space<hbm>>) target(%arg42 : memref<800xf32, #tpu.memory_space<vmem>>) offsets(%arg24 : memref<800xi32, #tpu.memory_space<vmem>>) semaphore(%arg48 : memref<!tpu.dma_semaphore, #tpu.memory_space<semaphore_mem>>)
    %dma_wait3A_414 = arith.constant 0 : i32
    %dma_wait3A_415 = tpu.memref_slice %arg2[%dma_wait3A_414] : memref<100000xf32, #tpu.memory_space<hbm>> -> memref<100000xf32, #tpu.memory_space<hbm>>
    tpu.wait_indirect_dma semaphore(%arg47 : memref<!tpu.dma_semaphore, #tpu.memory_space<semaphore_mem>>) src(%dma_wait3A_415 : memref<100000xf32, #tpu.memory_space<hbm>>) dst(%arg31 : memref<800xf32, #tpu.memory_space<vmem>>)
    %dma_wait3A_416 = arith.constant 0 : i32
    %dma_wait3A_417 = tpu.memref_slice %arg3[%dma_wait3A_416] : memref<100000xf32, #tpu.memory_space<hbm>> -> memref<100000xf32, #tpu.memory_space<hbm>>
    tpu.wait_indirect_dma semaphore(%arg47 : memref<!tpu.dma_semaphore, #tpu.memory_space<semaphore_mem>>) src(%dma_wait3A_417 : memref<100000xf32, #tpu.memory_space<hbm>>) dst(%arg37 : memref<800xf32, #tpu.memory_space<vmem>>)
    %dma_wait3A_418 = arith.constant 0 : i32
    %dma_wait3A_419 = tpu.memref_slice %arg2[%dma_wait3A_418] : memref<100000xf32, #tpu.memory_space<hbm>> -> memref<100000xf32, #tpu.memory_space<hbm>>
    tpu.wait_indirect_dma semaphore(%arg47 : memref<!tpu.dma_semaphore, #tpu.memory_space<semaphore_mem>>) src(%dma_wait3A_419 : memref<100000xf32, #tpu.memory_space<hbm>>) dst(%arg33 : memref<800xf32, #tpu.memory_space<vmem>>)
    %dma_wait3A_420 = arith.constant 0 : i32
    %dma_wait3A_421 = tpu.memref_slice %arg3[%dma_wait3A_420] : memref<100000xf32, #tpu.memory_space<hbm>> -> memref<100000xf32, #tpu.memory_space<hbm>>
    tpu.wait_indirect_dma semaphore(%arg47 : memref<!tpu.dma_semaphore, #tpu.memory_space<semaphore_mem>>) src(%dma_wait3A_421 : memref<100000xf32, #tpu.memory_space<hbm>>) dst(%arg39 : memref<800xf32, #tpu.memory_space<vmem>>)
    %dma_wait3A_422 = arith.constant 0 : i32
    %dma_wait3A_423 = tpu.memref_slice %arg2[%dma_wait3A_422] : memref<100000xf32, #tpu.memory_space<hbm>> -> memref<100000xf32, #tpu.memory_space<hbm>>
    tpu.wait_indirect_dma semaphore(%arg47 : memref<!tpu.dma_semaphore, #tpu.memory_space<semaphore_mem>>) src(%dma_wait3A_423 : memref<100000xf32, #tpu.memory_space<hbm>>) dst(%arg35 : memref<800xf32, #tpu.memory_space<vmem>>)
    %dma_wait3A_424 = arith.constant 0 : i32
    %dma_wait3A_425 = tpu.memref_slice %arg3[%dma_wait3A_424] : memref<100000xf32, #tpu.memory_space<hbm>> -> memref<100000xf32, #tpu.memory_space<hbm>>
    tpu.wait_indirect_dma semaphore(%arg47 : memref<!tpu.dma_semaphore, #tpu.memory_space<semaphore_mem>>) src(%dma_wait3A_425 : memref<100000xf32, #tpu.memory_space<hbm>>) dst(%arg41 : memref<800xf32, #tpu.memory_space<vmem>>)
    %scan3A_426 = arith.constant 0 : i32
    %scan3A_427 = arith.constant 0 : i32
    %scan3A_428 = arith.constant 50 : i32
    %scan3A_429 = arith.addi %scan3A_427, %scan3A_428 : i32
    %scan3A_430 = arith.constant 1 : i32
    scf.for %scan3A_736 = %scan3A_427 to %scan3A_429 step %scan3A_430  : i32 {
      %mul3A_737 = arith.constant 16 : i32
      %mul3A_738 = arith.muli %scan3A_736, %mul3A_737 : i32
      %get3A = arith.index_cast %mul3A_738 : i32 to index
      %get3A_739 = tpu.vector_load %arg33[%get3A] {strides = array<i32>} : memref<800xf32, #tpu.memory_space<vmem>>, vector<16xf32>,
      %get3A_740 = vector.shape_cast %get3A_739 : vector<16xf32> to vector<16xf32>
      %get3A_741 = arith.index_cast %mul3A_738 : i32 to index
      %get3A_742 = tpu.vector_load %arg31[%get3A_741] {strides = array<i32>} : memref<800xf32, #tpu.memory_space<vmem>>, vector<16xf32>,
      %get3A_743 = vector.shape_cast %get3A_742 : vector<16xf32> to vector<16xf32>
      %sub3A = arith.subf %get3A_740, %get3A_743 : vector<16xf32>
      %get3A_744 = arith.index_cast %mul3A_738 : i32 to index
      %get3A_745 = tpu.vector_load %arg39[%get3A_744] {strides = array<i32>} : memref<800xf32, #tpu.memory_space<vmem>>, vector<16xf32>,
      %get3A_746 = vector.shape_cast %get3A_745 : vector<16xf32> to vector<16xf32>
      %get3A_747 = arith.index_cast %mul3A_738 : i32 to index
      %get3A_748 = tpu.vector_load %arg37[%get3A_747] {strides = array<i32>} : memref<800xf32, #tpu.memory_space<vmem>>, vector<16xf32>,
      %get3A_749 = vector.shape_cast %get3A_748 : vector<16xf32> to vector<16xf32>
      %sub3A_750 = arith.subf %get3A_746, %get3A_749 : vector<16xf32>
      %get3A_751 = arith.index_cast %mul3A_738 : i32 to index
      %get3A_752 = tpu.vector_load %arg35[%get3A_751] {strides = array<i32>} : memref<800xf32, #tpu.memory_space<vmem>>, vector<16xf32>,
      %get3A_753 = vector.shape_cast %get3A_752 : vector<16xf32> to vector<16xf32>
      %get3A_754 = arith.index_cast %mul3A_738 : i32 to index
      %get3A_755 = tpu.vector_load %arg31[%get3A_754] {strides = array<i32>} : memref<800xf32, #tpu.memory_space<vmem>>, vector<16xf32>,
      %get3A_756 = vector.shape_cast %get3A_755 : vector<16xf32> to vector<16xf32>
      %sub3A_757 = arith.subf %get3A_753, %get3A_756 : vector<16xf32>
      %get3A_758 = arith.index_cast %mul3A_738 : i32 to index
      %get3A_759 = tpu.vector_load %arg41[%get3A_758] {strides = array<i32>} : memref<800xf32, #tpu.memory_space<vmem>>, vector<16xf32>,
      %get3A_760 = vector.shape_cast %get3A_759 : vector<16xf32> to vector<16xf32>
      %get3A_761 = arith.index_cast %mul3A_738 : i32 to index
      %get3A_762 = tpu.vector_load %arg37[%get3A_761] {strides = array<i32>} : memref<800xf32, #tpu.memory_space<vmem>>, vector<16xf32>,
      %get3A_763 = vector.shape_cast %get3A_762 : vector<16xf32> to vector<16xf32>
      %sub3A_764 = arith.subf %get3A_760, %get3A_763 : vector<16xf32>
      %mul3A_765 = arith.mulf %sub3A, %sub3A_764 : vector<16xf32>
      %mul3A_766 = arith.mulf %sub3A_757, %sub3A_750 : vector<16xf32>
      %sub3A_767 = arith.subf %mul3A_765, %mul3A_766 : vector<16xf32>
      %abs3A = math.absf %sub3A_767 : vector<16xf32>
      %mul3A_768 = arith.constant 0.166666672 : f32
      %mul3A_769 = vector.broadcast %mul3A_768 : f32 to vector<16xf32>
      %mul3A_770 = arith.mulf %abs3A, %mul3A_769 : vector<16xf32>
      %swap3A = arith.index_cast %mul3A_738 : i32 to index
      %swap3A_771 = tpu.vector_load %arg43[%swap3A] {strides = array<i32>} : memref<800xf32, #tpu.memory_space<vmem>>, vector<16xf32>,
      %swap3A_772 = vector.shape_cast %swap3A_771 : vector<16xf32> to vector<16xf32>
      %swap3A_773 = vector.shape_cast %mul3A_770 : vector<16xf32> to vector<16xf32>
      tpu.vector_store %arg43[%swap3A], %swap3A_773 {strides = array<i32>} : memref<800xf32, #tpu.memory_space<vmem>>, vector<16xf32>,
    }
    %scan3A_431 = arith.constant 50 : i32
    %dma_start3A_432 = arith.constant 0 : i32
    %dma_start3A_433 = tpu.memref_slice %arg46[%dma_start3A_432] : memref<100096xf32, #tpu.memory_space<vmem_shared>> -> memref<100096xf32, #tpu.memory_space<vmem_shared>>
    tpu.enqueue_indirect_dma source(%arg43 : memref<800xf32, #tpu.memory_space<vmem>>) target(%dma_start3A_433 : memref<100096xf32, #tpu.memory_space<vmem_shared>>) offsets(%arg7 : memref<800xi32, #tpu.memory_space<vmem>>) semaphore(%arg49 : memref<!tpu.dma_semaphore, #tpu.memory_space<semaphore_mem>>) {add = true}
    %dma_start3A_434 = arith.constant 0 : i32
    %dma_start3A_435 = tpu.memref_slice %arg46[%dma_start3A_434] : memref<100096xf32, #tpu.memory_space<vmem_shared>> -> memref<100096xf32, #tpu.memory_space<vmem_shared>>
    tpu.enqueue_indirect_dma source(%arg43 : memref<800xf32, #tpu.memory_space<vmem>>) target(%dma_start3A_435 : memref<100096xf32, #tpu.memory_space<vmem_shared>>) offsets(%arg15 : memref<800xi32, #tpu.memory_space<vmem>>) semaphore(%arg49 : memref<!tpu.dma_semaphore, #tpu.memory_space<semaphore_mem>>) {add = true}
    %dma_start3A_436 = arith.constant 0 : i32
    %dma_start3A_437 = tpu.memref_slice %arg46[%dma_start3A_436] : memref<100096xf32, #tpu.memory_space<vmem_shared>> -> memref<100096xf32, #tpu.memory_space<vmem_shared>>
    tpu.enqueue_indirect_dma source(%arg43 : memref<800xf32, #tpu.memory_space<vmem>>) target(%dma_start3A_437 : memref<100096xf32, #tpu.memory_space<vmem_shared>>) offsets(%arg23 : memref<800xi32, #tpu.memory_space<vmem>>) semaphore(%arg49 : memref<!tpu.dma_semaphore, #tpu.memory_space<semaphore_mem>>) {add = true}
    %dma_start3A_438 = arith.constant 0 : i32
    %dma_start3A_439 = tpu.memref_slice %arg2[%dma_start3A_438] : memref<100000xf32, #tpu.memory_space<hbm>> -> memref<100000xf32, #tpu.memory_space<hbm>>
    tpu.enqueue_indirect_dma source(%dma_start3A_439 : memref<100000xf32, #tpu.memory_space<hbm>>) target(%arg31 : memref<800xf32, #tpu.memory_space<vmem>>) offsets(%arg9 : memref<800xi32, #tpu.memory_space<vmem>>) semaphore(%arg47 : memref<!tpu.dma_semaphore, #tpu.memory_space<semaphore_mem>>)
    %dma_start3A_440 = arith.constant 0 : i32
    %dma_start3A_441 = tpu.memref_slice %arg3[%dma_start3A_440] : memref<100000xf32, #tpu.memory_space<hbm>> -> memref<100000xf32, #tpu.memory_space<hbm>>
    tpu.enqueue_indirect_dma source(%dma_start3A_441 : memref<100000xf32, #tpu.memory_space<hbm>>) target(%arg37 : memref<800xf32, #tpu.memory_space<vmem>>) offsets(%arg9 : memref<800xi32, #tpu.memory_space<vmem>>) semaphore(%arg47 : memref<!tpu.dma_semaphore, #tpu.memory_space<semaphore_mem>>)
    %dma_start3A_442 = arith.constant 0 : i32
    %dma_start3A_443 = tpu.memref_slice %arg2[%dma_start3A_442] : memref<100000xf32, #tpu.memory_space<hbm>> -> memref<100000xf32, #tpu.memory_space<hbm>>
    tpu.enqueue_indirect_dma source(%dma_start3A_443 : memref<100000xf32, #tpu.memory_space<hbm>>) target(%arg33 : memref<800xf32, #tpu.memory_space<vmem>>) offsets(%arg17 : memref<800xi32, #tpu.memory_space<vmem>>) semaphore(%arg47 : memref<!tpu.dma_semaphore, #tpu.memory_space<semaphore_mem>>)
    %dma_start3A_444 = arith.constant 0 : i32
    %dma_start3A_445 = tpu.memref_slice %arg3[%dma_start3A_444] : memref<100000xf32, #tpu.memory_space<hbm>> -> memref<100000xf32, #tpu.memory_space<hbm>>
    tpu.enqueue_indirect_dma source(%dma_start3A_445 : memref<100000xf32, #tpu.memory_space<hbm>>) target(%arg39 : memref<800xf32, #tpu.memory_space<vmem>>) offsets(%arg17 : memref<800xi32, #tpu.memory_space<vmem>>) semaphore(%arg47 : memref<!tpu.dma_semaphore, #tpu.memory_space<semaphore_mem>>)
    %dma_start3A_446 = arith.constant 0 : i32
    %dma_start3A_447 = tpu.memref_slice %arg2[%dma_start3A_446] : memref<100000xf32, #tpu.memory_space<hbm>> -> memref<100000xf32, #tpu.memory_space<hbm>>
    tpu.enqueue_indirect_dma source(%dma_start3A_447 : memref<100000xf32, #tpu.memory_space<hbm>>) target(%arg35 : memref<800xf32, #tpu.memory_space<vmem>>) offsets(%arg25 : memref<800xi32, #tpu.memory_space<vmem>>) semaphore(%arg47 : memref<!tpu.dma_semaphore, #tpu.memory_space<semaphore_mem>>)
    %dma_start3A_448 = arith.constant 0 : i32
    %dma_start3A_449 = tpu.memref_slice %arg3[%dma_start3A_448] : memref<100000xf32, #tpu.memory_space<hbm>> -> memref<100000xf32, #tpu.memory_space<hbm>>
    tpu.enqueue_indirect_dma source(%dma_start3A_449 : memref<100000xf32, #tpu.memory_space<hbm>>) target(%arg41 : memref<800xf32, #tpu.memory_space<vmem>>) offsets(%arg25 : memref<800xi32, #tpu.memory_space<vmem>>) semaphore(%arg47 : memref<!tpu.dma_semaphore, #tpu.memory_space<semaphore_mem>>)
    %dma_wait3A_450 = arith.constant 0 : i32
    %dma_wait3A_451 = tpu.memref_slice %arg2[%dma_wait3A_450] : memref<100000xf32, #tpu.memory_space<hbm>> -> memref<100000xf32, #tpu.memory_space<hbm>>
    tpu.wait_indirect_dma semaphore(%arg48 : memref<!tpu.dma_semaphore, #tpu.memory_space<semaphore_mem>>) src(%dma_wait3A_451 : memref<100000xf32, #tpu.memory_space<hbm>>) dst(%arg32 : memref<800xf32, #tpu.memory_space<vmem>>)
    %dma_wait3A_452 = arith.constant 0 : i32
    %dma_wait3A_453 = tpu.memref_slice %arg3[%dma_wait3A_452] : memref<100000xf32, #tpu.memory_space<hbm>> -> memref<100000xf32, #tpu.memory_space<hbm>>
    tpu.wait_indirect_dma semaphore(%arg48 : memref<!tpu.dma_semaphore, #tpu.memory_space<semaphore_mem>>) src(%dma_wait3A_453 : memref<100000xf32, #tpu.memory_space<hbm>>) dst(%arg38 : memref<800xf32, #tpu.memory_space<vmem>>)
    %dma_wait3A_454 = arith.constant 0 : i32
    %dma_wait3A_455 = tpu.memref_slice %arg2[%dma_wait3A_454] : memref<100000xf32, #tpu.memory_space<hbm>> -> memref<100000xf32, #tpu.memory_space<hbm>>
    tpu.wait_indirect_dma semaphore(%arg48 : memref<!tpu.dma_semaphore, #tpu.memory_space<semaphore_mem>>) src(%dma_wait3A_455 : memref<100000xf32, #tpu.memory_space<hbm>>) dst(%arg34 : memref<800xf32, #tpu.memory_space<vmem>>)
    %dma_wait3A_456 = arith.constant 0 : i32
    %dma_wait3A_457 = tpu.memref_slice %arg3[%dma_wait3A_456] : memref<100000xf32, #tpu.memory_space<hbm>> -> memref<100000xf32, #tpu.memory_space<hbm>>
    tpu.wait_indirect_dma semaphore(%arg48 : memref<!tpu.dma_semaphore, #tpu.memory_space<semaphore_mem>>) src(%dma_wait3A_457 : memref<100000xf32, #tpu.memory_space<hbm>>) dst(%arg40 : memref<800xf32, #tpu.memory_space<vmem>>)
    %dma_wait3A_458 = arith.constant 0 : i32
    %dma_wait3A_459 = tpu.memref_slice %arg2[%dma_wait3A_458] : memref<100000xf32, #tpu.memory_space<hbm>> -> memref<100000xf32, #tpu.memory_space<hbm>>
    tpu.wait_indirect_dma semaphore(%arg48 : memref<!tpu.dma_semaphore, #tpu.memory_space<semaphore_mem>>) src(%dma_wait3A_459 : memref<100000xf32, #tpu.memory_space<hbm>>) dst(%arg36 : memref<800xf32, #tpu.memory_space<vmem>>)
    %dma_wait3A_460 = arith.constant 0 : i32
    %dma_wait3A_461 = tpu.memref_slice %arg3[%dma_wait3A_460] : memref<100000xf32, #tpu.memory_space<hbm>> -> memref<100000xf32, #tpu.memory_space<hbm>>
    tpu.wait_indirect_dma semaphore(%arg48 : memref<!tpu.dma_semaphore, #tpu.memory_space<semaphore_mem>>) src(%dma_wait3A_461 : memref<100000xf32, #tpu.memory_space<hbm>>) dst(%arg42 : memref<800xf32, #tpu.memory_space<vmem>>)
    %scan3A_462 = arith.constant 0 : i32
    %scan3A_463 = arith.constant 0 : i32
    %scan3A_464 = arith.constant 50 : i32
    %scan3A_465 = arith.addi %scan3A_463, %scan3A_464 : i32
    %scan3A_466 = arith.constant 1 : i32
    scf.for %scan3A_736 = %scan3A_463 to %scan3A_465 step %scan3A_466  : i32 {
      %mul3A_737 = arith.constant 16 : i32
      %mul3A_738 = arith.muli %scan3A_736, %mul3A_737 : i32
      %get3A = arith.index_cast %mul3A_738 : i32 to index
      %get3A_739 = tpu.vector_load %arg34[%get3A] {strides = array<i32>} : memref<800xf32, #tpu.memory_space<vmem>>, vector<16xf32>,
      %get3A_740 = vector.shape_cast %get3A_739 : vector<16xf32> to vector<16xf32>
      %get3A_741 = arith.index_cast %mul3A_738 : i32 to index
      %get3A_742 = tpu.vector_load %arg32[%get3A_741] {strides = array<i32>} : memref<800xf32, #tpu.memory_space<vmem>>, vector<16xf32>,
      %get3A_743 = vector.shape_cast %get3A_742 : vector<16xf32> to vector<16xf32>
      %sub3A = arith.subf %get3A_740, %get3A_743 : vector<16xf32>
      %get3A_744 = arith.index_cast %mul3A_738 : i32 to index
      %get3A_745 = tpu.vector_load %arg40[%get3A_744] {strides = array<i32>} : memref<800xf32, #tpu.memory_space<vmem>>, vector<16xf32>,
      %get3A_746 = vector.shape_cast %get3A_745 : vector<16xf32> to vector<16xf32>
      %get3A_747 = arith.index_cast %mul3A_738 : i32 to index
      %get3A_748 = tpu.vector_load %arg38[%get3A_747] {strides = array<i32>} : memref<800xf32, #tpu.memory_space<vmem>>, vector<16xf32>,
      %get3A_749 = vector.shape_cast %get3A_748 : vector<16xf32> to vector<16xf32>
      %sub3A_750 = arith.subf %get3A_746, %get3A_749 : vector<16xf32>
      %get3A_751 = arith.index_cast %mul3A_738 : i32 to index
      %get3A_752 = tpu.vector_load %arg36[%get3A_751] {strides = array<i32>} : memref<800xf32, #tpu.memory_space<vmem>>, vector<16xf32>,
      %get3A_753 = vector.shape_cast %get3A_752 : vector<16xf32> to vector<16xf32>
      %get3A_754 = arith.index_cast %mul3A_738 : i32 to index
      %get3A_755 = tpu.vector_load %arg32[%get3A_754] {strides = array<i32>} : memref<800xf32, #tpu.memory_space<vmem>>, vector<16xf32>,
      %get3A_756 = vector.shape_cast %get3A_755 : vector<16xf32> to vector<16xf32>
      %sub3A_757 = arith.subf %get3A_753, %get3A_756 : vector<16xf32>
      %get3A_758 = arith.index_cast %mul3A_738 : i32 to index
      %get3A_759 = tpu.vector_load %arg42[%get3A_758] {strides = array<i32>} : memref<800xf32, #tpu.memory_space<vmem>>, vector<16xf32>,
      %get3A_760 = vector.shape_cast %get3A_759 : vector<16xf32> to vector<16xf32>
      %get3A_761 = arith.index_cast %mul3A_738 : i32 to index
      %get3A_762 = tpu.vector_load %arg38[%get3A_761] {strides = array<i32>} : memref<800xf32, #tpu.memory_space<vmem>>, vector<16xf32>,
      %get3A_763 = vector.shape_cast %get3A_762 : vector<16xf32> to vector<16xf32>
      %sub3A_764 = arith.subf %get3A_760, %get3A_763 : vector<16xf32>
      %mul3A_765 = arith.mulf %sub3A, %sub3A_764 : vector<16xf32>
      %mul3A_766 = arith.mulf %sub3A_757, %sub3A_750 : vector<16xf32>
      %sub3A_767 = arith.subf %mul3A_765, %mul3A_766 : vector<16xf32>
      %abs3A = math.absf %sub3A_767 : vector<16xf32>
      %mul3A_768 = arith.constant 0.166666672 : f32
      %mul3A_769 = vector.broadcast %mul3A_768 : f32 to vector<16xf32>
      %mul3A_770 = arith.mulf %abs3A, %mul3A_769 : vector<16xf32>
      %swap3A = arith.index_cast %mul3A_738 : i32 to index
      %swap3A_771 = tpu.vector_load %arg44[%swap3A] {strides = array<i32>} : memref<800xf32, #tpu.memory_space<vmem>>, vector<16xf32>,
      %swap3A_772 = vector.shape_cast %swap3A_771 : vector<16xf32> to vector<16xf32>
      %swap3A_773 = vector.shape_cast %mul3A_770 : vector<16xf32> to vector<16xf32>
      tpu.vector_store %arg44[%swap3A], %swap3A_773 {strides = array<i32>} : memref<800xf32, #tpu.memory_space<vmem>>, vector<16xf32>,
    }
    %scan3A_467 = arith.constant 50 : i32
    %dma_start3A_468 = arith.constant 0 : i32
    %dma_start3A_469 = tpu.memref_slice %arg46[%dma_start3A_468] : memref<100096xf32, #tpu.memory_space<vmem_shared>> -> memref<100096xf32, #tpu.memory_space<vmem_shared>>
    tpu.enqueue_indirect_dma source(%arg44 : memref<800xf32, #tpu.memory_space<vmem>>) target(%dma_start3A_469 : memref<100096xf32, #tpu.memory_space<vmem_shared>>) offsets(%arg8 : memref<800xi32, #tpu.memory_space<vmem>>) semaphore(%arg50 : memref<!tpu.dma_semaphore, #tpu.memory_space<semaphore_mem>>) {add = true}
    %dma_start3A_470 = arith.constant 0 : i32
    %dma_start3A_471 = tpu.memref_slice %arg46[%dma_start3A_470] : memref<100096xf32, #tpu.memory_space<vmem_shared>> -> memref<100096xf32, #tpu.memory_space<vmem_shared>>
    tpu.enqueue_indirect_dma source(%arg44 : memref<800xf32, #tpu.memory_space<vmem>>) target(%dma_start3A_471 : memref<100096xf32, #tpu.memory_space<vmem_shared>>) offsets(%arg16 : memref<800xi32, #tpu.memory_space<vmem>>) semaphore(%arg50 : memref<!tpu.dma_semaphore, #tpu.memory_space<semaphore_mem>>) {add = true}
    %dma_start3A_472 = arith.constant 0 : i32
    %dma_start3A_473 = tpu.memref_slice %arg46[%dma_start3A_472] : memref<100096xf32, #tpu.memory_space<vmem_shared>> -> memref<100096xf32, #tpu.memory_space<vmem_shared>>
    tpu.enqueue_indirect_dma source(%arg44 : memref<800xf32, #tpu.memory_space<vmem>>) target(%dma_start3A_473 : memref<100096xf32, #tpu.memory_space<vmem_shared>>) offsets(%arg24 : memref<800xi32, #tpu.memory_space<vmem>>) semaphore(%arg50 : memref<!tpu.dma_semaphore, #tpu.memory_space<semaphore_mem>>) {add = true}
    %dma_start3A_474 = arith.constant 0 : i32
    %dma_start3A_475 = tpu.memref_slice %arg2[%dma_start3A_474] : memref<100000xf32, #tpu.memory_space<hbm>> -> memref<100000xf32, #tpu.memory_space<hbm>>
    tpu.enqueue_indirect_dma source(%dma_start3A_475 : memref<100000xf32, #tpu.memory_space<hbm>>) target(%arg32 : memref<800xf32, #tpu.memory_space<vmem>>) offsets(%arg10 : memref<800xi32, #tpu.memory_space<vmem>>) semaphore(%arg48 : memref<!tpu.dma_semaphore, #tpu.memory_space<semaphore_mem>>)
    %dma_start3A_476 = arith.constant 0 : i32
    %dma_start3A_477 = tpu.memref_slice %arg3[%dma_start3A_476] : memref<100000xf32, #tpu.memory_space<hbm>> -> memref<100000xf32, #tpu.memory_space<hbm>>
    tpu.enqueue_indirect_dma source(%dma_start3A_477 : memref<100000xf32, #tpu.memory_space<hbm>>) target(%arg38 : memref<800xf32, #tpu.memory_space<vmem>>) offsets(%arg10 : memref<800xi32, #tpu.memory_space<vmem>>) semaphore(%arg48 : memref<!tpu.dma_semaphore, #tpu.memory_space<semaphore_mem>>)
    %dma_start3A_478 = arith.constant 0 : i32
    %dma_start3A_479 = tpu.memref_slice %arg2[%dma_start3A_478] : memref<100000xf32, #tpu.memory_space<hbm>> -> memref<100000xf32, #tpu.memory_space<hbm>>
    tpu.enqueue_indirect_dma source(%dma_start3A_479 : memref<100000xf32, #tpu.memory_space<hbm>>) target(%arg34 : memref<800xf32, #tpu.memory_space<vmem>>) offsets(%arg18 : memref<800xi32, #tpu.memory_space<vmem>>) semaphore(%arg48 : memref<!tpu.dma_semaphore, #tpu.memory_space<semaphore_mem>>)
    %dma_start3A_480 = arith.constant 0 : i32
    %dma_start3A_481 = tpu.memref_slice %arg3[%dma_start3A_480] : memref<100000xf32, #tpu.memory_space<hbm>> -> memref<100000xf32, #tpu.memory_space<hbm>>
    tpu.enqueue_indirect_dma source(%dma_start3A_481 : memref<100000xf32, #tpu.memory_space<hbm>>) target(%arg40 : memref<800xf32, #tpu.memory_space<vmem>>) offsets(%arg18 : memref<800xi32, #tpu.memory_space<vmem>>) semaphore(%arg48 : memref<!tpu.dma_semaphore, #tpu.memory_space<semaphore_mem>>)
    %dma_start3A_482 = arith.constant 0 : i32
    %dma_start3A_483 = tpu.memref_slice %arg2[%dma_start3A_482] : memref<100000xf32, #tpu.memory_space<hbm>> -> memref<100000xf32, #tpu.memory_space<hbm>>
    tpu.enqueue_indirect_dma source(%dma_start3A_483 : memref<100000xf32, #tpu.memory_space<hbm>>) target(%arg36 : memref<800xf32, #tpu.memory_space<vmem>>) offsets(%arg26 : memref<800xi32, #tpu.memory_space<vmem>>) semaphore(%arg48 : memref<!tpu.dma_semaphore, #tpu.memory_space<semaphore_mem>>)
    %dma_start3A_484 = arith.constant 0 : i32
    %dma_start3A_485 = tpu.memref_slice %arg3[%dma_start3A_484] : memref<100000xf32, #tpu.memory_space<hbm>> -> memref<100000xf32, #tpu.memory_space<hbm>>
    tpu.enqueue_indirect_dma source(%dma_start3A_485 : memref<100000xf32, #tpu.memory_space<hbm>>) target(%arg42 : memref<800xf32, #tpu.memory_space<vmem>>) offsets(%arg26 : memref<800xi32, #tpu.memory_space<vmem>>) semaphore(%arg48 : memref<!tpu.dma_semaphore, #tpu.memory_space<semaphore_mem>>)
    %dma_wait3A_486 = arith.constant 0 : i32
    %dma_wait3A_487 = tpu.memref_slice %arg2[%dma_wait3A_486] : memref<100000xf32, #tpu.memory_space<hbm>> -> memref<100000xf32, #tpu.memory_space<hbm>>
    tpu.wait_indirect_dma semaphore(%arg47 : memref<!tpu.dma_semaphore, #tpu.memory_space<semaphore_mem>>) src(%dma_wait3A_487 : memref<100000xf32, #tpu.memory_space<hbm>>) dst(%arg31 : memref<800xf32, #tpu.memory_space<vmem>>)
    %dma_wait3A_488 = arith.constant 0 : i32
    %dma_wait3A_489 = tpu.memref_slice %arg3[%dma_wait3A_488] : memref<100000xf32, #tpu.memory_space<hbm>> -> memref<100000xf32, #tpu.memory_space<hbm>>
    tpu.wait_indirect_dma semaphore(%arg47 : memref<!tpu.dma_semaphore, #tpu.memory_space<semaphore_mem>>) src(%dma_wait3A_489 : memref<100000xf32, #tpu.memory_space<hbm>>) dst(%arg37 : memref<800xf32, #tpu.memory_space<vmem>>)
    %dma_wait3A_490 = arith.constant 0 : i32
    %dma_wait3A_491 = tpu.memref_slice %arg2[%dma_wait3A_490] : memref<100000xf32, #tpu.memory_space<hbm>> -> memref<100000xf32, #tpu.memory_space<hbm>>
    tpu.wait_indirect_dma semaphore(%arg47 : memref<!tpu.dma_semaphore, #tpu.memory_space<semaphore_mem>>) src(%dma_wait3A_491 : memref<100000xf32, #tpu.memory_space<hbm>>) dst(%arg33 : memref<800xf32, #tpu.memory_space<vmem>>)
    %dma_wait3A_492 = arith.constant 0 : i32
    %dma_wait3A_493 = tpu.memref_slice %arg3[%dma_wait3A_492] : memref<100000xf32, #tpu.memory_space<hbm>> -> memref<100000xf32, #tpu.memory_space<hbm>>
    tpu.wait_indirect_dma semaphore(%arg47 : memref<!tpu.dma_semaphore, #tpu.memory_space<semaphore_mem>>) src(%dma_wait3A_493 : memref<100000xf32, #tpu.memory_space<hbm>>) dst(%arg39 : memref<800xf32, #tpu.memory_space<vmem>>)
    %dma_wait3A_494 = arith.constant 0 : i32
    %dma_wait3A_495 = tpu.memref_slice %arg2[%dma_wait3A_494] : memref<100000xf32, #tpu.memory_space<hbm>> -> memref<100000xf32, #tpu.memory_space<hbm>>
    tpu.wait_indirect_dma semaphore(%arg47 : memref<!tpu.dma_semaphore, #tpu.memory_space<semaphore_mem>>) src(%dma_wait3A_495 : memref<100000xf32, #tpu.memory_space<hbm>>) dst(%arg35 : memref<800xf32, #tpu.memory_space<vmem>>)
    %dma_wait3A_496 = arith.constant 0 : i32
    %dma_wait3A_497 = tpu.memref_slice %arg3[%dma_wait3A_496] : memref<100000xf32, #tpu.memory_space<hbm>> -> memref<100000xf32, #tpu.memory_space<hbm>>
    tpu.wait_indirect_dma semaphore(%arg47 : memref<!tpu.dma_semaphore, #tpu.memory_space<semaphore_mem>>) src(%dma_wait3A_497 : memref<100000xf32, #tpu.memory_space<hbm>>) dst(%arg41 : memref<800xf32, #tpu.memory_space<vmem>>)
    %dma_wait3A_498 = arith.constant 0 : i32
    %dma_wait3A_499 = tpu.memref_slice %arg46[%dma_wait3A_498] : memref<100096xf32, #tpu.memory_space<vmem_shared>> -> memref<100096xf32, #tpu.memory_space<vmem_shared>>
    tpu.wait_indirect_dma semaphore(%arg49 : memref<!tpu.dma_semaphore, #tpu.memory_space<semaphore_mem>>) src(%arg43 : memref<800xf32, #tpu.memory_space<vmem>>) dst(%dma_wait3A_499 : memref<100096xf32, #tpu.memory_space<vmem_shared>>)
    %dma_wait3A_500 = arith.constant 0 : i32
    %dma_wait3A_501 = tpu.memref_slice %arg46[%dma_wait3A_500] : memref<100096xf32, #tpu.memory_space<vmem_shared>> -> memref<100096xf32, #tpu.memory_space<vmem_shared>>
    tpu.wait_indirect_dma semaphore(%arg49 : memref<!tpu.dma_semaphore, #tpu.memory_space<semaphore_mem>>) src(%arg43 : memref<800xf32, #tpu.memory_space<vmem>>) dst(%dma_wait3A_501 : memref<100096xf32, #tpu.memory_space<vmem_shared>>)
    %dma_wait3A_502 = arith.constant 0 : i32
    %dma_wait3A_503 = tpu.memref_slice %arg46[%dma_wait3A_502] : memref<100096xf32, #tpu.memory_space<vmem_shared>> -> memref<100096xf32, #tpu.memory_space<vmem_shared>>
    tpu.wait_indirect_dma semaphore(%arg49 : memref<!tpu.dma_semaphore, #tpu.memory_space<semaphore_mem>>) src(%arg43 : memref<800xf32, #tpu.memory_space<vmem>>) dst(%dma_wait3A_503 : memref<100096xf32, #tpu.memory_space<vmem_shared>>)
    %scan3A_504 = arith.constant 0 : i32
    %scan3A_505 = arith.constant 0 : i32
    %scan3A_506 = arith.constant 50 : i32
    %scan3A_507 = arith.addi %scan3A_505, %scan3A_506 : i32
    %scan3A_508 = arith.constant 1 : i32
    scf.for %scan3A_736 = %scan3A_505 to %scan3A_507 step %scan3A_508  : i32 {
      %mul3A_737 = arith.constant 16 : i32
      %mul3A_738 = arith.muli %scan3A_736, %mul3A_737 : i32
      %get3A = arith.index_cast %mul3A_738 : i32 to index
      %get3A_739 = tpu.vector_load %arg33[%get3A] {strides = array<i32>} : memref<800xf32, #tpu.memory_space<vmem>>, vector<16xf32>,
      %get3A_740 = vector.shape_cast %get3A_739 : vector<16xf32> to vector<16xf32>
      %get3A_741 = arith.index_cast %mul3A_738 : i32 to index
      %get3A_742 = tpu.vector_load %arg31[%get3A_741] {strides = array<i32>} : memref<800xf32, #tpu.memory_space<vmem>>, vector<16xf32>,
      %get3A_743 = vector.shape_cast %get3A_742 : vector<16xf32> to vector<16xf32>
      %sub3A = arith.subf %get3A_740, %get3A_743 : vector<16xf32>
      %get3A_744 = arith.index_cast %mul3A_738 : i32 to index
      %get3A_745 = tpu.vector_load %arg39[%get3A_744] {strides = array<i32>} : memref<800xf32, #tpu.memory_space<vmem>>, vector<16xf32>,
      %get3A_746 = vector.shape_cast %get3A_745 : vector<16xf32> to vector<16xf32>
      %get3A_747 = arith.index_cast %mul3A_738 : i32 to index
      %get3A_748 = tpu.vector_load %arg37[%get3A_747] {strides = array<i32>} : memref<800xf32, #tpu.memory_space<vmem>>, vector<16xf32>,
      %get3A_749 = vector.shape_cast %get3A_748 : vector<16xf32> to vector<16xf32>
      %sub3A_750 = arith.subf %get3A_746, %get3A_749 : vector<16xf32>
      %get3A_751 = arith.index_cast %mul3A_738 : i32 to index
      %get3A_752 = tpu.vector_load %arg35[%get3A_751] {strides = array<i32>} : memref<800xf32, #tpu.memory_space<vmem>>, vector<16xf32>,
      %get3A_753 = vector.shape_cast %get3A_752 : vector<16xf32> to vector<16xf32>
      %get3A_754 = arith.index_cast %mul3A_738 : i32 to index
      %get3A_755 = tpu.vector_load %arg31[%get3A_754] {strides = array<i32>} : memref<800xf32, #tpu.memory_space<vmem>>, vector<16xf32>,
      %get3A_756 = vector.shape_cast %get3A_755 : vector<16xf32> to vector<16xf32>
      %sub3A_757 = arith.subf %get3A_753, %get3A_756 : vector<16xf32>
      %get3A_758 = arith.index_cast %mul3A_738 : i32 to index
      %get3A_759 = tpu.vector_load %arg41[%get3A_758] {strides = array<i32>} : memref<800xf32, #tpu.memory_space<vmem>>, vector<16xf32>,
      %get3A_760 = vector.shape_cast %get3A_759 : vector<16xf32> to vector<16xf32>
      %get3A_761 = arith.index_cast %mul3A_738 : i32 to index
      %get3A_762 = tpu.vector_load %arg37[%get3A_761] {strides = array<i32>} : memref<800xf32, #tpu.memory_space<vmem>>, vector<16xf32>,
      %get3A_763 = vector.shape_cast %get3A_762 : vector<16xf32> to vector<16xf32>
      %sub3A_764 = arith.subf %get3A_760, %get3A_763 : vector<16xf32>
      %mul3A_765 = arith.mulf %sub3A, %sub3A_764 : vector<16xf32>
      %mul3A_766 = arith.mulf %sub3A_757, %sub3A_750 : vector<16xf32>
      %sub3A_767 = arith.subf %mul3A_765, %mul3A_766 : vector<16xf32>
      %abs3A = math.absf %sub3A_767 : vector<16xf32>
      %mul3A_768 = arith.constant 0.166666672 : f32
      %mul3A_769 = vector.broadcast %mul3A_768 : f32 to vector<16xf32>
      %mul3A_770 = arith.mulf %abs3A, %mul3A_769 : vector<16xf32>
      %swap3A = arith.index_cast %mul3A_738 : i32 to index
      %swap3A_771 = tpu.vector_load %arg43[%swap3A] {strides = array<i32>} : memref<800xf32, #tpu.memory_space<vmem>>, vector<16xf32>,
      %swap3A_772 = vector.shape_cast %swap3A_771 : vector<16xf32> to vector<16xf32>
      %swap3A_773 = vector.shape_cast %mul3A_770 : vector<16xf32> to vector<16xf32>
      tpu.vector_store %arg43[%swap3A], %swap3A_773 {strides = array<i32>} : memref<800xf32, #tpu.memory_space<vmem>>, vector<16xf32>,
    }
    %scan3A_509 = arith.constant 50 : i32
    %dma_start3A_510 = arith.constant 0 : i32
    %dma_start3A_511 = tpu.memref_slice %arg46[%dma_start3A_510] : memref<100096xf32, #tpu.memory_space<vmem_shared>> -> memref<100096xf32, #tpu.memory_space<vmem_shared>>
    tpu.enqueue_indirect_dma source(%arg43 : memref<800xf32, #tpu.memory_space<vmem>>) target(%dma_start3A_511 : memref<100096xf32, #tpu.memory_space<vmem_shared>>) offsets(%arg9 : memref<800xi32, #tpu.memory_space<vmem>>) semaphore(%arg49 : memref<!tpu.dma_semaphore, #tpu.memory_space<semaphore_mem>>) {add = true}
    %dma_start3A_512 = arith.constant 0 : i32
    %dma_start3A_513 = tpu.memref_slice %arg46[%dma_start3A_512] : memref<100096xf32, #tpu.memory_space<vmem_shared>> -> memref<100096xf32, #tpu.memory_space<vmem_shared>>
    tpu.enqueue_indirect_dma source(%arg43 : memref<800xf32, #tpu.memory_space<vmem>>) target(%dma_start3A_513 : memref<100096xf32, #tpu.memory_space<vmem_shared>>) offsets(%arg17 : memref<800xi32, #tpu.memory_space<vmem>>) semaphore(%arg49 : memref<!tpu.dma_semaphore, #tpu.memory_space<semaphore_mem>>) {add = true}
    %dma_start3A_514 = arith.constant 0 : i32
    %dma_start3A_515 = tpu.memref_slice %arg46[%dma_start3A_514] : memref<100096xf32, #tpu.memory_space<vmem_shared>> -> memref<100096xf32, #tpu.memory_space<vmem_shared>>
    tpu.enqueue_indirect_dma source(%arg43 : memref<800xf32, #tpu.memory_space<vmem>>) target(%dma_start3A_515 : memref<100096xf32, #tpu.memory_space<vmem_shared>>) offsets(%arg25 : memref<800xi32, #tpu.memory_space<vmem>>) semaphore(%arg49 : memref<!tpu.dma_semaphore, #tpu.memory_space<semaphore_mem>>) {add = true}
    %dma_start3A_516 = arith.constant 0 : i32
    %dma_start3A_517 = tpu.memref_slice %arg2[%dma_start3A_516] : memref<100000xf32, #tpu.memory_space<hbm>> -> memref<100000xf32, #tpu.memory_space<hbm>>
    tpu.enqueue_indirect_dma source(%dma_start3A_517 : memref<100000xf32, #tpu.memory_space<hbm>>) target(%arg31 : memref<800xf32, #tpu.memory_space<vmem>>) offsets(%arg11 : memref<800xi32, #tpu.memory_space<vmem>>) semaphore(%arg47 : memref<!tpu.dma_semaphore, #tpu.memory_space<semaphore_mem>>)
    %dma_start3A_518 = arith.constant 0 : i32
    %dma_start3A_519 = tpu.memref_slice %arg3[%dma_start3A_518] : memref<100000xf32, #tpu.memory_space<hbm>> -> memref<100000xf32, #tpu.memory_space<hbm>>
    tpu.enqueue_indirect_dma source(%dma_start3A_519 : memref<100000xf32, #tpu.memory_space<hbm>>) target(%arg37 : memref<800xf32, #tpu.memory_space<vmem>>) offsets(%arg11 : memref<800xi32, #tpu.memory_space<vmem>>) semaphore(%arg47 : memref<!tpu.dma_semaphore, #tpu.memory_space<semaphore_mem>>)
    %dma_start3A_520 = arith.constant 0 : i32
    %dma_start3A_521 = tpu.memref_slice %arg2[%dma_start3A_520] : memref<100000xf32, #tpu.memory_space<hbm>> -> memref<100000xf32, #tpu.memory_space<hbm>>
    tpu.enqueue_indirect_dma source(%dma_start3A_521 : memref<100000xf32, #tpu.memory_space<hbm>>) target(%arg33 : memref<800xf32, #tpu.memory_space<vmem>>) offsets(%arg19 : memref<800xi32, #tpu.memory_space<vmem>>) semaphore(%arg47 : memref<!tpu.dma_semaphore, #tpu.memory_space<semaphore_mem>>)
    %dma_start3A_522 = arith.constant 0 : i32
    %dma_start3A_523 = tpu.memref_slice %arg3[%dma_start3A_522] : memref<100000xf32, #tpu.memory_space<hbm>> -> memref<100000xf32, #tpu.memory_space<hbm>>
    tpu.enqueue_indirect_dma source(%dma_start3A_523 : memref<100000xf32, #tpu.memory_space<hbm>>) target(%arg39 : memref<800xf32, #tpu.memory_space<vmem>>) offsets(%arg19 : memref<800xi32, #tpu.memory_space<vmem>>) semaphore(%arg47 : memref<!tpu.dma_semaphore, #tpu.memory_space<semaphore_mem>>)
    %dma_start3A_524 = arith.constant 0 : i32
    %dma_start3A_525 = tpu.memref_slice %arg2[%dma_start3A_524] : memref<100000xf32, #tpu.memory_space<hbm>> -> memref<100000xf32, #tpu.memory_space<hbm>>
    tpu.enqueue_indirect_dma source(%dma_start3A_525 : memref<100000xf32, #tpu.memory_space<hbm>>) target(%arg35 : memref<800xf32, #tpu.memory_space<vmem>>) offsets(%arg27 : memref<800xi32, #tpu.memory_space<vmem>>) semaphore(%arg47 : memref<!tpu.dma_semaphore, #tpu.memory_space<semaphore_mem>>)
    %dma_start3A_526 = arith.constant 0 : i32
    %dma_start3A_527 = tpu.memref_slice %arg3[%dma_start3A_526] : memref<100000xf32, #tpu.memory_space<hbm>> -> memref<100000xf32, #tpu.memory_space<hbm>>
    tpu.enqueue_indirect_dma source(%dma_start3A_527 : memref<100000xf32, #tpu.memory_space<hbm>>) target(%arg41 : memref<800xf32, #tpu.memory_space<vmem>>) offsets(%arg27 : memref<800xi32, #tpu.memory_space<vmem>>) semaphore(%arg47 : memref<!tpu.dma_semaphore, #tpu.memory_space<semaphore_mem>>)
    %dma_wait3A_528 = arith.constant 0 : i32
    %dma_wait3A_529 = tpu.memref_slice %arg2[%dma_wait3A_528] : memref<100000xf32, #tpu.memory_space<hbm>> -> memref<100000xf32, #tpu.memory_space<hbm>>
    tpu.wait_indirect_dma semaphore(%arg48 : memref<!tpu.dma_semaphore, #tpu.memory_space<semaphore_mem>>) src(%dma_wait3A_529 : memref<100000xf32, #tpu.memory_space<hbm>>) dst(%arg32 : memref<800xf32, #tpu.memory_space<vmem>>)
    %dma_wait3A_530 = arith.constant 0 : i32
    %dma_wait3A_531 = tpu.memref_slice %arg3[%dma_wait3A_530] : memref<100000xf32, #tpu.memory_space<hbm>> -> memref<100000xf32, #tpu.memory_space<hbm>>
    tpu.wait_indirect_dma semaphore(%arg48 : memref<!tpu.dma_semaphore, #tpu.memory_space<semaphore_mem>>) src(%dma_wait3A_531 : memref<100000xf32, #tpu.memory_space<hbm>>) dst(%arg38 : memref<800xf32, #tpu.memory_space<vmem>>)
    %dma_wait3A_532 = arith.constant 0 : i32
    %dma_wait3A_533 = tpu.memref_slice %arg2[%dma_wait3A_532] : memref<100000xf32, #tpu.memory_space<hbm>> -> memref<100000xf32, #tpu.memory_space<hbm>>
    tpu.wait_indirect_dma semaphore(%arg48 : memref<!tpu.dma_semaphore, #tpu.memory_space<semaphore_mem>>) src(%dma_wait3A_533 : memref<100000xf32, #tpu.memory_space<hbm>>) dst(%arg34 : memref<800xf32, #tpu.memory_space<vmem>>)
    %dma_wait3A_534 = arith.constant 0 : i32
    %dma_wait3A_535 = tpu.memref_slice %arg3[%dma_wait3A_534] : memref<100000xf32, #tpu.memory_space<hbm>> -> memref<100000xf32, #tpu.memory_space<hbm>>
    tpu.wait_indirect_dma semaphore(%arg48 : memref<!tpu.dma_semaphore, #tpu.memory_space<semaphore_mem>>) src(%dma_wait3A_535 : memref<100000xf32, #tpu.memory_space<hbm>>) dst(%arg40 : memref<800xf32, #tpu.memory_space<vmem>>)
    %dma_wait3A_536 = arith.constant 0 : i32
    %dma_wait3A_537 = tpu.memref_slice %arg2[%dma_wait3A_536] : memref<100000xf32, #tpu.memory_space<hbm>> -> memref<100000xf32, #tpu.memory_space<hbm>>
    tpu.wait_indirect_dma semaphore(%arg48 : memref<!tpu.dma_semaphore, #tpu.memory_space<semaphore_mem>>) src(%dma_wait3A_537 : memref<100000xf32, #tpu.memory_space<hbm>>) dst(%arg36 : memref<800xf32, #tpu.memory_space<vmem>>)
    %dma_wait3A_538 = arith.constant 0 : i32
    %dma_wait3A_539 = tpu.memref_slice %arg3[%dma_wait3A_538] : memref<100000xf32, #tpu.memory_space<hbm>> -> memref<100000xf32, #tpu.memory_space<hbm>>
    tpu.wait_indirect_dma semaphore(%arg48 : memref<!tpu.dma_semaphore, #tpu.memory_space<semaphore_mem>>) src(%dma_wait3A_539 : memref<100000xf32, #tpu.memory_space<hbm>>) dst(%arg42 : memref<800xf32, #tpu.memory_space<vmem>>)
    %dma_wait3A_540 = arith.constant 0 : i32
    %dma_wait3A_541 = tpu.memref_slice %arg46[%dma_wait3A_540] : memref<100096xf32, #tpu.memory_space<vmem_shared>> -> memref<100096xf32, #tpu.memory_space<vmem_shared>>
    tpu.wait_indirect_dma semaphore(%arg50 : memref<!tpu.dma_semaphore, #tpu.memory_space<semaphore_mem>>) src(%arg44 : memref<800xf32, #tpu.memory_space<vmem>>) dst(%dma_wait3A_541 : memref<100096xf32, #tpu.memory_space<vmem_shared>>)
    %dma_wait3A_542 = arith.constant 0 : i32
    %dma_wait3A_543 = tpu.memref_slice %arg46[%dma_wait3A_542] : memref<100096xf32, #tpu.memory_space<vmem_shared>> -> memref<100096xf32, #tpu.memory_space<vmem_shared>>
    tpu.wait_indirect_dma semaphore(%arg50 : memref<!tpu.dma_semaphore, #tpu.memory_space<semaphore_mem>>) src(%arg44 : memref<800xf32, #tpu.memory_space<vmem>>) dst(%dma_wait3A_543 : memref<100096xf32, #tpu.memory_space<vmem_shared>>)
    %dma_wait3A_544 = arith.constant 0 : i32
    %dma_wait3A_545 = tpu.memref_slice %arg46[%dma_wait3A_544] : memref<100096xf32, #tpu.memory_space<vmem_shared>> -> memref<100096xf32, #tpu.memory_space<vmem_shared>>
    tpu.wait_indirect_dma semaphore(%arg50 : memref<!tpu.dma_semaphore, #tpu.memory_space<semaphore_mem>>) src(%arg44 : memref<800xf32, #tpu.memory_space<vmem>>) dst(%dma_wait3A_545 : memref<100096xf32, #tpu.memory_space<vmem_shared>>)
    %scan3A_546 = arith.constant 0 : i32
    %scan3A_547 = arith.constant 0 : i32
    %scan3A_548 = arith.constant 50 : i32
    %scan3A_549 = arith.addi %scan3A_547, %scan3A_548 : i32
    %scan3A_550 = arith.constant 1 : i32
    scf.for %scan3A_736 = %scan3A_547 to %scan3A_549 step %scan3A_550  : i32 {
      %mul3A_737 = arith.constant 16 : i32
      %mul3A_738 = arith.muli %scan3A_736, %mul3A_737 : i32
      %get3A = arith.index_cast %mul3A_738 : i32 to index
      %get3A_739 = tpu.vector_load %arg34[%get3A] {strides = array<i32>} : memref<800xf32, #tpu.memory_space<vmem>>, vector<16xf32>,
      %get3A_740 = vector.shape_cast %get3A_739 : vector<16xf32> to vector<16xf32>
      %get3A_741 = arith.index_cast %mul3A_738 : i32 to index
      %get3A_742 = tpu.vector_load %arg32[%get3A_741] {strides = array<i32>} : memref<800xf32, #tpu.memory_space<vmem>>, vector<16xf32>,
      %get3A_743 = vector.shape_cast %get3A_742 : vector<16xf32> to vector<16xf32>
      %sub3A = arith.subf %get3A_740, %get3A_743 : vector<16xf32>
      %get3A_744 = arith.index_cast %mul3A_738 : i32 to index
      %get3A_745 = tpu.vector_load %arg40[%get3A_744] {strides = array<i32>} : memref<800xf32, #tpu.memory_space<vmem>>, vector<16xf32>,
      %get3A_746 = vector.shape_cast %get3A_745 : vector<16xf32> to vector<16xf32>
      %get3A_747 = arith.index_cast %mul3A_738 : i32 to index
      %get3A_748 = tpu.vector_load %arg38[%get3A_747] {strides = array<i32>} : memref<800xf32, #tpu.memory_space<vmem>>, vector<16xf32>,
      %get3A_749 = vector.shape_cast %get3A_748 : vector<16xf32> to vector<16xf32>
      %sub3A_750 = arith.subf %get3A_746, %get3A_749 : vector<16xf32>
      %get3A_751 = arith.index_cast %mul3A_738 : i32 to index
      %get3A_752 = tpu.vector_load %arg36[%get3A_751] {strides = array<i32>} : memref<800xf32, #tpu.memory_space<vmem>>, vector<16xf32>,
      %get3A_753 = vector.shape_cast %get3A_752 : vector<16xf32> to vector<16xf32>
      %get3A_754 = arith.index_cast %mul3A_738 : i32 to index
      %get3A_755 = tpu.vector_load %arg32[%get3A_754] {strides = array<i32>} : memref<800xf32, #tpu.memory_space<vmem>>, vector<16xf32>,
      %get3A_756 = vector.shape_cast %get3A_755 : vector<16xf32> to vector<16xf32>
      %sub3A_757 = arith.subf %get3A_753, %get3A_756 : vector<16xf32>
      %get3A_758 = arith.index_cast %mul3A_738 : i32 to index
      %get3A_759 = tpu.vector_load %arg42[%get3A_758] {strides = array<i32>} : memref<800xf32, #tpu.memory_space<vmem>>, vector<16xf32>,
      %get3A_760 = vector.shape_cast %get3A_759 : vector<16xf32> to vector<16xf32>
      %get3A_761 = arith.index_cast %mul3A_738 : i32 to index
      %get3A_762 = tpu.vector_load %arg38[%get3A_761] {strides = array<i32>} : memref<800xf32, #tpu.memory_space<vmem>>, vector<16xf32>,
      %get3A_763 = vector.shape_cast %get3A_762 : vector<16xf32> to vector<16xf32>
      %sub3A_764 = arith.subf %get3A_760, %get3A_763 : vector<16xf32>
      %mul3A_765 = arith.mulf %sub3A, %sub3A_764 : vector<16xf32>
      %mul3A_766 = arith.mulf %sub3A_757, %sub3A_750 : vector<16xf32>
      %sub3A_767 = arith.subf %mul3A_765, %mul3A_766 : vector<16xf32>
      %abs3A = math.absf %sub3A_767 : vector<16xf32>
      %mul3A_768 = arith.constant 0.166666672 : f32
      %mul3A_769 = vector.broadcast %mul3A_768 : f32 to vector<16xf32>
      %mul3A_770 = arith.mulf %abs3A, %mul3A_769 : vector<16xf32>
      %swap3A = arith.index_cast %mul3A_738 : i32 to index
      %swap3A_771 = tpu.vector_load %arg44[%swap3A] {strides = array<i32>} : memref<800xf32, #tpu.memory_space<vmem>>, vector<16xf32>,
      %swap3A_772 = vector.shape_cast %swap3A_771 : vector<16xf32> to vector<16xf32>
      %swap3A_773 = vector.shape_cast %mul3A_770 : vector<16xf32> to vector<16xf32>
      tpu.vector_store %arg44[%swap3A], %swap3A_773 {strides = array<i32>} : memref<800xf32, #tpu.memory_space<vmem>>, vector<16xf32>,
    }
    %scan3A_551 = arith.constant 50 : i32
    %dma_start3A_552 = arith.constant 0 : i32
    %dma_start3A_553 = tpu.memref_slice %arg46[%dma_start3A_552] : memref<100096xf32, #tpu.memory_space<vmem_shared>> -> memref<100096xf32, #tpu.memory_space<vmem_shared>>
    tpu.enqueue_indirect_dma source(%arg44 : memref<800xf32, #tpu.memory_space<vmem>>) target(%dma_start3A_553 : memref<100096xf32, #tpu.memory_space<vmem_shared>>) offsets(%arg10 : memref<800xi32, #tpu.memory_space<vmem>>) semaphore(%arg50 : memref<!tpu.dma_semaphore, #tpu.memory_space<semaphore_mem>>) {add = true}
    %dma_start3A_554 = arith.constant 0 : i32
    %dma_start3A_555 = tpu.memref_slice %arg46[%dma_start3A_554] : memref<100096xf32, #tpu.memory_space<vmem_shared>> -> memref<100096xf32, #tpu.memory_space<vmem_shared>>
    tpu.enqueue_indirect_dma source(%arg44 : memref<800xf32, #tpu.memory_space<vmem>>) target(%dma_start3A_555 : memref<100096xf32, #tpu.memory_space<vmem_shared>>) offsets(%arg18 : memref<800xi32, #tpu.memory_space<vmem>>) semaphore(%arg50 : memref<!tpu.dma_semaphore, #tpu.memory_space<semaphore_mem>>) {add = true}
    %dma_start3A_556 = arith.constant 0 : i32
    %dma_start3A_557 = tpu.memref_slice %arg46[%dma_start3A_556] : memref<100096xf32, #tpu.memory_space<vmem_shared>> -> memref<100096xf32, #tpu.memory_space<vmem_shared>>
    tpu.enqueue_indirect_dma source(%arg44 : memref<800xf32, #tpu.memory_space<vmem>>) target(%dma_start3A_557 : memref<100096xf32, #tpu.memory_space<vmem_shared>>) offsets(%arg26 : memref<800xi32, #tpu.memory_space<vmem>>) semaphore(%arg50 : memref<!tpu.dma_semaphore, #tpu.memory_space<semaphore_mem>>) {add = true}
    %dma_start3A_558 = arith.constant 0 : i32
    %dma_start3A_559 = tpu.memref_slice %arg2[%dma_start3A_558] : memref<100000xf32, #tpu.memory_space<hbm>> -> memref<100000xf32, #tpu.memory_space<hbm>>
    tpu.enqueue_indirect_dma source(%dma_start3A_559 : memref<100000xf32, #tpu.memory_space<hbm>>) target(%arg32 : memref<800xf32, #tpu.memory_space<vmem>>) offsets(%arg12 : memref<800xi32, #tpu.memory_space<vmem>>) semaphore(%arg48 : memref<!tpu.dma_semaphore, #tpu.memory_space<semaphore_mem>>)
    %dma_start3A_560 = arith.constant 0 : i32
    %dma_start3A_561 = tpu.memref_slice %arg3[%dma_start3A_560] : memref<100000xf32, #tpu.memory_space<hbm>> -> memref<100000xf32, #tpu.memory_space<hbm>>
    tpu.enqueue_indirect_dma source(%dma_start3A_561 : memref<100000xf32, #tpu.memory_space<hbm>>) target(%arg38 : memref<800xf32, #tpu.memory_space<vmem>>) offsets(%arg12 : memref<800xi32, #tpu.memory_space<vmem>>) semaphore(%arg48 : memref<!tpu.dma_semaphore, #tpu.memory_space<semaphore_mem>>)
    %dma_start3A_562 = arith.constant 0 : i32
    %dma_start3A_563 = tpu.memref_slice %arg2[%dma_start3A_562] : memref<100000xf32, #tpu.memory_space<hbm>> -> memref<100000xf32, #tpu.memory_space<hbm>>
    tpu.enqueue_indirect_dma source(%dma_start3A_563 : memref<100000xf32, #tpu.memory_space<hbm>>) target(%arg34 : memref<800xf32, #tpu.memory_space<vmem>>) offsets(%arg20 : memref<800xi32, #tpu.memory_space<vmem>>) semaphore(%arg48 : memref<!tpu.dma_semaphore, #tpu.memory_space<semaphore_mem>>)
    %dma_start3A_564 = arith.constant 0 : i32
    %dma_start3A_565 = tpu.memref_slice %arg3[%dma_start3A_564] : memref<100000xf32, #tpu.memory_space<hbm>> -> memref<100000xf32, #tpu.memory_space<hbm>>
    tpu.enqueue_indirect_dma source(%dma_start3A_565 : memref<100000xf32, #tpu.memory_space<hbm>>) target(%arg40 : memref<800xf32, #tpu.memory_space<vmem>>) offsets(%arg20 : memref<800xi32, #tpu.memory_space<vmem>>) semaphore(%arg48 : memref<!tpu.dma_semaphore, #tpu.memory_space<semaphore_mem>>)
    %dma_start3A_566 = arith.constant 0 : i32
    %dma_start3A_567 = tpu.memref_slice %arg2[%dma_start3A_566] : memref<100000xf32, #tpu.memory_space<hbm>> -> memref<100000xf32, #tpu.memory_space<hbm>>
    tpu.enqueue_indirect_dma source(%dma_start3A_567 : memref<100000xf32, #tpu.memory_space<hbm>>) target(%arg36 : memref<800xf32, #tpu.memory_space<vmem>>) offsets(%arg28 : memref<800xi32, #tpu.memory_space<vmem>>) semaphore(%arg48 : memref<!tpu.dma_semaphore, #tpu.memory_space<semaphore_mem>>)
    %dma_start3A_568 = arith.constant 0 : i32
    %dma_start3A_569 = tpu.memref_slice %arg3[%dma_start3A_568] : memref<100000xf32, #tpu.memory_space<hbm>> -> memref<100000xf32, #tpu.memory_space<hbm>>
    tpu.enqueue_indirect_dma source(%dma_start3A_569 : memref<100000xf32, #tpu.memory_space<hbm>>) target(%arg42 : memref<800xf32, #tpu.memory_space<vmem>>) offsets(%arg28 : memref<800xi32, #tpu.memory_space<vmem>>) semaphore(%arg48 : memref<!tpu.dma_semaphore, #tpu.memory_space<semaphore_mem>>)
    %dma_wait3A_570 = arith.constant 0 : i32
    %dma_wait3A_571 = tpu.memref_slice %arg2[%dma_wait3A_570] : memref<100000xf32, #tpu.memory_space<hbm>> -> memref<100000xf32, #tpu.memory_space<hbm>>
    tpu.wait_indirect_dma semaphore(%arg47 : memref<!tpu.dma_semaphore, #tpu.memory_space<semaphore_mem>>) src(%dma_wait3A_571 : memref<100000xf32, #tpu.memory_space<hbm>>) dst(%arg31 : memref<800xf32, #tpu.memory_space<vmem>>)
    %dma_wait3A_572 = arith.constant 0 : i32
    %dma_wait3A_573 = tpu.memref_slice %arg3[%dma_wait3A_572] : memref<100000xf32, #tpu.memory_space<hbm>> -> memref<100000xf32, #tpu.memory_space<hbm>>
    tpu.wait_indirect_dma semaphore(%arg47 : memref<!tpu.dma_semaphore, #tpu.memory_space<semaphore_mem>>) src(%dma_wait3A_573 : memref<100000xf32, #tpu.memory_space<hbm>>) dst(%arg37 : memref<800xf32, #tpu.memory_space<vmem>>)
    %dma_wait3A_574 = arith.constant 0 : i32
    %dma_wait3A_575 = tpu.memref_slice %arg2[%dma_wait3A_574] : memref<100000xf32, #tpu.memory_space<hbm>> -> memref<100000xf32, #tpu.memory_space<hbm>>
    tpu.wait_indirect_dma semaphore(%arg47 : memref<!tpu.dma_semaphore, #tpu.memory_space<semaphore_mem>>) src(%dma_wait3A_575 : memref<100000xf32, #tpu.memory_space<hbm>>) dst(%arg33 : memref<800xf32, #tpu.memory_space<vmem>>)
    %dma_wait3A_576 = arith.constant 0 : i32
    %dma_wait3A_577 = tpu.memref_slice %arg3[%dma_wait3A_576] : memref<100000xf32, #tpu.memory_space<hbm>> -> memref<100000xf32, #tpu.memory_space<hbm>>
    tpu.wait_indirect_dma semaphore(%arg47 : memref<!tpu.dma_semaphore, #tpu.memory_space<semaphore_mem>>) src(%dma_wait3A_577 : memref<100000xf32, #tpu.memory_space<hbm>>) dst(%arg39 : memref<800xf32, #tpu.memory_space<vmem>>)
    %dma_wait3A_578 = arith.constant 0 : i32
    %dma_wait3A_579 = tpu.memref_slice %arg2[%dma_wait3A_578] : memref<100000xf32, #tpu.memory_space<hbm>> -> memref<100000xf32, #tpu.memory_space<hbm>>
    tpu.wait_indirect_dma semaphore(%arg47 : memref<!tpu.dma_semaphore, #tpu.memory_space<semaphore_mem>>) src(%dma_wait3A_579 : memref<100000xf32, #tpu.memory_space<hbm>>) dst(%arg35 : memref<800xf32, #tpu.memory_space<vmem>>)
    %dma_wait3A_580 = arith.constant 0 : i32
    %dma_wait3A_581 = tpu.memref_slice %arg3[%dma_wait3A_580] : memref<100000xf32, #tpu.memory_space<hbm>> -> memref<100000xf32, #tpu.memory_space<hbm>>
    tpu.wait_indirect_dma semaphore(%arg47 : memref<!tpu.dma_semaphore, #tpu.memory_space<semaphore_mem>>) src(%dma_wait3A_581 : memref<100000xf32, #tpu.memory_space<hbm>>) dst(%arg41 : memref<800xf32, #tpu.memory_space<vmem>>)
    %dma_wait3A_582 = arith.constant 0 : i32
    %dma_wait3A_583 = tpu.memref_slice %arg46[%dma_wait3A_582] : memref<100096xf32, #tpu.memory_space<vmem_shared>> -> memref<100096xf32, #tpu.memory_space<vmem_shared>>
    tpu.wait_indirect_dma semaphore(%arg49 : memref<!tpu.dma_semaphore, #tpu.memory_space<semaphore_mem>>) src(%arg43 : memref<800xf32, #tpu.memory_space<vmem>>) dst(%dma_wait3A_583 : memref<100096xf32, #tpu.memory_space<vmem_shared>>)
    %dma_wait3A_584 = arith.constant 0 : i32
    %dma_wait3A_585 = tpu.memref_slice %arg46[%dma_wait3A_584] : memref<100096xf32, #tpu.memory_space<vmem_shared>> -> memref<100096xf32, #tpu.memory_space<vmem_shared>>
    tpu.wait_indirect_dma semaphore(%arg49 : memref<!tpu.dma_semaphore, #tpu.memory_space<semaphore_mem>>) src(%arg43 : memref<800xf32, #tpu.memory_space<vmem>>) dst(%dma_wait3A_585 : memref<100096xf32, #tpu.memory_space<vmem_shared>>)
    %dma_wait3A_586 = arith.constant 0 : i32
    %dma_wait3A_587 = tpu.memref_slice %arg46[%dma_wait3A_586] : memref<100096xf32, #tpu.memory_space<vmem_shared>> -> memref<100096xf32, #tpu.memory_space<vmem_shared>>
    tpu.wait_indirect_dma semaphore(%arg49 : memref<!tpu.dma_semaphore, #tpu.memory_space<semaphore_mem>>) src(%arg43 : memref<800xf32, #tpu.memory_space<vmem>>) dst(%dma_wait3A_587 : memref<100096xf32, #tpu.memory_space<vmem_shared>>)
    %scan3A_588 = arith.constant 0 : i32
    %scan3A_589 = arith.constant 0 : i32
    %scan3A_590 = arith.constant 50 : i32
    %scan3A_591 = arith.addi %scan3A_589, %scan3A_590 : i32
    %scan3A_592 = arith.constant 1 : i32
    scf.for %scan3A_736 = %scan3A_589 to %scan3A_591 step %scan3A_592  : i32 {
      %mul3A_737 = arith.constant 16 : i32
      %mul3A_738 = arith.muli %scan3A_736, %mul3A_737 : i32
      %get3A = arith.index_cast %mul3A_738 : i32 to index
      %get3A_739 = tpu.vector_load %arg33[%get3A] {strides = array<i32>} : memref<800xf32, #tpu.memory_space<vmem>>, vector<16xf32>,
      %get3A_740 = vector.shape_cast %get3A_739 : vector<16xf32> to vector<16xf32>
      %get3A_741 = arith.index_cast %mul3A_738 : i32 to index
      %get3A_742 = tpu.vector_load %arg31[%get3A_741] {strides = array<i32>} : memref<800xf32, #tpu.memory_space<vmem>>, vector<16xf32>,
      %get3A_743 = vector.shape_cast %get3A_742 : vector<16xf32> to vector<16xf32>
      %sub3A = arith.subf %get3A_740, %get3A_743 : vector<16xf32>
      %get3A_744 = arith.index_cast %mul3A_738 : i32 to index
      %get3A_745 = tpu.vector_load %arg39[%get3A_744] {strides = array<i32>} : memref<800xf32, #tpu.memory_space<vmem>>, vector<16xf32>,
      %get3A_746 = vector.shape_cast %get3A_745 : vector<16xf32> to vector<16xf32>
      %get3A_747 = arith.index_cast %mul3A_738 : i32 to index
      %get3A_748 = tpu.vector_load %arg37[%get3A_747] {strides = array<i32>} : memref<800xf32, #tpu.memory_space<vmem>>, vector<16xf32>,
      %get3A_749 = vector.shape_cast %get3A_748 : vector<16xf32> to vector<16xf32>
      %sub3A_750 = arith.subf %get3A_746, %get3A_749 : vector<16xf32>
      %get3A_751 = arith.index_cast %mul3A_738 : i32 to index
      %get3A_752 = tpu.vector_load %arg35[%get3A_751] {strides = array<i32>} : memref<800xf32, #tpu.memory_space<vmem>>, vector<16xf32>,
      %get3A_753 = vector.shape_cast %get3A_752 : vector<16xf32> to vector<16xf32>
      %get3A_754 = arith.index_cast %mul3A_738 : i32 to index
      %get3A_755 = tpu.vector_load %arg31[%get3A_754] {strides = array<i32>} : memref<800xf32, #tpu.memory_space<vmem>>, vector<16xf32>,
      %get3A_756 = vector.shape_cast %get3A_755 : vector<16xf32> to vector<16xf32>
      %sub3A_757 = arith.subf %get3A_753, %get3A_756 : vector<16xf32>
      %get3A_758 = arith.index_cast %mul3A_738 : i32 to index
      %get3A_759 = tpu.vector_load %arg41[%get3A_758] {strides = array<i32>} : memref<800xf32, #tpu.memory_space<vmem>>, vector<16xf32>,
      %get3A_760 = vector.shape_cast %get3A_759 : vector<16xf32> to vector<16xf32>
      %get3A_761 = arith.index_cast %mul3A_738 : i32 to index
      %get3A_762 = tpu.vector_load %arg37[%get3A_761] {strides = array<i32>} : memref<800xf32, #tpu.memory_space<vmem>>, vector<16xf32>,
      %get3A_763 = vector.shape_cast %get3A_762 : vector<16xf32> to vector<16xf32>
      %sub3A_764 = arith.subf %get3A_760, %get3A_763 : vector<16xf32>
      %mul3A_765 = arith.mulf %sub3A, %sub3A_764 : vector<16xf32>
      %mul3A_766 = arith.mulf %sub3A_757, %sub3A_750 : vector<16xf32>
      %sub3A_767 = arith.subf %mul3A_765, %mul3A_766 : vector<16xf32>
      %abs3A = math.absf %sub3A_767 : vector<16xf32>
      %mul3A_768 = arith.constant 0.166666672 : f32
      %mul3A_769 = vector.broadcast %mul3A_768 : f32 to vector<16xf32>
      %mul3A_770 = arith.mulf %abs3A, %mul3A_769 : vector<16xf32>
      %swap3A = arith.index_cast %mul3A_738 : i32 to index
      %swap3A_771 = tpu.vector_load %arg43[%swap3A] {strides = array<i32>} : memref<800xf32, #tpu.memory_space<vmem>>, vector<16xf32>,
      %swap3A_772 = vector.shape_cast %swap3A_771 : vector<16xf32> to vector<16xf32>
      %swap3A_773 = vector.shape_cast %mul3A_770 : vector<16xf32> to vector<16xf32>
      tpu.vector_store %arg43[%swap3A], %swap3A_773 {strides = array<i32>} : memref<800xf32, #tpu.memory_space<vmem>>, vector<16xf32>,
    }
    %scan3A_593 = arith.constant 50 : i32
    %dma_start3A_594 = arith.constant 0 : i32
    %dma_start3A_595 = tpu.memref_slice %arg46[%dma_start3A_594] : memref<100096xf32, #tpu.memory_space<vmem_shared>> -> memref<100096xf32, #tpu.memory_space<vmem_shared>>
    tpu.enqueue_indirect_dma source(%arg43 : memref<800xf32, #tpu.memory_space<vmem>>) target(%dma_start3A_595 : memref<100096xf32, #tpu.memory_space<vmem_shared>>) offsets(%arg11 : memref<800xi32, #tpu.memory_space<vmem>>) semaphore(%arg49 : memref<!tpu.dma_semaphore, #tpu.memory_space<semaphore_mem>>) {add = true}
    %dma_start3A_596 = arith.constant 0 : i32
    %dma_start3A_597 = tpu.memref_slice %arg46[%dma_start3A_596] : memref<100096xf32, #tpu.memory_space<vmem_shared>> -> memref<100096xf32, #tpu.memory_space<vmem_shared>>
    tpu.enqueue_indirect_dma source(%arg43 : memref<800xf32, #tpu.memory_space<vmem>>) target(%dma_start3A_597 : memref<100096xf32, #tpu.memory_space<vmem_shared>>) offsets(%arg19 : memref<800xi32, #tpu.memory_space<vmem>>) semaphore(%arg49 : memref<!tpu.dma_semaphore, #tpu.memory_space<semaphore_mem>>) {add = true}
    %dma_start3A_598 = arith.constant 0 : i32
    %dma_start3A_599 = tpu.memref_slice %arg46[%dma_start3A_598] : memref<100096xf32, #tpu.memory_space<vmem_shared>> -> memref<100096xf32, #tpu.memory_space<vmem_shared>>
    tpu.enqueue_indirect_dma source(%arg43 : memref<800xf32, #tpu.memory_space<vmem>>) target(%dma_start3A_599 : memref<100096xf32, #tpu.memory_space<vmem_shared>>) offsets(%arg27 : memref<800xi32, #tpu.memory_space<vmem>>) semaphore(%arg49 : memref<!tpu.dma_semaphore, #tpu.memory_space<semaphore_mem>>) {add = true}
    %dma_start3A_600 = arith.constant 0 : i32
    %dma_start3A_601 = tpu.memref_slice %arg2[%dma_start3A_600] : memref<100000xf32, #tpu.memory_space<hbm>> -> memref<100000xf32, #tpu.memory_space<hbm>>
    tpu.enqueue_indirect_dma source(%dma_start3A_601 : memref<100000xf32, #tpu.memory_space<hbm>>) target(%arg31 : memref<800xf32, #tpu.memory_space<vmem>>) offsets(%arg13 : memref<800xi32, #tpu.memory_space<vmem>>) semaphore(%arg47 : memref<!tpu.dma_semaphore, #tpu.memory_space<semaphore_mem>>)
    %dma_start3A_602 = arith.constant 0 : i32
    %dma_start3A_603 = tpu.memref_slice %arg3[%dma_start3A_602] : memref<100000xf32, #tpu.memory_space<hbm>> -> memref<100000xf32, #tpu.memory_space<hbm>>
    tpu.enqueue_indirect_dma source(%dma_start3A_603 : memref<100000xf32, #tpu.memory_space<hbm>>) target(%arg37 : memref<800xf32, #tpu.memory_space<vmem>>) offsets(%arg13 : memref<800xi32, #tpu.memory_space<vmem>>) semaphore(%arg47 : memref<!tpu.dma_semaphore, #tpu.memory_space<semaphore_mem>>)
    %dma_start3A_604 = arith.constant 0 : i32
    %dma_start3A_605 = tpu.memref_slice %arg2[%dma_start3A_604] : memref<100000xf32, #tpu.memory_space<hbm>> -> memref<100000xf32, #tpu.memory_space<hbm>>
    tpu.enqueue_indirect_dma source(%dma_start3A_605 : memref<100000xf32, #tpu.memory_space<hbm>>) target(%arg33 : memref<800xf32, #tpu.memory_space<vmem>>) offsets(%arg21 : memref<800xi32, #tpu.memory_space<vmem>>) semaphore(%arg47 : memref<!tpu.dma_semaphore, #tpu.memory_space<semaphore_mem>>)
    %dma_start3A_606 = arith.constant 0 : i32
    %dma_start3A_607 = tpu.memref_slice %arg3[%dma_start3A_606] : memref<100000xf32, #tpu.memory_space<hbm>> -> memref<100000xf32, #tpu.memory_space<hbm>>
    tpu.enqueue_indirect_dma source(%dma_start3A_607 : memref<100000xf32, #tpu.memory_space<hbm>>) target(%arg39 : memref<800xf32, #tpu.memory_space<vmem>>) offsets(%arg21 : memref<800xi32, #tpu.memory_space<vmem>>) semaphore(%arg47 : memref<!tpu.dma_semaphore, #tpu.memory_space<semaphore_mem>>)
    %dma_start3A_608 = arith.constant 0 : i32
    %dma_start3A_609 = tpu.memref_slice %arg2[%dma_start3A_608] : memref<100000xf32, #tpu.memory_space<hbm>> -> memref<100000xf32, #tpu.memory_space<hbm>>
    tpu.enqueue_indirect_dma source(%dma_start3A_609 : memref<100000xf32, #tpu.memory_space<hbm>>) target(%arg35 : memref<800xf32, #tpu.memory_space<vmem>>) offsets(%arg29 : memref<800xi32, #tpu.memory_space<vmem>>) semaphore(%arg47 : memref<!tpu.dma_semaphore, #tpu.memory_space<semaphore_mem>>)
    %dma_start3A_610 = arith.constant 0 : i32
    %dma_start3A_611 = tpu.memref_slice %arg3[%dma_start3A_610] : memref<100000xf32, #tpu.memory_space<hbm>> -> memref<100000xf32, #tpu.memory_space<hbm>>
    tpu.enqueue_indirect_dma source(%dma_start3A_611 : memref<100000xf32, #tpu.memory_space<hbm>>) target(%arg41 : memref<800xf32, #tpu.memory_space<vmem>>) offsets(%arg29 : memref<800xi32, #tpu.memory_space<vmem>>) semaphore(%arg47 : memref<!tpu.dma_semaphore, #tpu.memory_space<semaphore_mem>>)
    %dma_wait3A_612 = arith.constant 0 : i32
    %dma_wait3A_613 = tpu.memref_slice %arg2[%dma_wait3A_612] : memref<100000xf32, #tpu.memory_space<hbm>> -> memref<100000xf32, #tpu.memory_space<hbm>>
    tpu.wait_indirect_dma semaphore(%arg48 : memref<!tpu.dma_semaphore, #tpu.memory_space<semaphore_mem>>) src(%dma_wait3A_613 : memref<100000xf32, #tpu.memory_space<hbm>>) dst(%arg32 : memref<800xf32, #tpu.memory_space<vmem>>)
    %dma_wait3A_614 = arith.constant 0 : i32
    %dma_wait3A_615 = tpu.memref_slice %arg3[%dma_wait3A_614] : memref<100000xf32, #tpu.memory_space<hbm>> -> memref<100000xf32, #tpu.memory_space<hbm>>
    tpu.wait_indirect_dma semaphore(%arg48 : memref<!tpu.dma_semaphore, #tpu.memory_space<semaphore_mem>>) src(%dma_wait3A_615 : memref<100000xf32, #tpu.memory_space<hbm>>) dst(%arg38 : memref<800xf32, #tpu.memory_space<vmem>>)
    %dma_wait3A_616 = arith.constant 0 : i32
    %dma_wait3A_617 = tpu.memref_slice %arg2[%dma_wait3A_616] : memref<100000xf32, #tpu.memory_space<hbm>> -> memref<100000xf32, #tpu.memory_space<hbm>>
    tpu.wait_indirect_dma semaphore(%arg48 : memref<!tpu.dma_semaphore, #tpu.memory_space<semaphore_mem>>) src(%dma_wait3A_617 : memref<100000xf32, #tpu.memory_space<hbm>>) dst(%arg34 : memref<800xf32, #tpu.memory_space<vmem>>)
    %dma_wait3A_618 = arith.constant 0 : i32
    %dma_wait3A_619 = tpu.memref_slice %arg3[%dma_wait3A_618] : memref<100000xf32, #tpu.memory_space<hbm>> -> memref<100000xf32, #tpu.memory_space<hbm>>
    tpu.wait_indirect_dma semaphore(%arg48 : memref<!tpu.dma_semaphore, #tpu.memory_space<semaphore_mem>>) src(%dma_wait3A_619 : memref<100000xf32, #tpu.memory_space<hbm>>) dst(%arg40 : memref<800xf32, #tpu.memory_space<vmem>>)
    %dma_wait3A_620 = arith.constant 0 : i32
    %dma_wait3A_621 = tpu.memref_slice %arg2[%dma_wait3A_620] : memref<100000xf32, #tpu.memory_space<hbm>> -> memref<100000xf32, #tpu.memory_space<hbm>>
    tpu.wait_indirect_dma semaphore(%arg48 : memref<!tpu.dma_semaphore, #tpu.memory_space<semaphore_mem>>) src(%dma_wait3A_621 : memref<100000xf32, #tpu.memory_space<hbm>>) dst(%arg36 : memref<800xf32, #tpu.memory_space<vmem>>)
    %dma_wait3A_622 = arith.constant 0 : i32
    %dma_wait3A_623 = tpu.memref_slice %arg3[%dma_wait3A_622] : memref<100000xf32, #tpu.memory_space<hbm>> -> memref<100000xf32, #tpu.memory_space<hbm>>
    tpu.wait_indirect_dma semaphore(%arg48 : memref<!tpu.dma_semaphore, #tpu.memory_space<semaphore_mem>>) src(%dma_wait3A_623 : memref<100000xf32, #tpu.memory_space<hbm>>) dst(%arg42 : memref<800xf32, #tpu.memory_space<vmem>>)
    %dma_wait3A_624 = arith.constant 0 : i32
    %dma_wait3A_625 = tpu.memref_slice %arg46[%dma_wait3A_624] : memref<100096xf32, #tpu.memory_space<vmem_shared>> -> memref<100096xf32, #tpu.memory_space<vmem_shared>>
    tpu.wait_indirect_dma semaphore(%arg50 : memref<!tpu.dma_semaphore, #tpu.memory_space<semaphore_mem>>) src(%arg44 : memref<800xf32, #tpu.memory_space<vmem>>) dst(%dma_wait3A_625 : memref<100096xf32, #tpu.memory_space<vmem_shared>>)
    %dma_wait3A_626 = arith.constant 0 : i32
    %dma_wait3A_627 = tpu.memref_slice %arg46[%dma_wait3A_626] : memref<100096xf32, #tpu.memory_space<vmem_shared>> -> memref<100096xf32, #tpu.memory_space<vmem_shared>>
    tpu.wait_indirect_dma semaphore(%arg50 : memref<!tpu.dma_semaphore, #tpu.memory_space<semaphore_mem>>) src(%arg44 : memref<800xf32, #tpu.memory_space<vmem>>) dst(%dma_wait3A_627 : memref<100096xf32, #tpu.memory_space<vmem_shared>>)
    %dma_wait3A_628 = arith.constant 0 : i32
    %dma_wait3A_629 = tpu.memref_slice %arg46[%dma_wait3A_628] : memref<100096xf32, #tpu.memory_space<vmem_shared>> -> memref<100096xf32, #tpu.memory_space<vmem_shared>>
    tpu.wait_indirect_dma semaphore(%arg50 : memref<!tpu.dma_semaphore, #tpu.memory_space<semaphore_mem>>) src(%arg44 : memref<800xf32, #tpu.memory_space<vmem>>) dst(%dma_wait3A_629 : memref<100096xf32, #tpu.memory_space<vmem_shared>>)
    %scan3A_630 = arith.constant 0 : i32
    %scan3A_631 = arith.constant 0 : i32
    %scan3A_632 = arith.constant 50 : i32
    %scan3A_633 = arith.addi %scan3A_631, %scan3A_632 : i32
    %scan3A_634 = arith.constant 1 : i32
    scf.for %scan3A_736 = %scan3A_631 to %scan3A_633 step %scan3A_634  : i32 {
      %mul3A_737 = arith.constant 16 : i32
      %mul3A_738 = arith.muli %scan3A_736, %mul3A_737 : i32
      %get3A = arith.index_cast %mul3A_738 : i32 to index
      %get3A_739 = tpu.vector_load %arg34[%get3A] {strides = array<i32>} : memref<800xf32, #tpu.memory_space<vmem>>, vector<16xf32>,
      %get3A_740 = vector.shape_cast %get3A_739 : vector<16xf32> to vector<16xf32>
      %get3A_741 = arith.index_cast %mul3A_738 : i32 to index
      %get3A_742 = tpu.vector_load %arg32[%get3A_741] {strides = array<i32>} : memref<800xf32, #tpu.memory_space<vmem>>, vector<16xf32>,
      %get3A_743 = vector.shape_cast %get3A_742 : vector<16xf32> to vector<16xf32>
      %sub3A = arith.subf %get3A_740, %get3A_743 : vector<16xf32>
      %get3A_744 = arith.index_cast %mul3A_738 : i32 to index
      %get3A_745 = tpu.vector_load %arg40[%get3A_744] {strides = array<i32>} : memref<800xf32, #tpu.memory_space<vmem>>, vector<16xf32>,
      %get3A_746 = vector.shape_cast %get3A_745 : vector<16xf32> to vector<16xf32>
      %get3A_747 = arith.index_cast %mul3A_738 : i32 to index
      %get3A_748 = tpu.vector_load %arg38[%get3A_747] {strides = array<i32>} : memref<800xf32, #tpu.memory_space<vmem>>, vector<16xf32>,
      %get3A_749 = vector.shape_cast %get3A_748 : vector<16xf32> to vector<16xf32>
      %sub3A_750 = arith.subf %get3A_746, %get3A_749 : vector<16xf32>
      %get3A_751 = arith.index_cast %mul3A_738 : i32 to index
      %get3A_752 = tpu.vector_load %arg36[%get3A_751] {strides = array<i32>} : memref<800xf32, #tpu.memory_space<vmem>>, vector<16xf32>,
      %get3A_753 = vector.shape_cast %get3A_752 : vector<16xf32> to vector<16xf32>
      %get3A_754 = arith.index_cast %mul3A_738 : i32 to index
      %get3A_755 = tpu.vector_load %arg32[%get3A_754] {strides = array<i32>} : memref<800xf32, #tpu.memory_space<vmem>>, vector<16xf32>,
      %get3A_756 = vector.shape_cast %get3A_755 : vector<16xf32> to vector<16xf32>
      %sub3A_757 = arith.subf %get3A_753, %get3A_756 : vector<16xf32>
      %get3A_758 = arith.index_cast %mul3A_738 : i32 to index
      %get3A_759 = tpu.vector_load %arg42[%get3A_758] {strides = array<i32>} : memref<800xf32, #tpu.memory_space<vmem>>, vector<16xf32>,
      %get3A_760 = vector.shape_cast %get3A_759 : vector<16xf32> to vector<16xf32>
      %get3A_761 = arith.index_cast %mul3A_738 : i32 to index
      %get3A_762 = tpu.vector_load %arg38[%get3A_761] {strides = array<i32>} : memref<800xf32, #tpu.memory_space<vmem>>, vector<16xf32>,
      %get3A_763 = vector.shape_cast %get3A_762 : vector<16xf32> to vector<16xf32>
      %sub3A_764 = arith.subf %get3A_760, %get3A_763 : vector<16xf32>
      %mul3A_765 = arith.mulf %sub3A, %sub3A_764 : vector<16xf32>
      %mul3A_766 = arith.mulf %sub3A_757, %sub3A_750 : vector<16xf32>
      %sub3A_767 = arith.subf %mul3A_765, %mul3A_766 : vector<16xf32>
      %abs3A = math.absf %sub3A_767 : vector<16xf32>
      %mul3A_768 = arith.constant 0.166666672 : f32
      %mul3A_769 = vector.broadcast %mul3A_768 : f32 to vector<16xf32>
      %mul3A_770 = arith.mulf %abs3A, %mul3A_769 : vector<16xf32>
      %swap3A = arith.index_cast %mul3A_738 : i32 to index
      %swap3A_771 = tpu.vector_load %arg44[%swap3A] {strides = array<i32>} : memref<800xf32, #tpu.memory_space<vmem>>, vector<16xf32>,
      %swap3A_772 = vector.shape_cast %swap3A_771 : vector<16xf32> to vector<16xf32>
      %swap3A_773 = vector.shape_cast %mul3A_770 : vector<16xf32> to vector<16xf32>
      tpu.vector_store %arg44[%swap3A], %swap3A_773 {strides = array<i32>} : memref<800xf32, #tpu.memory_space<vmem>>, vector<16xf32>,
    }
    %scan3A_635 = arith.constant 50 : i32
    %dma_start3A_636 = arith.constant 0 : i32
    %dma_start3A_637 = tpu.memref_slice %arg46[%dma_start3A_636] : memref<100096xf32, #tpu.memory_space<vmem_shared>> -> memref<100096xf32, #tpu.memory_space<vmem_shared>>
    tpu.enqueue_indirect_dma source(%arg44 : memref<800xf32, #tpu.memory_space<vmem>>) target(%dma_start3A_637 : memref<100096xf32, #tpu.memory_space<vmem_shared>>) offsets(%arg12 : memref<800xi32, #tpu.memory_space<vmem>>) semaphore(%arg50 : memref<!tpu.dma_semaphore, #tpu.memory_space<semaphore_mem>>) {add = true}
    %dma_start3A_638 = arith.constant 0 : i32
    %dma_start3A_639 = tpu.memref_slice %arg46[%dma_start3A_638] : memref<100096xf32, #tpu.memory_space<vmem_shared>> -> memref<100096xf32, #tpu.memory_space<vmem_shared>>
    tpu.enqueue_indirect_dma source(%arg44 : memref<800xf32, #tpu.memory_space<vmem>>) target(%dma_start3A_639 : memref<100096xf32, #tpu.memory_space<vmem_shared>>) offsets(%arg20 : memref<800xi32, #tpu.memory_space<vmem>>) semaphore(%arg50 : memref<!tpu.dma_semaphore, #tpu.memory_space<semaphore_mem>>) {add = true}
    %dma_start3A_640 = arith.constant 0 : i32
    %dma_start3A_641 = tpu.memref_slice %arg46[%dma_start3A_640] : memref<100096xf32, #tpu.memory_space<vmem_shared>> -> memref<100096xf32, #tpu.memory_space<vmem_shared>>
    tpu.enqueue_indirect_dma source(%arg44 : memref<800xf32, #tpu.memory_space<vmem>>) target(%dma_start3A_641 : memref<100096xf32, #tpu.memory_space<vmem_shared>>) offsets(%arg28 : memref<800xi32, #tpu.memory_space<vmem>>) semaphore(%arg50 : memref<!tpu.dma_semaphore, #tpu.memory_space<semaphore_mem>>) {add = true}
    %dma_start3A_642 = arith.constant 0 : i32
    %dma_start3A_643 = tpu.memref_slice %arg2[%dma_start3A_642] : memref<100000xf32, #tpu.memory_space<hbm>> -> memref<100000xf32, #tpu.memory_space<hbm>>
    tpu.enqueue_indirect_dma source(%dma_start3A_643 : memref<100000xf32, #tpu.memory_space<hbm>>) target(%arg32 : memref<800xf32, #tpu.memory_space<vmem>>) offsets(%arg14 : memref<800xi32, #tpu.memory_space<vmem>>) semaphore(%arg48 : memref<!tpu.dma_semaphore, #tpu.memory_space<semaphore_mem>>)
    %dma_start3A_644 = arith.constant 0 : i32
    %dma_start3A_645 = tpu.memref_slice %arg3[%dma_start3A_644] : memref<100000xf32, #tpu.memory_space<hbm>> -> memref<100000xf32, #tpu.memory_space<hbm>>
    tpu.enqueue_indirect_dma source(%dma_start3A_645 : memref<100000xf32, #tpu.memory_space<hbm>>) target(%arg38 : memref<800xf32, #tpu.memory_space<vmem>>) offsets(%arg14 : memref<800xi32, #tpu.memory_space<vmem>>) semaphore(%arg48 : memref<!tpu.dma_semaphore, #tpu.memory_space<semaphore_mem>>)
    %dma_start3A_646 = arith.constant 0 : i32
    %dma_start3A_647 = tpu.memref_slice %arg2[%dma_start3A_646] : memref<100000xf32, #tpu.memory_space<hbm>> -> memref<100000xf32, #tpu.memory_space<hbm>>
    tpu.enqueue_indirect_dma source(%dma_start3A_647 : memref<100000xf32, #tpu.memory_space<hbm>>) target(%arg34 : memref<800xf32, #tpu.memory_space<vmem>>) offsets(%arg22 : memref<800xi32, #tpu.memory_space<vmem>>) semaphore(%arg48 : memref<!tpu.dma_semaphore, #tpu.memory_space<semaphore_mem>>)
    %dma_start3A_648 = arith.constant 0 : i32
    %dma_start3A_649 = tpu.memref_slice %arg3[%dma_start3A_648] : memref<100000xf32, #tpu.memory_space<hbm>> -> memref<100000xf32, #tpu.memory_space<hbm>>
    tpu.enqueue_indirect_dma source(%dma_start3A_649 : memref<100000xf32, #tpu.memory_space<hbm>>) target(%arg40 : memref<800xf32, #tpu.memory_space<vmem>>) offsets(%arg22 : memref<800xi32, #tpu.memory_space<vmem>>) semaphore(%arg48 : memref<!tpu.dma_semaphore, #tpu.memory_space<semaphore_mem>>)
    %dma_start3A_650 = arith.constant 0 : i32
    %dma_start3A_651 = tpu.memref_slice %arg2[%dma_start3A_650] : memref<100000xf32, #tpu.memory_space<hbm>> -> memref<100000xf32, #tpu.memory_space<hbm>>
    tpu.enqueue_indirect_dma source(%dma_start3A_651 : memref<100000xf32, #tpu.memory_space<hbm>>) target(%arg36 : memref<800xf32, #tpu.memory_space<vmem>>) offsets(%arg30 : memref<800xi32, #tpu.memory_space<vmem>>) semaphore(%arg48 : memref<!tpu.dma_semaphore, #tpu.memory_space<semaphore_mem>>)
    %dma_start3A_652 = arith.constant 0 : i32
    %dma_start3A_653 = tpu.memref_slice %arg3[%dma_start3A_652] : memref<100000xf32, #tpu.memory_space<hbm>> -> memref<100000xf32, #tpu.memory_space<hbm>>
    tpu.enqueue_indirect_dma source(%dma_start3A_653 : memref<100000xf32, #tpu.memory_space<hbm>>) target(%arg42 : memref<800xf32, #tpu.memory_space<vmem>>) offsets(%arg30 : memref<800xi32, #tpu.memory_space<vmem>>) semaphore(%arg48 : memref<!tpu.dma_semaphore, #tpu.memory_space<semaphore_mem>>)
    %dma_wait3A_654 = arith.constant 0 : i32
    %dma_wait3A_655 = tpu.memref_slice %arg2[%dma_wait3A_654] : memref<100000xf32, #tpu.memory_space<hbm>> -> memref<100000xf32, #tpu.memory_space<hbm>>
    tpu.wait_indirect_dma semaphore(%arg47 : memref<!tpu.dma_semaphore, #tpu.memory_space<semaphore_mem>>) src(%dma_wait3A_655 : memref<100000xf32, #tpu.memory_space<hbm>>) dst(%arg31 : memref<800xf32, #tpu.memory_space<vmem>>)
    %dma_wait3A_656 = arith.constant 0 : i32
    %dma_wait3A_657 = tpu.memref_slice %arg3[%dma_wait3A_656] : memref<100000xf32, #tpu.memory_space<hbm>> -> memref<100000xf32, #tpu.memory_space<hbm>>
    tpu.wait_indirect_dma semaphore(%arg47 : memref<!tpu.dma_semaphore, #tpu.memory_space<semaphore_mem>>) src(%dma_wait3A_657 : memref<100000xf32, #tpu.memory_space<hbm>>) dst(%arg37 : memref<800xf32, #tpu.memory_space<vmem>>)
    %dma_wait3A_658 = arith.constant 0 : i32
    %dma_wait3A_659 = tpu.memref_slice %arg2[%dma_wait3A_658] : memref<100000xf32, #tpu.memory_space<hbm>> -> memref<100000xf32, #tpu.memory_space<hbm>>
    tpu.wait_indirect_dma semaphore(%arg47 : memref<!tpu.dma_semaphore, #tpu.memory_space<semaphore_mem>>) src(%dma_wait3A_659 : memref<100000xf32, #tpu.memory_space<hbm>>) dst(%arg33 : memref<800xf32, #tpu.memory_space<vmem>>)
    %dma_wait3A_660 = arith.constant 0 : i32
    %dma_wait3A_661 = tpu.memref_slice %arg3[%dma_wait3A_660] : memref<100000xf32, #tpu.memory_space<hbm>> -> memref<100000xf32, #tpu.memory_space<hbm>>
    tpu.wait_indirect_dma semaphore(%arg47 : memref<!tpu.dma_semaphore, #tpu.memory_space<semaphore_mem>>) src(%dma_wait3A_661 : memref<100000xf32, #tpu.memory_space<hbm>>) dst(%arg39 : memref<800xf32, #tpu.memory_space<vmem>>)
    %dma_wait3A_662 = arith.constant 0 : i32
    %dma_wait3A_663 = tpu.memref_slice %arg2[%dma_wait3A_662] : memref<100000xf32, #tpu.memory_space<hbm>> -> memref<100000xf32, #tpu.memory_space<hbm>>
    tpu.wait_indirect_dma semaphore(%arg47 : memref<!tpu.dma_semaphore, #tpu.memory_space<semaphore_mem>>) src(%dma_wait3A_663 : memref<100000xf32, #tpu.memory_space<hbm>>) dst(%arg35 : memref<800xf32, #tpu.memory_space<vmem>>)
    %dma_wait3A_664 = arith.constant 0 : i32
    %dma_wait3A_665 = tpu.memref_slice %arg3[%dma_wait3A_664] : memref<100000xf32, #tpu.memory_space<hbm>> -> memref<100000xf32, #tpu.memory_space<hbm>>
    tpu.wait_indirect_dma semaphore(%arg47 : memref<!tpu.dma_semaphore, #tpu.memory_space<semaphore_mem>>) src(%dma_wait3A_665 : memref<100000xf32, #tpu.memory_space<hbm>>) dst(%arg41 : memref<800xf32, #tpu.memory_space<vmem>>)
    %dma_wait3A_666 = arith.constant 0 : i32
    %dma_wait3A_667 = tpu.memref_slice %arg46[%dma_wait3A_666] : memref<100096xf32, #tpu.memory_space<vmem_shared>> -> memref<100096xf32, #tpu.memory_space<vmem_shared>>
    tpu.wait_indirect_dma semaphore(%arg49 : memref<!tpu.dma_semaphore, #tpu.memory_space<semaphore_mem>>) src(%arg43 : memref<800xf32, #tpu.memory_space<vmem>>) dst(%dma_wait3A_667 : memref<100096xf32, #tpu.memory_space<vmem_shared>>)
    %dma_wait3A_668 = arith.constant 0 : i32
    %dma_wait3A_669 = tpu.memref_slice %arg46[%dma_wait3A_668] : memref<100096xf32, #tpu.memory_space<vmem_shared>> -> memref<100096xf32, #tpu.memory_space<vmem_shared>>
    tpu.wait_indirect_dma semaphore(%arg49 : memref<!tpu.dma_semaphore, #tpu.memory_space<semaphore_mem>>) src(%arg43 : memref<800xf32, #tpu.memory_space<vmem>>) dst(%dma_wait3A_669 : memref<100096xf32, #tpu.memory_space<vmem_shared>>)
    %dma_wait3A_670 = arith.constant 0 : i32
    %dma_wait3A_671 = tpu.memref_slice %arg46[%dma_wait3A_670] : memref<100096xf32, #tpu.memory_space<vmem_shared>> -> memref<100096xf32, #tpu.memory_space<vmem_shared>>
    tpu.wait_indirect_dma semaphore(%arg49 : memref<!tpu.dma_semaphore, #tpu.memory_space<semaphore_mem>>) src(%arg43 : memref<800xf32, #tpu.memory_space<vmem>>) dst(%dma_wait3A_671 : memref<100096xf32, #tpu.memory_space<vmem_shared>>)
    %scan3A_672 = arith.constant 0 : i32
    %scan3A_673 = arith.constant 0 : i32
    %scan3A_674 = arith.constant 50 : i32
    %scan3A_675 = arith.addi %scan3A_673, %scan3A_674 : i32
    %scan3A_676 = arith.constant 1 : i32
    scf.for %scan3A_736 = %scan3A_673 to %scan3A_675 step %scan3A_676  : i32 {
      %mul3A_737 = arith.constant 16 : i32
      %mul3A_738 = arith.muli %scan3A_736, %mul3A_737 : i32
      %get3A = arith.index_cast %mul3A_738 : i32 to index
      %get3A_739 = tpu.vector_load %arg33[%get3A] {strides = array<i32>} : memref<800xf32, #tpu.memory_space<vmem>>, vector<16xf32>,
      %get3A_740 = vector.shape_cast %get3A_739 : vector<16xf32> to vector<16xf32>
      %get3A_741 = arith.index_cast %mul3A_738 : i32 to index
      %get3A_742 = tpu.vector_load %arg31[%get3A_741] {strides = array<i32>} : memref<800xf32, #tpu.memory_space<vmem>>, vector<16xf32>,
      %get3A_743 = vector.shape_cast %get3A_742 : vector<16xf32> to vector<16xf32>
      %sub3A = arith.subf %get3A_740, %get3A_743 : vector<16xf32>
      %get3A_744 = arith.index_cast %mul3A_738 : i32 to index
      %get3A_745 = tpu.vector_load %arg39[%get3A_744] {strides = array<i32>} : memref<800xf32, #tpu.memory_space<vmem>>, vector<16xf32>,
      %get3A_746 = vector.shape_cast %get3A_745 : vector<16xf32> to vector<16xf32>
      %get3A_747 = arith.index_cast %mul3A_738 : i32 to index
      %get3A_748 = tpu.vector_load %arg37[%get3A_747] {strides = array<i32>} : memref<800xf32, #tpu.memory_space<vmem>>, vector<16xf32>,
      %get3A_749 = vector.shape_cast %get3A_748 : vector<16xf32> to vector<16xf32>
      %sub3A_750 = arith.subf %get3A_746, %get3A_749 : vector<16xf32>
      %get3A_751 = arith.index_cast %mul3A_738 : i32 to index
      %get3A_752 = tpu.vector_load %arg35[%get3A_751] {strides = array<i32>} : memref<800xf32, #tpu.memory_space<vmem>>, vector<16xf32>,
      %get3A_753 = vector.shape_cast %get3A_752 : vector<16xf32> to vector<16xf32>
      %get3A_754 = arith.index_cast %mul3A_738 : i32 to index
      %get3A_755 = tpu.vector_load %arg31[%get3A_754] {strides = array<i32>} : memref<800xf32, #tpu.memory_space<vmem>>, vector<16xf32>,
      %get3A_756 = vector.shape_cast %get3A_755 : vector<16xf32> to vector<16xf32>
      %sub3A_757 = arith.subf %get3A_753, %get3A_756 : vector<16xf32>
      %get3A_758 = arith.index_cast %mul3A_738 : i32 to index
      %get3A_759 = tpu.vector_load %arg41[%get3A_758] {strides = array<i32>} : memref<800xf32, #tpu.memory_space<vmem>>, vector<16xf32>,
      %get3A_760 = vector.shape_cast %get3A_759 : vector<16xf32> to vector<16xf32>
      %get3A_761 = arith.index_cast %mul3A_738 : i32 to index
      %get3A_762 = tpu.vector_load %arg37[%get3A_761] {strides = array<i32>} : memref<800xf32, #tpu.memory_space<vmem>>, vector<16xf32>,
      %get3A_763 = vector.shape_cast %get3A_762 : vector<16xf32> to vector<16xf32>
      %sub3A_764 = arith.subf %get3A_760, %get3A_763 : vector<16xf32>
      %mul3A_765 = arith.mulf %sub3A, %sub3A_764 : vector<16xf32>
      %mul3A_766 = arith.mulf %sub3A_757, %sub3A_750 : vector<16xf32>
      %sub3A_767 = arith.subf %mul3A_765, %mul3A_766 : vector<16xf32>
      %abs3A = math.absf %sub3A_767 : vector<16xf32>
      %mul3A_768 = arith.constant 0.166666672 : f32
      %mul3A_769 = vector.broadcast %mul3A_768 : f32 to vector<16xf32>
      %mul3A_770 = arith.mulf %abs3A, %mul3A_769 : vector<16xf32>
      %swap3A = arith.index_cast %mul3A_738 : i32 to index
      %swap3A_771 = tpu.vector_load %arg43[%swap3A] {strides = array<i32>} : memref<800xf32, #tpu.memory_space<vmem>>, vector<16xf32>,
      %swap3A_772 = vector.shape_cast %swap3A_771 : vector<16xf32> to vector<16xf32>
      %swap3A_773 = vector.shape_cast %mul3A_770 : vector<16xf32> to vector<16xf32>
      tpu.vector_store %arg43[%swap3A], %swap3A_773 {strides = array<i32>} : memref<800xf32, #tpu.memory_space<vmem>>, vector<16xf32>,
    }
    %scan3A_677 = arith.constant 50 : i32
    %dma_start3A_678 = arith.constant 0 : i32
    %dma_start3A_679 = tpu.memref_slice %arg46[%dma_start3A_678] : memref<100096xf32, #tpu.memory_space<vmem_shared>> -> memref<100096xf32, #tpu.memory_space<vmem_shared>>
    tpu.enqueue_indirect_dma source(%arg43 : memref<800xf32, #tpu.memory_space<vmem>>) target(%dma_start3A_679 : memref<100096xf32, #tpu.memory_space<vmem_shared>>) offsets(%arg13 : memref<800xi32, #tpu.memory_space<vmem>>) semaphore(%arg49 : memref<!tpu.dma_semaphore, #tpu.memory_space<semaphore_mem>>) {add = true}
    %dma_start3A_680 = arith.constant 0 : i32
    %dma_start3A_681 = tpu.memref_slice %arg46[%dma_start3A_680] : memref<100096xf32, #tpu.memory_space<vmem_shared>> -> memref<100096xf32, #tpu.memory_space<vmem_shared>>
    tpu.enqueue_indirect_dma source(%arg43 : memref<800xf32, #tpu.memory_space<vmem>>) target(%dma_start3A_681 : memref<100096xf32, #tpu.memory_space<vmem_shared>>) offsets(%arg21 : memref<800xi32, #tpu.memory_space<vmem>>) semaphore(%arg49 : memref<!tpu.dma_semaphore, #tpu.memory_space<semaphore_mem>>) {add = true}
    %dma_start3A_682 = arith.constant 0 : i32
    %dma_start3A_683 = tpu.memref_slice %arg46[%dma_start3A_682] : memref<100096xf32, #tpu.memory_space<vmem_shared>> -> memref<100096xf32, #tpu.memory_space<vmem_shared>>
    tpu.enqueue_indirect_dma source(%arg43 : memref<800xf32, #tpu.memory_space<vmem>>) target(%dma_start3A_683 : memref<100096xf32, #tpu.memory_space<vmem_shared>>) offsets(%arg29 : memref<800xi32, #tpu.memory_space<vmem>>) semaphore(%arg49 : memref<!tpu.dma_semaphore, #tpu.memory_space<semaphore_mem>>) {add = true}
    %dma_wait3A_684 = arith.constant 0 : i32
    %dma_wait3A_685 = tpu.memref_slice %arg2[%dma_wait3A_684] : memref<100000xf32, #tpu.memory_space<hbm>> -> memref<100000xf32, #tpu.memory_space<hbm>>
    tpu.wait_indirect_dma semaphore(%arg48 : memref<!tpu.dma_semaphore, #tpu.memory_space<semaphore_mem>>) src(%dma_wait3A_685 : memref<100000xf32, #tpu.memory_space<hbm>>) dst(%arg32 : memref<800xf32, #tpu.memory_space<vmem>>)
    %dma_wait3A_686 = arith.constant 0 : i32
    %dma_wait3A_687 = tpu.memref_slice %arg3[%dma_wait3A_686] : memref<100000xf32, #tpu.memory_space<hbm>> -> memref<100000xf32, #tpu.memory_space<hbm>>
    tpu.wait_indirect_dma semaphore(%arg48 : memref<!tpu.dma_semaphore, #tpu.memory_space<semaphore_mem>>) src(%dma_wait3A_687 : memref<100000xf32, #tpu.memory_space<hbm>>) dst(%arg38 : memref<800xf32, #tpu.memory_space<vmem>>)
    %dma_wait3A_688 = arith.constant 0 : i32
    %dma_wait3A_689 = tpu.memref_slice %arg2[%dma_wait3A_688] : memref<100000xf32, #tpu.memory_space<hbm>> -> memref<100000xf32, #tpu.memory_space<hbm>>
    tpu.wait_indirect_dma semaphore(%arg48 : memref<!tpu.dma_semaphore, #tpu.memory_space<semaphore_mem>>) src(%dma_wait3A_689 : memref<100000xf32, #tpu.memory_space<hbm>>) dst(%arg34 : memref<800xf32, #tpu.memory_space<vmem>>)
    %dma_wait3A_690 = arith.constant 0 : i32
    %dma_wait3A_691 = tpu.memref_slice %arg3[%dma_wait3A_690] : memref<100000xf32, #tpu.memory_space<hbm>> -> memref<100000xf32, #tpu.memory_space<hbm>>
    tpu.wait_indirect_dma semaphore(%arg48 : memref<!tpu.dma_semaphore, #tpu.memory_space<semaphore_mem>>) src(%dma_wait3A_691 : memref<100000xf32, #tpu.memory_space<hbm>>) dst(%arg40 : memref<800xf32, #tpu.memory_space<vmem>>)
    %dma_wait3A_692 = arith.constant 0 : i32
    %dma_wait3A_693 = tpu.memref_slice %arg2[%dma_wait3A_692] : memref<100000xf32, #tpu.memory_space<hbm>> -> memref<100000xf32, #tpu.memory_space<hbm>>
    tpu.wait_indirect_dma semaphore(%arg48 : memref<!tpu.dma_semaphore, #tpu.memory_space<semaphore_mem>>) src(%dma_wait3A_693 : memref<100000xf32, #tpu.memory_space<hbm>>) dst(%arg36 : memref<800xf32, #tpu.memory_space<vmem>>)
    %dma_wait3A_694 = arith.constant 0 : i32
    %dma_wait3A_695 = tpu.memref_slice %arg3[%dma_wait3A_694] : memref<100000xf32, #tpu.memory_space<hbm>> -> memref<100000xf32, #tpu.memory_space<hbm>>
    tpu.wait_indirect_dma semaphore(%arg48 : memref<!tpu.dma_semaphore, #tpu.memory_space<semaphore_mem>>) src(%dma_wait3A_695 : memref<100000xf32, #tpu.memory_space<hbm>>) dst(%arg42 : memref<800xf32, #tpu.memory_space<vmem>>)
    %dma_wait3A_696 = arith.constant 0 : i32
    %dma_wait3A_697 = tpu.memref_slice %arg46[%dma_wait3A_696] : memref<100096xf32, #tpu.memory_space<vmem_shared>> -> memref<100096xf32, #tpu.memory_space<vmem_shared>>
    tpu.wait_indirect_dma semaphore(%arg50 : memref<!tpu.dma_semaphore, #tpu.memory_space<semaphore_mem>>) src(%arg44 : memref<800xf32, #tpu.memory_space<vmem>>) dst(%dma_wait3A_697 : memref<100096xf32, #tpu.memory_space<vmem_shared>>)
    %dma_wait3A_698 = arith.constant 0 : i32
    %dma_wait3A_699 = tpu.memref_slice %arg46[%dma_wait3A_698] : memref<100096xf32, #tpu.memory_space<vmem_shared>> -> memref<100096xf32, #tpu.memory_space<vmem_shared>>
    tpu.wait_indirect_dma semaphore(%arg50 : memref<!tpu.dma_semaphore, #tpu.memory_space<semaphore_mem>>) src(%arg44 : memref<800xf32, #tpu.memory_space<vmem>>) dst(%dma_wait3A_699 : memref<100096xf32, #tpu.memory_space<vmem_shared>>)
    %dma_wait3A_700 = arith.constant 0 : i32
    %dma_wait3A_701 = tpu.memref_slice %arg46[%dma_wait3A_700] : memref<100096xf32, #tpu.memory_space<vmem_shared>> -> memref<100096xf32, #tpu.memory_space<vmem_shared>>
    tpu.wait_indirect_dma semaphore(%arg50 : memref<!tpu.dma_semaphore, #tpu.memory_space<semaphore_mem>>) src(%arg44 : memref<800xf32, #tpu.memory_space<vmem>>) dst(%dma_wait3A_701 : memref<100096xf32, #tpu.memory_space<vmem_shared>>)
    %scan3A_702 = arith.constant 0 : i32
    %scan3A_703 = arith.constant 0 : i32
    %scan3A_704 = arith.constant 50 : i32
    %scan3A_705 = arith.addi %scan3A_703, %scan3A_704 : i32
    %scan3A_706 = arith.constant 1 : i32
    scf.for %scan3A_736 = %scan3A_703 to %scan3A_705 step %scan3A_706  : i32 {
      %mul3A_737 = arith.constant 16 : i32
      %mul3A_738 = arith.muli %scan3A_736, %mul3A_737 : i32
      %get3A = arith.index_cast %mul3A_738 : i32 to index
      %get3A_739 = tpu.vector_load %arg34[%get3A] {strides = array<i32>} : memref<800xf32, #tpu.memory_space<vmem>>, vector<16xf32>,
      %get3A_740 = vector.shape_cast %get3A_739 : vector<16xf32> to vector<16xf32>
      %get3A_741 = arith.index_cast %mul3A_738 : i32 to index
      %get3A_742 = tpu.vector_load %arg32[%get3A_741] {strides = array<i32>} : memref<800xf32, #tpu.memory_space<vmem>>, vector<16xf32>,
      %get3A_743 = vector.shape_cast %get3A_742 : vector<16xf32> to vector<16xf32>
      %sub3A = arith.subf %get3A_740, %get3A_743 : vector<16xf32>
      %get3A_744 = arith.index_cast %mul3A_738 : i32 to index
      %get3A_745 = tpu.vector_load %arg40[%get3A_744] {strides = array<i32>} : memref<800xf32, #tpu.memory_space<vmem>>, vector<16xf32>,
      %get3A_746 = vector.shape_cast %get3A_745 : vector<16xf32> to vector<16xf32>
      %get3A_747 = arith.index_cast %mul3A_738 : i32 to index
      %get3A_748 = tpu.vector_load %arg38[%get3A_747] {strides = array<i32>} : memref<800xf32, #tpu.memory_space<vmem>>, vector<16xf32>,
      %get3A_749 = vector.shape_cast %get3A_748 : vector<16xf32> to vector<16xf32>
      %sub3A_750 = arith.subf %get3A_746, %get3A_749 : vector<16xf32>
      %get3A_751 = arith.index_cast %mul3A_738 : i32 to index
      %get3A_752 = tpu.vector_load %arg36[%get3A_751] {strides = array<i32>} : memref<800xf32, #tpu.memory_space<vmem>>, vector<16xf32>,
      %get3A_753 = vector.shape_cast %get3A_752 : vector<16xf32> to vector<16xf32>
      %get3A_754 = arith.index_cast %mul3A_738 : i32 to index
      %get3A_755 = tpu.vector_load %arg32[%get3A_754] {strides = array<i32>} : memref<800xf32, #tpu.memory_space<vmem>>, vector<16xf32>,
      %get3A_756 = vector.shape_cast %get3A_755 : vector<16xf32> to vector<16xf32>
      %sub3A_757 = arith.subf %get3A_753, %get3A_756 : vector<16xf32>
      %get3A_758 = arith.index_cast %mul3A_738 : i32 to index
      %get3A_759 = tpu.vector_load %arg42[%get3A_758] {strides = array<i32>} : memref<800xf32, #tpu.memory_space<vmem>>, vector<16xf32>,
      %get3A_760 = vector.shape_cast %get3A_759 : vector<16xf32> to vector<16xf32>
      %get3A_761 = arith.index_cast %mul3A_738 : i32 to index
      %get3A_762 = tpu.vector_load %arg38[%get3A_761] {strides = array<i32>} : memref<800xf32, #tpu.memory_space<vmem>>, vector<16xf32>,
      %get3A_763 = vector.shape_cast %get3A_762 : vector<16xf32> to vector<16xf32>
      %sub3A_764 = arith.subf %get3A_760, %get3A_763 : vector<16xf32>
      %mul3A_765 = arith.mulf %sub3A, %sub3A_764 : vector<16xf32>
      %mul3A_766 = arith.mulf %sub3A_757, %sub3A_750 : vector<16xf32>
      %sub3A_767 = arith.subf %mul3A_765, %mul3A_766 : vector<16xf32>
      %abs3A = math.absf %sub3A_767 : vector<16xf32>
      %mul3A_768 = arith.constant 0.166666672 : f32
      %mul3A_769 = vector.broadcast %mul3A_768 : f32 to vector<16xf32>
      %mul3A_770 = arith.mulf %abs3A, %mul3A_769 : vector<16xf32>
      %swap3A = arith.index_cast %mul3A_738 : i32 to index
      %swap3A_771 = tpu.vector_load %arg44[%swap3A] {strides = array<i32>} : memref<800xf32, #tpu.memory_space<vmem>>, vector<16xf32>,
      %swap3A_772 = vector.shape_cast %swap3A_771 : vector<16xf32> to vector<16xf32>
      %swap3A_773 = vector.shape_cast %mul3A_770 : vector<16xf32> to vector<16xf32>
      tpu.vector_store %arg44[%swap3A], %swap3A_773 {strides = array<i32>} : memref<800xf32, #tpu.memory_space<vmem>>, vector<16xf32>,
    }
    %scan3A_707 = arith.constant 50 : i32
    %dma_start3A_708 = arith.constant 0 : i32
    %dma_start3A_709 = tpu.memref_slice %arg46[%dma_start3A_708] : memref<100096xf32, #tpu.memory_space<vmem_shared>> -> memref<100096xf32, #tpu.memory_space<vmem_shared>>
    tpu.enqueue_indirect_dma source(%arg44 : memref<800xf32, #tpu.memory_space<vmem>>) target(%dma_start3A_709 : memref<100096xf32, #tpu.memory_space<vmem_shared>>) offsets(%arg14 : memref<800xi32, #tpu.memory_space<vmem>>) semaphore(%arg50 : memref<!tpu.dma_semaphore, #tpu.memory_space<semaphore_mem>>) {add = true}
    %dma_start3A_710 = arith.constant 0 : i32
    %dma_start3A_711 = tpu.memref_slice %arg46[%dma_start3A_710] : memref<100096xf32, #tpu.memory_space<vmem_shared>> -> memref<100096xf32, #tpu.memory_space<vmem_shared>>
    tpu.enqueue_indirect_dma source(%arg44 : memref<800xf32, #tpu.memory_space<vmem>>) target(%dma_start3A_711 : memref<100096xf32, #tpu.memory_space<vmem_shared>>) offsets(%arg22 : memref<800xi32, #tpu.memory_space<vmem>>) semaphore(%arg50 : memref<!tpu.dma_semaphore, #tpu.memory_space<semaphore_mem>>) {add = true}
    %dma_start3A_712 = arith.constant 0 : i32
    %dma_start3A_713 = tpu.memref_slice %arg46[%dma_start3A_712] : memref<100096xf32, #tpu.memory_space<vmem_shared>> -> memref<100096xf32, #tpu.memory_space<vmem_shared>>
    tpu.enqueue_indirect_dma source(%arg44 : memref<800xf32, #tpu.memory_space<vmem>>) target(%dma_start3A_713 : memref<100096xf32, #tpu.memory_space<vmem_shared>>) offsets(%arg30 : memref<800xi32, #tpu.memory_space<vmem>>) semaphore(%arg50 : memref<!tpu.dma_semaphore, #tpu.memory_space<semaphore_mem>>) {add = true}
    %dma_wait3A_714 = arith.constant 0 : i32
    %dma_wait3A_715 = tpu.memref_slice %arg46[%dma_wait3A_714] : memref<100096xf32, #tpu.memory_space<vmem_shared>> -> memref<100096xf32, #tpu.memory_space<vmem_shared>>
    tpu.wait_indirect_dma semaphore(%arg49 : memref<!tpu.dma_semaphore, #tpu.memory_space<semaphore_mem>>) src(%arg43 : memref<800xf32, #tpu.memory_space<vmem>>) dst(%dma_wait3A_715 : memref<100096xf32, #tpu.memory_space<vmem_shared>>)
    %dma_wait3A_716 = arith.constant 0 : i32
    %dma_wait3A_717 = tpu.memref_slice %arg46[%dma_wait3A_716] : memref<100096xf32, #tpu.memory_space<vmem_shared>> -> memref<100096xf32, #tpu.memory_space<vmem_shared>>
    tpu.wait_indirect_dma semaphore(%arg49 : memref<!tpu.dma_semaphore, #tpu.memory_space<semaphore_mem>>) src(%arg43 : memref<800xf32, #tpu.memory_space<vmem>>) dst(%dma_wait3A_717 : memref<100096xf32, #tpu.memory_space<vmem_shared>>)
    %dma_wait3A_718 = arith.constant 0 : i32
    %dma_wait3A_719 = tpu.memref_slice %arg46[%dma_wait3A_718] : memref<100096xf32, #tpu.memory_space<vmem_shared>> -> memref<100096xf32, #tpu.memory_space<vmem_shared>>
    tpu.wait_indirect_dma semaphore(%arg49 : memref<!tpu.dma_semaphore, #tpu.memory_space<semaphore_mem>>) src(%arg43 : memref<800xf32, #tpu.memory_space<vmem>>) dst(%dma_wait3A_719 : memref<100096xf32, #tpu.memory_space<vmem_shared>>)
    %dma_wait3A_720 = arith.constant 0 : i32
    %dma_wait3A_721 = tpu.memref_slice %arg46[%dma_wait3A_720] : memref<100096xf32, #tpu.memory_space<vmem_shared>> -> memref<100096xf32, #tpu.memory_space<vmem_shared>>
    tpu.wait_indirect_dma semaphore(%arg50 : memref<!tpu.dma_semaphore, #tpu.memory_space<semaphore_mem>>) src(%arg44 : memref<800xf32, #tpu.memory_space<vmem>>) dst(%dma_wait3A_721 : memref<100096xf32, #tpu.memory_space<vmem_shared>>)
    %dma_wait3A_722 = arith.constant 0 : i32
    %dma_wait3A_723 = tpu.memref_slice %arg46[%dma_wait3A_722] : memref<100096xf32, #tpu.memory_space<vmem_shared>> -> memref<100096xf32, #tpu.memory_space<vmem_shared>>
    tpu.wait_indirect_dma semaphore(%arg50 : memref<!tpu.dma_semaphore, #tpu.memory_space<semaphore_mem>>) src(%arg44 : memref<800xf32, #tpu.memory_space<vmem>>) dst(%dma_wait3A_723 : memref<100096xf32, #tpu.memory_space<vmem_shared>>)
    %dma_wait3A_724 = arith.constant 0 : i32
    %dma_wait3A_725 = tpu.memref_slice %arg46[%dma_wait3A_724] : memref<100096xf32, #tpu.memory_space<vmem_shared>> -> memref<100096xf32, #tpu.memory_space<vmem_shared>>
    tpu.wait_indirect_dma semaphore(%arg50 : memref<!tpu.dma_semaphore, #tpu.memory_space<semaphore_mem>>) src(%arg44 : memref<800xf32, #tpu.memory_space<vmem>>) dst(%dma_wait3A_725 : memref<100096xf32, #tpu.memory_space<vmem_shared>>)
    %barrier3A_726 = arith.constant 0 : index
    tpu.barrier barrier_id(%barrier3A_726)
    %mul3A_727 = arith.constant 6256 : i32
    %mul3A_728 = arith.muli %arg1, %mul3A_727 : i32
    "tpu.region"() ({
      %run_scoped3A = tpu.sem_alloc : memref<!tpu.dma_semaphore, #tpu.memory_space<semaphore_mem>>
      %dma_start3A_736 = tpu.memref_slice %arg46[%mul3A_728] : memref<100096xf32, #tpu.memory_space<vmem_shared>> -> memref<6256xf32, #tpu.memory_space<vmem_shared>>
      %dma_start3A_737 = tpu.memref_slice %arg46[%mul3A_728] : memref<100096xf32, #tpu.memory_space<vmem_shared>> -> memref<6256xf32, #tpu.memory_space<vmem_shared>>
      tpu.enqueue_dma source(%dma_start3A_737 : memref<6256xf32, #tpu.memory_space<vmem_shared>>) target(%arg45 : memref<6256xf32, #tpu.memory_space<vmem>>) target_semaphore(%run_scoped3A : memref<!tpu.dma_semaphore, #tpu.memory_space<semaphore_mem>>)
      %dma_wait3A_738 = tpu.memref_slice %arg46[%mul3A_728] : memref<100096xf32, #tpu.memory_space<vmem_shared>> -> memref<6256xf32, #tpu.memory_space<vmem_shared>>
      %dma_wait3A_739 = tpu.memref_slice %arg46[%mul3A_728] : memref<100096xf32, #tpu.memory_space<vmem_shared>> -> memref<6256xf32, #tpu.memory_space<vmem_shared>>
      tpu.wait_dma2 semaphore(%run_scoped3A : memref<!tpu.dma_semaphore, #tpu.memory_space<semaphore_mem>>) src(%dma_wait3A_739 : memref<6256xf32, #tpu.memory_space<vmem_shared>>) dst(%arg45 : memref<6256xf32, #tpu.memory_space<vmem>>)
      tpu.yield
    }) : () -> ()
    %eq3A = arith.constant 0 : i32
    %eq3A_729 = arith.cmpi eq, %arg0, %eq3A : i32
    %convert_element_type3A = arith.extui %eq3A_729 : i1 to i32
    %cond3A = arith.constant 0 : i32
    %cond3A_730 = arith.cmpi ne, %convert_element_type3A, %cond3A : i32
    scf.if %cond3A_730 {
      "tpu.region"() ({
        %run_scoped3A = tpu.sem_alloc : memref<!tpu.dma_semaphore, #tpu.memory_space<semaphore_mem>>
        %dma_start3A_736 = tpu.memref_slice %arg5[%mul3A_728] : memref<100096xf32, #tpu.memory_space<hbm>> -> memref<6256xf32, #tpu.memory_space<hbm>>
        %dma_start3A_737 = tpu.memref_slice %arg5[%mul3A_728] : memref<100096xf32, #tpu.memory_space<hbm>> -> memref<6256xf32, #tpu.memory_space<hbm>>
        tpu.enqueue_dma source(%arg45 : memref<6256xf32, #tpu.memory_space<vmem>>) target(%dma_start3A_737 : memref<6256xf32, #tpu.memory_space<hbm>>) target_semaphore(%run_scoped3A : memref<!tpu.dma_semaphore, #tpu.memory_space<semaphore_mem>>)
        %dma_wait3A_738 = tpu.memref_slice %arg5[%mul3A_728] : memref<100096xf32, #tpu.memory_space<hbm>> -> memref<6256xf32, #tpu.memory_space<hbm>>
        %dma_wait3A_739 = tpu.memref_slice %arg5[%mul3A_728] : memref<100096xf32, #tpu.memory_space<hbm>> -> memref<6256xf32, #tpu.memory_space<hbm>>
        tpu.wait_dma2 semaphore(%run_scoped3A : memref<!tpu.dma_semaphore, #tpu.memory_space<semaphore_mem>>) src(%arg45 : memref<6256xf32, #tpu.memory_space<vmem>>) dst(%dma_wait3A_739 : memref<6256xf32, #tpu.memory_space<hbm>>)
        tpu.yield
      }) : () -> ()
    } else {
    }
    %eq3A_731 = arith.constant 1 : i32
    %eq3A_732 = arith.cmpi eq, %arg0, %eq3A_731 : i32
    %convert_element_type3A_733 = arith.extui %eq3A_732 : i1 to i32
    %cond3A_734 = arith.constant 0 : i32
    %cond3A_735 = arith.cmpi ne, %convert_element_type3A_733, %cond3A_734 : i32
    scf.if %cond3A_735 {
      "tpu.region"() ({
        %run_scoped3A = tpu.sem_alloc : memref<!tpu.dma_semaphore, #tpu.memory_space<semaphore_mem>>
        %dma_start3A_736 = tpu.memref_slice %arg6[%mul3A_728] : memref<100096xf32, #tpu.memory_space<hbm>> -> memref<6256xf32, #tpu.memory_space<hbm>>
        %dma_start3A_737 = tpu.memref_slice %arg6[%mul3A_728] : memref<100096xf32, #tpu.memory_space<hbm>> -> memref<6256xf32, #tpu.memory_space<hbm>>
        tpu.enqueue_dma source(%arg45 : memref<6256xf32, #tpu.memory_space<vmem>>) target(%dma_start3A_737 : memref<6256xf32, #tpu.memory_space<hbm>>) target_semaphore(%run_scoped3A : memref<!tpu.dma_semaphore, #tpu.memory_space<semaphore_mem>>)
        %dma_wait3A_738 = tpu.memref_slice %arg6[%mul3A_728] : memref<100096xf32, #tpu.memory_space<hbm>> -> memref<6256xf32, #tpu.memory_space<hbm>>
        %dma_wait3A_739 = tpu.memref_slice %arg6[%mul3A_728] : memref<100096xf32, #tpu.memory_space<hbm>> -> memref<6256xf32, #tpu.memory_space<hbm>>
        tpu.wait_dma2 semaphore(%run_scoped3A : memref<!tpu.dma_semaphore, #tpu.memory_space<semaphore_mem>>) src(%arg45 : memref<6256xf32, #tpu.memory_space<vmem>>) dst(%dma_wait3A_739 : memref<6256xf32, #tpu.memory_space<hbm>>)
        tpu.yield
      }) : () -> ()
    } else {
    }
    return
  }
}

module attributes {stable_mosaic.version = 14 : i64} {
  func.func @_tc_body(%arg0: i32, %arg1: memref<4000x1xf32, #tpu.memory_space<vmem>>, %arg2: memref<4000x1xf32, #tpu.memory_space<vmem>>, %arg3: memref<4000x128xf32, #tpu.memory_space<vmem>>, %arg4: memref<1x128xf32, #tpu.memory_space<vmem>>) attributes {dimension_semantics = [#tpu.dimension_semantics<arbitrary>], iteration_bounds = array<i64: 25>, scalar_prefetch = 0 : i64, scratch_operands = 0 : i64, tpu.core_type = #tpu.core_type<tc>, window_params = [{transform_indices = @transform_0, window_bounds = array<i64: 4000, 1>}, {transform_indices = @transform_1, window_bounds = array<i64: 4000, 1>}, {transform_indices = @transform_2, window_bounds = array<i64: 4000, 128>}, {pipeline_mode = #tpu.pipeline_mode<synchronous>, transform_indices = @transform_3, window_bounds = array<i64: 1, 128>}]} {
    %eq3A = arith.constant 0 : i32
    %eq3A_0 = arith.cmpi eq, %arg0, %eq3A : i32
    %convert_element_type3A = arith.extui %eq3A_0 : i1 to i32
    %cond3A = arith.constant 0 : i32
    %cond3A_1 = arith.cmpi ne, %convert_element_type3A, %cond3A : i32
    scf.if %cond3A_1 {
      %broadcast_in_dim3A_18 = arith.constant 0.000000e+00 : f32
      %broadcast_in_dim3A_19 = vector.broadcast %broadcast_in_dim3A_18 : f32 to vector<1x128xf32>
      %swap3A_20 = arith.constant 0 : index
      %swap3A_21 = arith.constant 0 : index
      %swap3A_22 = vector.load %arg4[%swap3A_20, %swap3A_21] : memref<1x128xf32, #tpu.memory_space<vmem>>, vector<1x128xf32>
      tpu.vector_store %arg4[%swap3A_20, %swap3A_21], %broadcast_in_dim3A_19 {strides = array<i32>} : memref<1x128xf32, #tpu.memory_space<vmem>>, vector<1x128xf32>,
    } else {
    }
    %get3A = arith.constant 0 : index
    %get3A_2 = arith.constant 0 : index
    %get3A_3 = vector.load %arg1[%get3A, %get3A_2] : memref<4000x1xf32, #tpu.memory_space<vmem>>, vector<4000x1xf32>
    %get3A_4 = arith.constant 0 : index
    %get3A_5 = arith.constant 0 : index
    %get3A_6 = vector.load %arg2[%get3A_4, %get3A_5] : memref<4000x1xf32, #tpu.memory_space<vmem>>, vector<4000x1xf32>
    %add3A = arith.addf %get3A_3, %get3A_6 : vector<4000x1xf32>
    %get3A_7 = arith.constant 0 : index
    %get3A_8 = arith.constant 0 : index
    %get3A_9 = vector.load %arg4[%get3A_7, %get3A_8] : memref<1x128xf32, #tpu.memory_space<vmem>>, vector<1x128xf32>
    %get3A_10 = arith.constant 0 : index
    %get3A_11 = arith.constant 0 : index
    %get3A_12 = vector.load %arg3[%get3A_10, %get3A_11] : memref<4000x128xf32, #tpu.memory_space<vmem>>, vector<4000x128xf32>
    %mul3A = vector.broadcast %add3A : vector<4000x1xf32> to vector<4000x128xf32>
    %mul3A_13 = arith.mulf %get3A_12, %mul3A : vector<4000x128xf32>
    %reduce_sum3A = arith.constant dense<0.000000e+00> : vector<128xf32>
    %reduce_sum3A_14 = vector.multi_reduction <add>, %mul3A_13, %reduce_sum3A [0] : vector<4000x128xf32> to vector<128xf32>
    %broadcast_in_dim3A = vector.shape_cast %reduce_sum3A_14 : vector<128xf32> to vector<1x128xf32>
    %add3A_15 = arith.addf %get3A_9, %broadcast_in_dim3A : vector<1x128xf32>
    %swap3A = arith.constant 0 : index
    %swap3A_16 = arith.constant 0 : index
    %swap3A_17 = vector.load %arg4[%swap3A, %swap3A_16] : memref<1x128xf32, #tpu.memory_space<vmem>>, vector<1x128xf32>
    tpu.vector_store %arg4[%swap3A, %swap3A_16], %add3A_15 {strides = array<i32>} : memref<1x128xf32, #tpu.memory_space<vmem>>, vector<1x128xf32>,
    return
  }
  func.func @transform_0(%arg0: i32) -> (i32, i32) {
    %c0_i32 = arith.constant 0 : i32
    %c0_i32_0 = arith.constant 0 : i32
    return %arg0, %c0_i32 : i32, i32
  }
  func.func @transform_1(%arg0: i32) -> (i32, i32) {
    %c0_i32 = arith.constant 0 : i32
    %c0_i32_0 = arith.constant 0 : i32
    return %arg0, %c0_i32 : i32, i32
  }
  func.func @transform_2(%arg0: i32) -> (i32, i32) {
    %c0_i32 = arith.constant 0 : i32
    %c0_i32_0 = arith.constant 0 : i32
    return %arg0, %c0_i32 : i32, i32
  }
  func.func @transform_3(%arg0: i32) -> (i32, i32) {
    %c0_i32 = arith.constant 0 : i32
    %c0_i32_0 = arith.constant 0 : i32
    %c0_i32_1 = arith.constant 0 : i32
    return %c0_i32, %c0_i32_0 : i32, i32
  }
}

</mosaic_0001>

<sc_bundles>
// kernel: kernel.4.cloned.1.call-start
scs
__scs_entry_jumppad:
0x0: {  	(pc) =	sbr.rel $0x88, $3  }
0x1: {  	(tag) =	ssettag $0x0;
	lr =	simm.s32 $0x1  }
0x2: {  	[smem:$0x3F9E] =	sst lr;
	_ =	strace $0xD0000000  }
0x3: {  	_ = 	snop  }
0x4: {  	_ = 	snop  }
0x5: {  	_ = 	snop  }
0x6: {  	_ = 	snop  }
0x7: {  	_ = 	snop  }
__scs_overlays_trampoline_lowered:
0x8: {  	[smem:$0x3FAD] =	sst s0  }
0x9: {  	[smem:$0x3FAE] =	sst s1  }
0xa: {  	[smem:$0x3FAF] =	sst s2  }
0xb: {  	[smem:$0x3FB0] =	sst s3  }
0xc: {  	[smem:$0x3FB1] =	sst s4  }
0xd: {  	[smem:$0x3FB2] =	sst s5  }
0xe: {  	[smem:$0x3FB3] =	sst s6  }
0xf: {  	[smem:$0x3FB4] =	sst s7  }
0x10: {  	[smem:$0x3FB5] =	sst s8  }
0x11: {  	[smem:$0x3FB6] =	sst s9;
	s0 =	simm.s32 @!p0 $0x0  }
0x12: {  	s1 =	sld [smem:$0x3F9C];
	s0 =	simm.s32 @p0 $0x1  }
0x13: {  	[smem:$0x3FB7] =	sst s0;
	s0 =	simm.s32 @!p1 $0x0  }
0x14: {  	s2 =	sld [smem:$0x3F9B];
	s0 =	simm.s32 @p1 $0x1  }
0x15: {  	[smem:$0x3FB8] =	sst s0;
	s0 =	simm.s32 @!p2 $0x0  }
0x16: {  	s3 =	sld [smem:$0x3FDB];
	s0 =	simm.s32 @p2 $0x1  }
0x17: {  	s4 =	simm.s32 $0x1BF5;
	[smem:$0x3FBA] =	sst s0  }
0x18: {  	s0 =	sld [smem:$0x3F9D];
	_ =	swait.ge [sflag:s4], $0x0  }
0x19: {  	s7 =	sld [smem:$0x3F9E]  }
0x1a: {  	s8 =	sadd.s32 $0xFFFFE003, lr  }
0x1b: {  	s9 =	sadd.s32 $0xFFFFFEF7, lr;
	s5 =	simm.s32 $0xFFFFFFFF;
	p2 =	slt.u32 s8, $0xFFFFF086  }
0x1c: {  	p1 =	slt.u32 s9, $0xF7A;
	s5 =	simm.s32 @!p2 $0x0  }
0x1d: {  	s5 =	simm.s32 @p1 $0x1;
	p0 =	seq.s32 s7, s2  }
0x1e: {  	s7 =	smul.u32 @!p0 $0xF7A, s2;
	p2 =	seq.s32 @!p0 s5, $0x0  }
0x1f: {  	s9 =	smul.u32 $0xF7A, s1;
	s8 =	simm.s32 @!p0 $0x1BF5;
	p2 =	por !p2, p0  }
0x20: {  	[sflag:s8] =	ssyncset.s32 @!p0 $0xFFFFF086;
	s6 =	sadd.s32 @!p0 s3, s7;
	s7 =	simm.s32 @!p0 $0x108  }
0x21: {  	s3 =	sadd.s32 s3, s9;
	s6 =	sadd.s32 @!p0 $0x88, s6;
	s7 =	simm.s32 @p2 $0x1082  }
0x22: {  	[simem:s7], [sflag:s8] =	dma.local @!p0 [hbm:s6], $0xF7A  }
0x23: {  	s9 =	sor.u32 $0xD0000000, s2;
	s6 =	simm.s32 $0x108;
	_ =	swait.ge @!p0 [sflag:s8], $0x0  }
0x24: {  	s3 =	sadd.s32 $0x88, s3;
	s6 =	simm.s32 @!p1 $0x1082;
	[sflag:s4] =	ssyncset.s32 $0xFFFFF086  }
0x25: {  	[simem:s6], [sflag:s4] =	dma.local [hbm:s3], $0xF7A  }
0x26: {  	[smem:$0x3F9E] =	sst s1;
	(tag) =	ssettag s2;
	_ =	strace s9  }
0x27: {  	s1 =	sld [smem:$0x3FAE]  }
0x28: {  	s2 =	sld [smem:$0x3FAF]  }
0x29: {  	s4 =	sld [smem:$0x3FB1]  }
0x2a: {  	p0 =	seq.s32 s5, $0x0;
	s5 =	sld [smem:$0x3FB2]  }
0x2b: {  	s6 =	sld [smem:$0x3FB3]  }
0x2c: {  	s7 =	sld [smem:$0x3FB4]  }
0x2d: {  	s3 =	simm.s32 $0x108;
	s8 =	sld [smem:$0x3FB5]  }
0x2e: {  	s3 =	simm.s32 @!p0 $0x1082;
	s9 =	sld [smem:$0x3FB6]  }
0x2f: {  	lr =	sadd.s32 s0, s3;
	s0 =	sld [smem:$0x3FAD]  }
0x30: {  	s3 =	sld [smem:$0x3FB0]  }
0x31: {  	[smem:$0x3FB9] =	sst s10  }
0x32: {  	s10 =	sld [smem:$0x3FB7];
	_ =	sdelay $0x3  }
0x33: {  	p0 =	seq.s32 s10, $0x1;
	s10 =	sld [smem:$0x3FB9];
	_ =	sdelay $0x3  }
0x34: {  	[smem:$0x3FB9] =	sst s10  }
0x35: {  	s10 =	sld [smem:$0x3FB8];
	_ =	sdelay $0x3  }
0x36: {  	p1 =	seq.s32 s10, $0x1;
	s10 =	sld [smem:$0x3FB9];
	_ =	sdelay $0x3  }
0x37: {  	[smem:$0x3FB9] =	sst s10  }
0x38: {  	s10 =	sld [smem:$0x3FBA]  }
0x39: {  	_ = 	snop;
	(pc) =	sbr.ind lr, $3  }
0x3a: {  	_ = 	snop  }
0x3b: {  	_ = 	snop  }
0x3c: {  	p2 =	seq.s32 s10, $0x1;
	s10 =	sld [smem:$0x3FB9]  }
0x3d: {  	_ =	shalt  }
0x3e: {  	_ =	shalt  }
0x3f: {  	_ =	shalt  }
0x40: {  	_ =	shalt  }
0x41: {  	_ =	shalt  }
0x42: {  	_ =	shalt  }
0x43: {  	_ =	shalt  }
0x44: {  	_ =	shalt  }
0x45: {  	_ =	shalt  }
0x46: {  	_ =	shalt  }
0x47: {  	_ =	shalt  }
0x48: {  	_ =	shalt  }
0x49: {  	_ =	shalt  }
0x4a: {  	_ =	shalt  }
0x4b: {  	_ =	shalt  }
0x4c: {  	_ =	shalt  }
0x4d: {  	_ =	shalt  }
0x4e: {  	_ =	shalt  }
0x4f: {  	_ =	shalt  }
0x50: {  	_ =	shalt  }
0x51: {  	_ =	shalt  }
0x52: {  	_ =	shalt  }
0x53: {  	_ =	shalt  }
0x54: {  	_ =	shalt  }
0x55: {  	_ =	shalt  }
0x56: {  	_ =	shalt  }
0x57: {  	_ =	shalt  }
0x58: {  	_ =	shalt  }
0x59: {  	_ =	shalt  }
0x5a: {  	_ =	shalt  }
0x5b: {  	_ =	shalt  }
0x5c: {  	_ =	shalt  }
0x5d: {  	_ =	shalt  }
0x5e: {  	_ =	shalt  }
0x5f: {  	_ =	shalt  }
0x60: {  	_ =	shalt  }
0x61: {  	_ =	shalt  }
0x62: {  	_ =	shalt  }
0x63: {  	_ =	shalt  }
0x64: {  	_ =	shalt  }
0x65: {  	_ =	shalt  }
0x66: {  	_ =	shalt  }
0x67: {  	_ =	shalt  }
0x68: {  	_ =	shalt  }
0x69: {  	_ =	shalt  }
0x6a: {  	_ =	shalt  }
0x6b: {  	_ =	shalt  }
0x6c: {  	_ =	shalt  }
0x6d: {  	_ =	shalt  }
0x6e: {  	_ =	shalt  }
0x6f: {  	_ =	shalt  }
0x70: {  	_ =	shalt  }
0x71: {  	_ =	shalt  }
0x72: {  	_ =	shalt  }
0x73: {  	_ =	shalt  }
0x74: {  	_ =	shalt  }
0x75: {  	_ =	shalt  }
0x76: {  	_ =	shalt  }
0x77: {  	_ =	shalt  }
0x78: {  	_ =	shalt  }
0x79: {  	_ =	shalt  }
0x7a: {  	_ =	shalt  }
0x7b: {  	_ =	shalt  }
0x7c: {  	_ =	shalt  }
0x7d: {  	_ =	shalt  }
0x7e: {  	_ =	shalt  }
0x7f: {  	_ =	shalt  }
0x80: {  	_ =	shalt  }
0x81: {  	_ =	shalt  }
0x82: {  	_ =	shalt  }
0x83: {  	_ =	shalt  }
0x84: {  	_ =	shalt  }
0x85: {  	_ =	shalt  }
0x86: {  	_ =	shalt  }
0x87: {  	_ =	shalt  }
.Lfunc_end0:
.L_simem_size_0:
called_computation_lowered:
.L_overlay_start_0:
0x88: {  	s2 =	sld [smem:$0x3FD9]  }
0x89: {  	s3 =	sld [smem:$0x3FFE];
	_ =	sdelay $0x1  }
0x8a: {  	s1 =	srdreg.scid  }
0x8b: {  	s0 =	sand.u32 $0x1, s1  }
0x8c: {  	s16 =	sshll.u32 s0, $0xA;
	s2 =	sadd.s32 s3, s2  }
0x8d: {  	s2 =	sadd.s32 s2, s16  }
0x8e: {  	[smem:$0x3FC5] =	sst s2  }
0x8f: {  	_ = 	snop  }
0x90: {  	(tm) =	ssettm $0x1  }
0x91: {  	s17 =	sld [smem:$0x3FFB];
	_ =	sdelay $0x3  }
0x92: {  	_ =	strace s17  }
0x93: {  	s2 =	sld [smem:$0x3FFC];
	_ =	sdelay $0x3  }
0x94: {  	_ =	strace s2  }
0x95: {  	s2 =	sld [smem:$0x3FFD];
	_ =	sdelay $0x3  }
0x96: {  	_ =	strace s2  }
0x97: {  	_ =	strace $0x8FFFFFFF  }
0x98: {  	s18 =	sld [smem:$0x3FDB];
	_ =	sdelay $0x1  }
0x99: {  	s19 =	simm.s32 $_scs_section_size  }
0x9a: {  	s4 =	simm.s32 $_size__tile_overlayer_lowered;
	s5 =	simm.s32 $_tile_overlayer_lowered  }
0x9b: {  	s22 =	simm.s32 $0x1BFF;
	s21 =	sshll.u32 s5, $0x1;
	s2 =	sadd.s32 s19, s18  }
0x9c: {  	s6 =	simm.s32 $0x0;
	s20 =	sshll.u32 s4, $0x1;
	s4 =	sadd.s32 s21, s2  }
0x9d: {  	[timem:s6], [sflag:s22] =	dma.local [hbm:s4], s20  }
0x9e: {  	_ =	swait.ge [sflag:s22], s20  }
0x9f: {  	s3 =	ssub.s32 $0x0, s20;
	[sflag:s22] =	ssyncset.done $0x0  }
0xa0: {  	[sflag:s22] =	ssyncadd.s32 s3;
	_ =	sdelay $0x1  }
0xa1: {  	s23 =	simm.s32 $0x1B8B  }
0xa2: {  	_ =	swait.ge [sflag:s23], $0x1  }
0xa3: {  	[sflag:s23] =	ssyncset.done $0x0  }
0xa4: {  	s25 =	simm.s32 $0x1B8E;
	s24 =	sld [smem:$0x3FFE];
	[sflag:s23] =	ssyncadd.s32 $0xFFFFFFFF  }
0xa5: {  	s26 =	simm.s32 $execute0_lowered;
	[smem:$0x3FD2] =	sst s25  }
0xa6: {  	s4 =	sshll.u32 s26, $0x1;
	_ =	strace $0x80000046;
	[dreg:$0x1] =	wrdreg $0xFFFFFFFF  }
0xa7: {  	s28 =	simm.s32 $_size_execute0_lowered;
	s2 =	sadd.s32 s2, s4;
	[dreg:$0x0] =	wrdreg $0x0  }
0xa8: {  	s4 =	sshll.u32 s28, $0x1;
	[dreg:$0x2] =	wrdreg s2  }
0xa9: {  	[dreg:$0x3] =	wrdreg s4  }
0xaa: {  	[dreg:$0x4] =	wrdreg $0xC0  }
0xab: {  	_ =	task [dreg:s6], $0x5FFFF  }
0xac: {  	[dreg:$0x1] =	wrdreg $0xFFFFFFFF  }
0xad: {  	[dreg:$0x0] =	wrdreg $0x60  }
0xae: {  	[dreg:$0x2] =	wrdreg s24  }
0xaf: {  	[dreg:$0x3] =	wrdreg $0x9D800  }
0xb0: {  	[dreg:$0x4] =	wrdreg $0x9  }
0xb1: {  	_ =	task.clear_ibuf [dreg:s6], $0x5FFFF;
	_ =	strace $0x90000046  }
0xb2: {  	s29 =	simm.s32 $0x9;
	_ =	strace $0x80000048  }
0xb3: {  	_ =	swait.ge [sflag:s29], $0x1  }
0xb4: {  	[sflag:s29] =	ssyncadd.s32 $0xFFFFFFFF  }
0xb5: {  	_ =	strace $0x90000048  }
0xb6: {  	_ =	sfence  }
0xb7: {  	s30 =	sld [smem:$0x0];
	_ =	sdelay $0x2  }
0xb8: {  	s31 =	sshll.u32 s1, $0xD;
	s1 =	sshrl.u32 s1, $0x2  }
0xb9: {  	s3 =	sand.u32 $0x4000, s31;
	s1 =	sadd.s32 s1, s30  }
0xba: {  	s0 =	sor.u32 s3, s0;
	s1 =	sshll.u32 s1, $0x11  }
0xbb: {  	s0 =	sor.u32 s1, s0  }
0xbc: {  	s0 =	sadd.s32 $0x8F2B, s0  }
0xbd: {  	[sflag:s0] =	ssyncadd.remote.s32 $0x1  }
0xbe: {  	_ =	sfence.sel $0xFFFF  }
0xbf: {  	[dreg:$0x0] =	wrdreg $0xFFFFFFFF;
	(pc) =	sbr.abs _section_cstart, $3  }
0xc0: {  	[dreg:$0x1] =	wrdreg $0xFFFFFFFF  }
0xc1: {  	_ =	task.clear_ibuf [dreg:s6], $0x2FFFF;
	_ =	strace $0x9FFFFFFF  }
0xc2: {  	(tm) =	ssettm $0x7FFFFFFF  }
0xc3: {  	_ =	shalt  }
tec
execute0_lowered:
.L_overlay_start_1:
0x0: {  	(tag) =	ssettag $0x1  }
0x1: {  	s0 =	srdreg.scid  }
0x2: {  	s5 =	stileid.u32;
	s2 =	rddreg [dreg:$0x0]  }
0x3: {  	s3 =	rddreg [dreg:$0x1];
	s0 =	sand.u32 $0x1, s0;
	s1 =	sshll.u32 s5, $0x1  }
0x4: {  	s5 =	smul.u32 $0x1870, s5;
	s1 =	sor.u32 s0, s1;
	s25 =	ssub.s32 $0x2, s0  }
0x5: {  	p0 =	seq.s32 s0, $0x1;
	s0 =	simm.s32 $0x1E600;
	s1 =	smul.u32 $0x1C00, s1  }
0x6: {  	s4 =	simm.s32 $0x0;
	s30 =	sadd.s32 s5, s3;
	s0 =	simm.s32 @!p0 $0x1B400  }
0x7: {  	s5 =	sshrl.u32 s5, $0x3;
	s0 =	sadd.s32 s0, s2;
	s1 =	sshrl.u32 s1, $0x3  }
0x8: {  	[smem:$0x7FF] =	sst s4;
	s0 =	sadd.s32 s0, s5;
	s1 =	sadd.s32 s1, s2  }
0x9: {  	_ =	strace $0x80000047;
	[dreg:$0x13] =	wrdreg s0;
	s26 =	sadd.s32 $0x6400, s1  }
0xa: {  	s28 =	sadd.s32 $0x6410, s1;
	[dreg:$0x3] =	wrdreg s26  }
0xb: {  	s29 =	sadd.s32 $0x6420, s1;
	[dreg:$0x4] =	wrdreg s28  }
0xc: {  	s7 =	sadd.s32 $0x6430, s1;
	[dreg:$0x5] =	wrdreg s29  }
0xd: {  	s8 =	sadd.s32 $0x6440, s1;
	[dreg:$0x6] =	wrdreg s7  }
0xe: {  	s9 =	sadd.s32 $0x6450, s1;
	[dreg:$0x7] =	wrdreg s8  }
0xf: {  	s10 =	sadd.s32 $0x6460, s1;
	[dreg:$0x8] =	wrdreg s9  }
0x10: {  	s11 =	sadd.s32 $0x6470, s1;
	[dreg:$0x9] =	wrdreg s10  }
0x11: {  	s12 =	sadd.s32 $0xD400, s1;
	[dreg:$0xa] =	wrdreg s11  }
0x12: {  	s13 =	sadd.s32 $0xD410, s1;
	[dreg:$0xb] =	wrdreg s12  }
0x13: {  	s14 =	sadd.s32 $0xD420, s1;
	[dreg:$0xc] =	wrdreg s13  }
0x14: {  	s15 =	sadd.s32 $0xD430, s1;
	[dreg:$0xd] =	wrdreg s14  }
0x15: {  	s16 =	sadd.s32 $0xD440, s1;
	[dreg:$0xe] =	wrdreg s15  }
0x16: {  	s17 =	sadd.s32 $0xD450, s1;
	[dreg:$0xf] =	wrdreg s16  }
0x17: {  	s18 =	sadd.s32 $0xD460, s1;
	[dreg:$0x10] =	wrdreg s17  }
0x18: {  	s19 =	sadd.s32 $0xD470, s1;
	[dreg:$0x11] =	wrdreg s18  }
0x19: {  	s31 =	simm.s32 $0x8500;
	s20 =	sadd.s32 $0x14400, s1;
	[dreg:$0x12] =	wrdreg s19  }
0x1a: {  	s6 =	sshrl.u32 s25, $0x1;
	s21 =	sadd.s32 $0x14410, s1;
	[dreg:$0x14] =	wrdreg s20  }
0x1b: {  	s4 =	ssub.s32 s25, s6;
	s22 =	sadd.s32 $0x14420, s1;
	[dreg:$0x15] =	wrdreg s21  }
0x1c: {  	s6 =	simm.s32 $0x4D00;
	s23 =	sadd.s32 $0x14430, s1;
	[dreg:$0x16] =	wrdreg s22  }
0x1d: {  	s5 =	simm.s32 $0x320;
	s24 =	sadd.s32 $0x14440, s1;
	[dreg:$0x17] =	wrdreg s23  }
0x1e: {  	s0 =	sadd.s32 $0x3200, s2;
	s25 =	sadd.s32 $0x14450, s1;
	[dreg:$0x18] =	wrdreg s24  }
0x1f: {  	[dreg:$0x19] =	wrdreg s25;
	s26 =	sadd.s32 $0x14460, s1;
	s28 =	sadd.s32 $0x14470, s1  }
0x20: {  	s29 =	smax.u32 s4, $0x1;
	s7 =	simm.s32 $0x80;
	s8 =	simm.s32 $0x400  }
0x21: {  	s10 =	simm.s32 $0xA80;
	s13 =	simm.s32 $0x1180;
	s14 =	simm.s32 $0x1500  }
0x22: {  	s15 =	simm.s32 $0x1880;
	s12 =	simm.s32 $0x2A00;
	s17 =	simm.s32 $0x2D80  }
0x23: {  	s18 =	simm.s32 $0x3100;
	s19 =	simm.s32 $0x3480;
	s20 =	simm.s32 $0x4600  }
0x24: {  	s11 =	simm.s32 $0x4980;
	s16 =	simm.s32 $0x5080;
	s4 =	simm.s32 $0x1  }
0x25: {  	s21 =	simm.s32 $0x7E00;
	s22 =	simm.s32 $0x2;
	[dreg:$0x1a] =	wrdreg s26  }
0x26: {  	s23 =	simm.s32 $0x8180;
	s24 =	simm.s32 $0x3;
	[dreg:$0x1b] =	wrdreg s28  }
0x27: {  	v0 =	vimm.f32 $0.0e+00;
	s25 =	simm.s32 $0x4;
	[dreg:$0x1c] =	wrdreg s29;
	s26 =	simm.s32 $0x0  }
.LBB2_1:
0x28: {  	s28 =	simm.s32 $0x40;
	s29 =	simm.s32 $0x0  }
.LBB2_2:
0x29: {  	p0 =	sne.s32 s28, $0x6180;
	[tilespmem:s29+$0x8500] =	vst v0;
	s29 =	smov.u32 s28;
	s28 =	sadd.s32 $0x40, s28  }
.Ltmp0:
0x2a: {  	(pc) =	sbr.rel @p0 .LBB2_2-.Ltmp0, $2  }
0x2b: {  	_ =	sdelay $0x2  }
0x2c: {  	s29 =	sshra.s32 s29, $0x2  }
0x2d: {  	[tilespmem:s29+$0x8500] =	vst v0;
	s1 =	simm.s32 $0x5  }
0x2e: {  	[spmem:s30] =	stream.linear.scatter [tilespmem:s31], [sflag:$0x5], $0x1870, $0x38;
	[tilespmem:$0xB5F0] =	vst v63  }
0x2f: {  	_ =	swait.ge [sflag:s1], $0x1870  }
0x30: {  	[sflag:s1] =	ssyncset.done $0x0  }
0x31: {  	[sflag:s1] =	ssyncadd.s32 $0xFFFFE790  }
0x32: {  	[bflag:$0x0] =	sbarrier.arrive $0xFFFF  }
0x33: {  	s28 =	simm.s32 $0x0;
	s1 =	rddreg [dreg:$0x3]  }
0x34: {  	[tilespmem:s28], [sflag:$0x1] =	stream.strided.gather [hbm4b:s1+s7], $0x380, s8, s7, $0x38;
	[tilespmem:$0xB5F0] =	vst v63  }
0x35: {  	s29 =	simm.s32 $0x380;
	s1 =	rddreg [dreg:$0x4]  }
0x36: {  	[tilespmem:s29], [sflag:$0x1] =	stream.strided.gather [hbm4b:s1+s7], $0x380, s8, s7, $0x38;
	[tilespmem:$0xB5F0] =	vst v63  }
0x37: {  	s9 =	smov.u32 s30;
	s30 =	simm.s32 $0x700;
	s1 =	rddreg [dreg:$0x5]  }
0x38: {  	[tilespmem:s30], [sflag:$0x1] =	stream.strided.gather [hbm4b:s1+s7], $0x380, s8, s7, $0x38;
	[tilespmem:$0xB5F0] =	vst v63  }
0x39: {  	s1 =	rddreg [dreg:$0x6]  }
0x3a: {  	[tilespmem:s10], [sflag:$0x1] =	stream.strided.gather [hbm4b:s1+s7], $0x380, s8, s7, $0x38;
	[tilespmem:$0xB5F0] =	vst v63  }
0x3b: {  	s1 =	rddreg [dreg:$0x7];
	s10 =	simm.s32 $0xE00  }
0x3c: {  	[tilespmem:s10], [sflag:$0x1] =	stream.strided.gather [hbm4b:s1+s7], $0x380, s8, s7, $0x38;
	[tilespmem:$0xB5F0] =	vst v63  }
0x3d: {  	s10 =	rddreg [dreg:$0x8]  }
0x3e: {  	[tilespmem:s13], [sflag:$0x1] =	stream.strided.gather [hbm4b:s10+s7], $0x380, s8, s7, $0x38;
	[tilespmem:$0xB5F0] =	vst v63  }
0x3f: {  	s13 =	rddreg [dreg:$0x9]  }
0x40: {  	[tilespmem:s14], [sflag:$0x1] =	stream.strided.gather [hbm4b:s13+s7], $0x380, s8, s7, $0x38;
	[tilespmem:$0xB5F0] =	vst v63  }
0x41: {  	s10 =	rddreg [dreg:$0xa]  }
0x42: {  	[tilespmem:s15], [sflag:$0x1] =	stream.strided.gather [hbm4b:s10+s7], $0x380, s8, s7, $0x38;
	[tilespmem:$0xB5F0] =	vst v63  }
0x43: {  	s13 =	rddreg [dreg:$0xb];
	s10 =	simm.s32 $0x1C00  }
0x44: {  	[tilespmem:s10], [sflag:$0x1] =	stream.strided.gather [hbm4b:s13+s7], $0x380, s8, s7, $0x38;
	[tilespmem:$0xB5F0] =	vst v63  }
0x45: {  	s14 =	rddreg [dreg:$0xc];
	s13 =	simm.s32 $0x1F80  }
0x46: {  	[tilespmem:s13], [sflag:$0x1] =	stream.strided.gather [hbm4b:s14+s7], $0x380, s8, s7, $0x38;
	[tilespmem:$0xB5F0] =	vst v63  }
0x47: {  	s15 =	rddreg [dreg:$0xd];
	s14 =	simm.s32 $0x2300  }
0x48: {  	[tilespmem:s14], [sflag:$0x1] =	stream.strided.gather [hbm4b:s15+s7], $0x380, s8, s7, $0x38;
	[tilespmem:$0xB5F0] =	vst v63  }
0x49: {  	s1 =	rddreg [dreg:$0xe];
	s15 =	simm.s32 $0x2680  }
0x4a: {  	[tilespmem:s15], [sflag:$0x1] =	stream.strided.gather [hbm4b:s1+s7], $0x380, s8, s7, $0x38;
	[tilespmem:$0xB5F0] =	vst v63  }
0x4b: {  	s1 =	rddreg [dreg:$0xf]  }
0x4c: {  	[tilespmem:s12], [sflag:$0x1] =	stream.strided.gather [hbm4b:s1+s7], $0x380, s8, s7, $0x38;
	[tilespmem:$0xB5F0] =	vst v63  }
0x4d: {  	s12 =	rddreg [dreg:$0x10]  }
0x4e: {  	[tilespmem:s17], [sflag:$0x1] =	stream.strided.gather [hbm4b:s12+s7], $0x380, s8, s7, $0x38;
	[tilespmem:$0xB5F0] =	vst v63  }
0x4f: {  	s17 =	rddreg [dreg:$0x11]  }
0x50: {  	[tilespmem:s18], [sflag:$0x1] =	stream.strided.gather [hbm4b:s17+s7], $0x380, s8, s7, $0x38;
	[tilespmem:$0xB5F0] =	vst v63  }
0x51: {  	s12 =	rddreg [dreg:$0x12]  }
0x52: {  	[tilespmem:s19], [sflag:$0x1] =	stream.strided.gather [hbm4b:s12+s7], $0x380, s8, s7, $0x38;
	[tilespmem:$0xB5F0] =	vst v63  }
0x53: {  	s17 =	rddreg [dreg:$0x14];
	s12 =	simm.s32 $0x3800  }
0x54: {  	[tilespmem:s12], [sflag:$0x1] =	stream.strided.gather [hbm4b:s17+s7], $0x380, s8, s7, $0x38;
	[tilespmem:$0xB5F0] =	vst v63  }
0x55: {  	s18 =	rddreg [dreg:$0x15];
	s17 =	simm.s32 $0x3B80  }
0x56: {  	[tilespmem:s17], [sflag:$0x1] =	stream.strided.gather [hbm4b:s18+s7], $0x380, s8, s7, $0x38;
	[tilespmem:$0xB5F0] =	vst v63  }
0x57: {  	s19 =	rddreg [dreg:$0x16];
	s18 =	simm.s32 $0x3F00  }
0x58: {  	[tilespmem:s18], [sflag:$0x1] =	stream.strided.gather [hbm4b:s19+s7], $0x380, s8, s7, $0x38;
	[tilespmem:$0xB5F0] =	vst v63  }
0x59: {  	s1 =	rddreg [dreg:$0x17];
	s19 =	simm.s32 $0x4280  }
0x5a: {  	[tilespmem:s19], [sflag:$0x1] =	stream.strided.gather [hbm4b:s1+s7], $0x380, s8, s7, $0x38;
	[tilespmem:$0xB5F0] =	vst v63  }
0x5b: {  	s1 =	rddreg [dreg:$0x18]  }
0x5c: {  	[tilespmem:s20], [sflag:$0x1] =	stream.strided.gather [hbm4b:s1+s7], $0x380, s8, s7, $0x38;
	[tilespmem:$0xB5F0] =	vst v63  }
0x5d: {  	s20 =	rddreg [dreg:$0x19]  }
0x5e: {  	[tilespmem:s11], [sflag:$0x1] =	stream.strided.gather [hbm4b:s20+s7], $0x380, s8, s7, $0x38;
	[tilespmem:$0xB5F0] =	vst v63  }
0x5f: {  	s20 =	rddreg [dreg:$0x1a]  }
0x60: {  	[tilespmem:s6], [sflag:$0x1] =	stream.strided.gather [hbm4b:s20+s7], $0x380, s8, s7, $0x38;
	[tilespmem:$0xB5F0] =	vst v63  }
0x61: {  	s11 =	rddreg [dreg:$0x1b]  }
0x62: {  	[tilespmem:s16], [sflag:$0x1] =	stream.strided.gather [hbm4b:s11+s7], $0x380, s8, s7, $0x38;
	[tilespmem:$0xB5F0] =	vst v63  }
0x63: {  	_ =	swait.ge [sflag:s4], $0x380  }
0x64: {  	[sflag:s4] =	ssyncset.done $0x0  }
0x65: {  	[sflag:s4] =	ssyncadd.s32 $0xFFFFFC80  }
0x66: {  	_ =	swait.ge [sflag:s4], $0x380  }
0x67: {  	[sflag:s4] =	ssyncset.done $0x0  }
0x68: {  	[sflag:s4] =	ssyncadd.s32 $0xFFFFFC80  }
0x69: {  	_ =	swait.ge [sflag:s4], $0x380  }
0x6a: {  	[sflag:s4] =	ssyncset.done $0x0  }
0x6b: {  	[sflag:s4] =	ssyncadd.s32 $0xFFFFFC80  }
0x6c: {  	_ =	swait.ge [sflag:s4], $0x380  }
0x6d: {  	[sflag:s4] =	ssyncset.done $0x0  }
0x6e: {  	[sflag:s4] =	ssyncadd.s32 $0xFFFFFC80  }
0x6f: {  	_ =	swait.ge [sflag:s4], $0x380  }
0x70: {  	[sflag:s4] =	ssyncset.done $0x0  }
0x71: {  	[sflag:s4] =	ssyncadd.s32 $0xFFFFFC80  }
0x72: {  	_ =	swait.ge [sflag:s4], $0x380  }
0x73: {  	[sflag:s4] =	ssyncset.done $0x0  }
0x74: {  	[sflag:s4] =	ssyncadd.s32 $0xFFFFFC80  }
0x75: {  	_ =	swait.ge [sflag:s4], $0x380  }
0x76: {  	[sflag:s4] =	ssyncset.done $0x0  }
0x77: {  	[sflag:s4] =	ssyncadd.s32 $0xFFFFFC80  }
0x78: {  	_ =	swait.ge [sflag:s4], $0x380  }
0x79: {  	[sflag:s4] =	ssyncset.done $0x0  }
0x7a: {  	[sflag:s4] =	ssyncadd.s32 $0xFFFFFC80  }
0x7b: {  	_ =	swait.ge [sflag:s4], $0x380  }
0x7c: {  	[sflag:s4] =	ssyncset.done $0x0  }
0x7d: {  	[sflag:s4] =	ssyncadd.s32 $0xFFFFFC80  }
0x7e: {  	_ =	swait.ge [sflag:s4], $0x380  }
0x7f: {  	[sflag:s4] =	ssyncset.done $0x0  }
0x80: {  	[sflag:s4] =	ssyncadd.s32 $0xFFFFFC80  }
0x81: {  	_ =	swait.ge [sflag:s4], $0x380  }
0x82: {  	[sflag:s4] =	ssyncset.done $0x0  }
0x83: {  	[sflag:s4] =	ssyncadd.s32 $0xFFFFFC80  }
0x84: {  	_ =	swait.ge [sflag:s4], $0x380  }
0x85: {  	[sflag:s4] =	ssyncset.done $0x0  }
0x86: {  	[sflag:s4] =	ssyncadd.s32 $0xFFFFFC80  }
0x87: {  	_ =	swait.ge [sflag:s4], $0x380  }
0x88: {  	[sflag:s4] =	ssyncset.done $0x0  }
0x89: {  	[sflag:s4] =	ssyncadd.s32 $0xFFFFFC80  }
0x8a: {  	_ =	swait.ge [sflag:s4], $0x380  }
0x8b: {  	[sflag:s4] =	ssyncset.done $0x0  }
0x8c: {  	[sflag:s4] =	ssyncadd.s32 $0xFFFFFC80  }
0x8d: {  	_ =	swait.ge [sflag:s4], $0x380  }
0x8e: {  	[sflag:s4] =	ssyncset.done $0x0  }
0x8f: {  	[sflag:s4] =	ssyncadd.s32 $0xFFFFFC80  }
0x90: {  	_ =	swait.ge [sflag:s4], $0x380  }
0x91: {  	[sflag:s4] =	ssyncset.done $0x0  }
0x92: {  	[sflag:s4] =	ssyncadd.s32 $0xFFFFFC80  }
0x93: {  	_ =	swait.ge [sflag:s4], $0x380  }
0x94: {  	[sflag:s4] =	ssyncset.done $0x0  }
0x95: {  	[sflag:s4] =	ssyncadd.s32 $0xFFFFFC80  }
0x96: {  	_ =	swait.ge [sflag:s4], $0x380  }
0x97: {  	[sflag:s4] =	ssyncset.done $0x0  }
0x98: {  	[sflag:s4] =	ssyncadd.s32 $0xFFFFFC80  }
0x99: {  	_ =	swait.ge [sflag:s4], $0x380  }
0x9a: {  	[sflag:s4] =	ssyncset.done $0x0  }
0x9b: {  	[sflag:s4] =	ssyncadd.s32 $0xFFFFFC80  }
0x9c: {  	_ =	swait.ge [sflag:s4], $0x380  }
0x9d: {  	[sflag:s4] =	ssyncset.done $0x0  }
0x9e: {  	[sflag:s4] =	ssyncadd.s32 $0xFFFFFC80  }
0x9f: {  	_ =	swait.ge [sflag:s4], $0x380  }
0xa0: {  	[sflag:s4] =	ssyncset.done $0x0  }
0xa1: {  	[sflag:s4] =	ssyncadd.s32 $0xFFFFFC80  }
0xa2: {  	_ =	swait.ge [sflag:s4], $0x380  }
0xa3: {  	[sflag:s4] =	ssyncset.done $0x0  }
0xa4: {  	[sflag:s4] =	ssyncadd.s32 $0xFFFFFC80  }
0xa5: {  	_ =	swait.ge [sflag:s4], $0x380  }
0xa6: {  	[sflag:s4] =	ssyncset.done $0x0  }
0xa7: {  	[sflag:s4] =	ssyncadd.s32 $0xFFFFFC80  }
0xa8: {  	_ =	swait.ge [sflag:s4], $0x380  }
0xa9: {  	[sflag:s4] =	ssyncset.done $0x0  }
0xaa: {  	s6 =	simm.s32 $0x5400;
	[sflag:s4] =	ssyncadd.s32 $0xFFFFFC80  }
0xab: {  	[tilespmem:s6], [sflag:$0x1] =	stream.indirect.gather [hbm4b:s0+s5], $0x1, s28, s5, $0xb8;
	[tilespmem:$0xB5F0] =	vst v63  }
0xac: {  	s20 =	simm.s32 $0x6900  }
0xad: {  	[tilespmem:s20], [sflag:$0x1] =	stream.indirect.gather [hbm4b:s2+s5], $0x1, s28, s5, $0xb8;
	[tilespmem:$0xB5F0] =	vst v63  }
0xae: {  	s11 =	simm.s32 $0x5B00  }
0xaf: {  	[tilespmem:s11], [sflag:$0x1] =	stream.indirect.gather [hbm4b:s0+s5], $0x1, s10, s5, $0xb8;
	[tilespmem:$0xB5F0] =	vst v63  }
0xb0: {  	s16 =	simm.s32 $0x7000  }
0xb1: {  	[tilespmem:s16], [sflag:$0x1] =	stream.indirect.gather [hbm4b:s2+s5], $0x1, s10, s5, $0xb8;
	[tilespmem:$0xB5F0] =	vst v63  }
0xb2: {  	s20 =	simm.s32 $0x6200  }
0xb3: {  	[tilespmem:s20], [sflag:$0x1] =	stream.indirect.gather [hbm4b:s0+s5], $0x1, s12, s5, $0xb8;
	[tilespmem:$0xB5F0] =	vst v63  }
0xb4: {  	s10 =	simm.s32 $0x7700  }
0xb5: {  	[tilespmem:s10], [sflag:$0x1] =	stream.indirect.gather [hbm4b:s2+s5], $0x1, s12, s5, $0xb8;
	[tilespmem:$0xB5F0] =	vst v63  }
0xb6: {  	s12 =	simm.s32 $0x5780  }
0xb7: {  	[tilespmem:s12], [sflag:$0x2] =	stream.indirect.gather [hbm4b:s0+s5], $0x1, s29, s5, $0xb8;
	[tilespmem:$0xB5F0] =	vst v63  }
0xb8: {  	s20 =	simm.s32 $0x6C80  }
0xb9: {  	[tilespmem:s20], [sflag:$0x2] =	stream.indirect.gather [hbm4b:s2+s5], $0x1, s29, s5, $0xb8;
	[tilespmem:$0xB5F0] =	vst v63  }
0xba: {  	s12 =	simm.s32 $0x5E80  }
0xbb: {  	[tilespmem:s12], [sflag:$0x2] =	stream.indirect.gather [hbm4b:s0+s5], $0x1, s13, s5, $0xb8;
	[tilespmem:$0xB5F0] =	vst v63  }
0xbc: {  	s20 =	simm.s32 $0x7380  }
0xbd: {  	[tilespmem:s20], [sflag:$0x2] =	stream.indirect.gather [hbm4b:s2+s5], $0x1, s13, s5, $0xb8;
	[tilespmem:$0xB5F0] =	vst v63  }
0xbe: {  	s13 =	simm.s32 $0x6580  }
0xbf: {  	[tilespmem:s13], [sflag:$0x2] =	stream.indirect.gather [hbm4b:s0+s5], $0x1, s17, s5, $0xb8;
	[tilespmem:$0xB5F0] =	vst v63  }
0xc0: {  	s20 =	simm.s32 $0x7A80  }
0xc1: {  	[tilespmem:s20], [sflag:$0x2] =	stream.indirect.gather [hbm4b:s2+s5], $0x1, s17, s5, $0xb8;
	[tilespmem:$0xB5F0] =	vst v63  }
0xc2: {  	_ =	swait.ge [sflag:s4], $0x320  }
0xc3: {  	[sflag:s4] =	ssyncset.done $0x0  }
0xc4: {  	[sflag:s4] =	ssyncadd.s32 $0xFFFFFCE0  }
0xc5: {  	_ =	swait.ge [sflag:s4], $0x320  }
0xc6: {  	[sflag:s4] =	ssyncset.done $0x0  }
0xc7: {  	[sflag:s4] =	ssyncadd.s32 $0xFFFFFCE0  }
0xc8: {  	_ =	swait.ge [sflag:s4], $0x320  }
0xc9: {  	[sflag:s4] =	ssyncset.done $0x0  }
0xca: {  	[sflag:s4] =	ssyncadd.s32 $0xFFFFFCE0  }
0xcb: {  	_ =	swait.ge [sflag:s4], $0x320  }
0xcc: {  	[sflag:s4] =	ssyncset.done $0x0  }
0xcd: {  	[sflag:s4] =	ssyncadd.s32 $0xFFFFFCE0  }
0xce: {  	_ =	swait.ge [sflag:s4], $0x320  }
0xcf: {  	[sflag:s4] =	ssyncset.done $0x0  }
0xd0: {  	[sflag:s4] =	ssyncadd.s32 $0xFFFFFCE0  }
0xd1: {  	_ =	swait.ge [sflag:s4], $0x320  }
0xd2: {  	[sflag:s4] =	ssyncset.done $0x0  }
0xd3: {  	s28 =	simm.s32 $0x0;
	[sflag:s4] =	ssyncadd.s32 $0xFFFFFCE0  }
0xd4: {  	v1 =	vld [tilespmem:s28+$0x5B00]  }
0xd5: {  	v2 =	vld [tilespmem:s28+$0x5400]  }
0xd6: {  	v3 =	vld [tilespmem:s28+$0x7000]  }
0xd7: {  	v4 =	vld [tilespmem:s28+$0x6900]  }
0xd8: {  	v5 =	vld [tilespmem:s28+$0x6200]  }
0xd9: {  	s29 =	simm.s32 $0x10;
	v6 =	vld [tilespmem:s28+$0x7700]  }
0xda: {  	v7 =	vld [tilespmem:s29+$0x5B00]  }
0xdb: {  	v8 =	vld [tilespmem:s29+$0x5400]  }
0xdc: {  	v9 =	vld [tilespmem:s29+$0x7000]  }
0xdd: {  	v10 =	vld [tilespmem:s29+$0x6900];
	v11 =	vsub.f32 v1, v2;
	v3 =	vsub.f32 v3, v4  }
0xde: {  	v12 =	vld [tilespmem:s29+$0x6200];
	v2 =	vsub.f32 v5, v2;
	v4 =	vsub.f32 v6, v4  }
0xdf: {  	s30 =	simm.s32 $0x20;
	v13 =	vld [tilespmem:s29+$0x7700]  }
0xe0: {  	v1 =	vld [tilespmem:s30+$0x5B00];
	v5 =	vmul.f32 v4, v11;
	v3 =	vmul.f32 v2, v3  }
0xe1: {  	v2 =	vld [tilespmem:s30+$0x5400]  }
0xe2: {  	v4 =	vld [tilespmem:s30+$0x7000];
	v11 =	vsub.f32 v5, v3  }
0xe3: {  	s31 =	simm.s32 $0xC0;
	s11 =	simm.s32 $0x1C00;
	s16 =	simm.s32 $0x3800;
	v6 =	vsub.f32 v7, v8;
	v7 =	vsub.f32 v9, v10;
	v3 =	vld [tilespmem:s30+$0x6900]  }
0xe4: {  	s10 =	simm.s32 $0x380;
	s12 =	simm.s32 $0x1F80;
	s13 =	simm.s32 $0x3B80;
	v8 =	vsub.f32 v12, v8;
	v10 =	vsub.f32 v13, v10;
	v5 =	vld [tilespmem:s30+$0x6200];
	v9 =	vand.u32 $0x7FFFFFFF, v11  }
.LBB2_4:
0xe5: {  	s1 =	sshra.s32 s31, $0x2;
	v11 =	vld [tilespmem:s30+$0x7700];
	v13 =	vmul.f32 $1.666666720e-01, v9;
	v12 =	vmov v1;
	p0 =	sne.s32 s31, $0xC40  }
.Ltmp1:
0xe6: {  	v1 =	vld [tilespmem:s1+$0x5B00];
	v6 =	vmul.f32 v10, v6;
	v7 =	vmul.f32 v8, v7;
	v8 =	vmov v2;
	(pc) =	sbr.rel @p0 .LBB2_4-.Ltmp1, $4  }
0xe7: {  	v2 =	vld [tilespmem:s1+$0x5400];
	[tilespmem:s28+$0x7E00] =	vst v13;
	v9 =	vmov v4;
	s28 =	smov.u32 s29;
	s29 =	smov.u32 s30;
	s30 =	smov.u32 s1  }
0xe8: {  	v4 =	vld [tilespmem:s30+$0x7000];
	v13 =	vsub.f32 v6, v7;
	v10 =	vmov v3  }
0xe9: {  	v6 =	vsub.f32 v12, v8;
	v3 =	vld [tilespmem:s30+$0x6900];
	v7 =	vsub.f32 v9, v10  }
0xea: {  	s31 =	sadd.s32 $0x40, s31;
	v8 =	vsub.f32 v5, v8;
	v5 =	vld [tilespmem:s30+$0x6200];
	v10 =	vsub.f32 v11, v10;
	v9 =	vand.u32 $0x7FFFFFFF, v13  }
0xeb: {  	v11 =	vld [tilespmem:s30+$0x7700];
	_ =	sdelay $0x3  }
0xec: {  	v1 =	vsub.f32 v1, v2;
	v4 =	vsub.f32 v4, v3  }
0xed: {  	v2 =	vsub.f32 v5, v2;
	v3 =	vsub.f32 v11, v3  }
0xee: {  	v5 =	vmul.f32 v10, v6;
	v6 =	vmul.f32 v8, v7  }
0xef: {  	v2 =	vmul.f32 v2, v4;
	v1 =	vmul.f32 v3, v1  }
0xf0: {  	v3 =	vsub.f32 v5, v6  }
0xf1: {  	v1 =	vsub.f32 v1, v2  }
0xf2: {  	v2 =	vmul.f32 $1.666666720e-01, v9;
	v3 =	vand.u32 $0x7FFFFFFF, v3  }
0xf3: {  	v3 =	vmul.f32 $1.666666720e-01, v3;
	v1 =	vand.u32 $0x7FFFFFFF, v1  }
0xf4: {  	[tilespmem:s28+$0x7E00] =	vst v2;
	v1 =	vmul.f32 $1.666666720e-01, v1  }
0xf5: {  	[tilespmem:s29+$0x7E00] =	vst v3  }
0xf6: {  	s1 =	simm.s32 $0x0;
	[tilespmem:s30+$0x7E00] =	vst v1  }
0xf7: {  	[spmem:s3] =	stream.indirect.scatter.add.f32 [tilespmem:s21], [sflag:$0x3], $0x1, s1, s5, $0xb8;
	[tilespmem:$0xB5F0] =	vst v63  }
0xf8: {  	_ = 	snop  }
0xf9: {  	[spmem:s3] =	stream.indirect.scatter.add.f32 [tilespmem:s21], [sflag:$0x3], $0x1, s11, s5, $0xb8;
	[tilespmem:$0xB5F0] =	vst v63  }
0xfa: {  	_ = 	snop  }
0xfb: {  	[spmem:s3] =	stream.indirect.scatter.add.f32 [tilespmem:s21], [sflag:$0x3], $0x1, s16, s5, $0xb8;
	[tilespmem:$0xB5F0] =	vst v63  }
0xfc: {  	s17 =	simm.s32 $0x700  }
0xfd: {  	[tilespmem:s6], [sflag:$0x1] =	stream.indirect.gather [hbm4b:s0+s5], $0x1, s17, s5, $0xb8;
	[tilespmem:$0xB5F0] =	vst v63  }
0xfe: {  	s20 =	simm.s32 $0x6900  }
0xff: {  	[tilespmem:s20], [sflag:$0x1] =	stream.indirect.gather [hbm4b:s2+s5], $0x1, s17, s5, $0xb8;
	[tilespmem:$0xB5F0] =	vst v63  }
0x100: {  	s11 =	simm.s32 $0x5B00  }
0x101: {  	[tilespmem:s11], [sflag:$0x1] =	stream.indirect.gather [hbm4b:s0+s5], $0x1, s14, s5, $0xb8;
	[tilespmem:$0xB5F0] =	vst v63  }
0x102: {  	s16 =	simm.s32 $0x7000  }
0x103: {  	[tilespmem:s16], [sflag:$0x1] =	stream.indirect.gather [hbm4b:s2+s5], $0x1, s14, s5, $0xb8;
	[tilespmem:$0xB5F0] =	vst v63  }
0x104: {  	s17 =	simm.s32 $0x6200  }
0x105: {  	[tilespmem:s17], [sflag:$0x1] =	stream.indirect.gather [hbm4b:s0+s5], $0x1, s18, s5, $0xb8;
	[tilespmem:$0xB5F0] =	vst v63  }
0x106: {  	s20 =	simm.s32 $0x7700  }
0x107: {  	[tilespmem:s20], [sflag:$0x1] =	stream.indirect.gather [hbm4b:s2+s5], $0x1, s18, s5, $0xb8;
	[tilespmem:$0xB5F0] =	vst v63  }
0x108: {  	_ =	swait.ge [sflag:s22], $0x320  }
0x109: {  	[sflag:s22] =	ssyncset.done $0x0  }
0x10a: {  	[sflag:s22] =	ssyncadd.s32 $0xFFFFFCE0  }
0x10b: {  	_ =	swait.ge [sflag:s22], $0x320  }
0x10c: {  	[sflag:s22] =	ssyncset.done $0x0  }
0x10d: {  	[sflag:s22] =	ssyncadd.s32 $0xFFFFFCE0  }
0x10e: {  	_ =	swait.ge [sflag:s22], $0x320  }
0x10f: {  	[sflag:s22] =	ssyncset.done $0x0  }
0x110: {  	[sflag:s22] =	ssyncadd.s32 $0xFFFFFCE0  }
0x111: {  	_ =	swait.ge [sflag:s22], $0x320  }
0x112: {  	[sflag:s22] =	ssyncset.done $0x0  }
0x113: {  	[sflag:s22] =	ssyncadd.s32 $0xFFFFFCE0  }
0x114: {  	_ =	swait.ge [sflag:s22], $0x320  }
0x115: {  	[sflag:s22] =	ssyncset.done $0x0  }
0x116: {  	[sflag:s22] =	ssyncadd.s32 $0xFFFFFCE0  }
0x117: {  	_ =	swait.ge [sflag:s22], $0x320  }
0x118: {  	[sflag:s22] =	ssyncset.done $0x0  }
0x119: {  	s28 =	simm.s32 $0x0;
	[sflag:s22] =	ssyncadd.s32 $0xFFFFFCE0  }
0x11a: {  	v1 =	vld [tilespmem:s28+$0x5E80]  }
0x11b: {  	v2 =	vld [tilespmem:s28+$0x5780]  }
0x11c: {  	v3 =	vld [tilespmem:s28+$0x7380]  }
0x11d: {  	v4 =	vld [tilespmem:s28+$0x6C80]  }
0x11e: {  	v5 =	vld [tilespmem:s28+$0x6580]  }
0x11f: {  	s29 =	simm.s32 $0x10;
	v6 =	vld [tilespmem:s28+$0x7A80]  }
0x120: {  	v7 =	vld [tilespmem:s29+$0x5E80]  }
0x121: {  	v8 =	vld [tilespmem:s29+$0x5780]  }
0x122: {  	v9 =	vld [tilespmem:s29+$0x7380]  }
0x123: {  	v10 =	vld [tilespmem:s29+$0x6C80];
	v11 =	vsub.f32 v1, v2;
	v3 =	vsub.f32 v3, v4  }
0x124: {  	v12 =	vld [tilespmem:s29+$0x6580];
	v2 =	vsub.f32 v5, v2;
	v4 =	vsub.f32 v6, v4  }
0x125: {  	s30 =	simm.s32 $0x20;
	v13 =	vld [tilespmem:s29+$0x7A80]  }
0x126: {  	v1 =	vld [tilespmem:s30+$0x5E80];
	v5 =	vmul.f32 v4, v11;
	v3 =	vmul.f32 v2, v3  }
0x127: {  	v2 =	vld [tilespmem:s30+$0x5780]  }
0x128: {  	v4 =	vld [tilespmem:s30+$0x7380];
	v11 =	vsub.f32 v5, v3  }
0x129: {  	v6 =	vsub.f32 v7, v8;
	v7 =	vsub.f32 v9, v10;
	v3 =	vld [tilespmem:s30+$0x6C80]  }
0x12a: {  	s31 =	simm.s32 $0xC0;
	v8 =	vsub.f32 v12, v8;
	v10 =	vsub.f32 v13, v10;
	v5 =	vld [tilespmem:s30+$0x6580];
	v9 =	vand.u32 $0x7FFFFFFF, v11  }
.LBB2_6:
0x12b: {  	s1 =	sshra.s32 s31, $0x2;
	v11 =	vld [tilespmem:s30+$0x7A80];
	v13 =	vmul.f32 $1.666666720e-01, v9;
	v12 =	vmov v1;
	p0 =	sne.s32 s31, $0xC40  }
.Ltmp2:
0x12c: {  	v1 =	vld [tilespmem:s1+$0x5E80];
	v6 =	vmul.f32 v10, v6;
	v7 =	vmul.f32 v8, v7;
	v8 =	vmov v2;
	(pc) =	sbr.rel @p0 .LBB2_6-.Ltmp2, $4  }
0x12d: {  	v2 =	vld [tilespmem:s1+$0x5780];
	[tilespmem:s28+$0x8180] =	vst v13;
	v9 =	vmov v4;
	s28 =	smov.u32 s29;
	s29 =	smov.u32 s30;
	s30 =	smov.u32 s1  }
0x12e: {  	v4 =	vld [tilespmem:s30+$0x7380];
	v13 =	vsub.f32 v6, v7;
	v10 =	vmov v3  }
0x12f: {  	v6 =	vsub.f32 v12, v8;
	v3 =	vld [tilespmem:s30+$0x6C80];
	v7 =	vsub.f32 v9, v10  }
0x130: {  	s31 =	sadd.s32 $0x40, s31;
	v8 =	vsub.f32 v5, v8;
	v5 =	vld [tilespmem:s30+$0x6580];
	v10 =	vsub.f32 v11, v10;
	v9 =	vand.u32 $0x7FFFFFFF, v13  }
0x131: {  	v11 =	vld [tilespmem:s30+$0x7A80];
	_ =	sdelay $0x3  }
0x132: {  	v1 =	vsub.f32 v1, v2;
	v4 =	vsub.f32 v4, v3  }
0x133: {  	v2 =	vsub.f32 v5, v2;
	v3 =	vsub.f32 v11, v3  }
0x134: {  	v5 =	vmul.f32 v10, v6;
	v6 =	vmul.f32 v8, v7  }
0x135: {  	v2 =	vmul.f32 v2, v4;
	v1 =	vmul.f32 v3, v1  }
0x136: {  	v3 =	vsub.f32 v5, v6  }
0x137: {  	v1 =	vsub.f32 v1, v2  }
0x138: {  	v2 =	vmul.f32 $1.666666720e-01, v9;
	v3 =	vand.u32 $0x7FFFFFFF, v3  }
0x139: {  	v3 =	vmul.f32 $1.666666720e-01, v3;
	v1 =	vand.u32 $0x7FFFFFFF, v1  }
0x13a: {  	[tilespmem:s28+$0x8180] =	vst v2;
	v1 =	vmul.f32 $1.666666720e-01, v1  }
0x13b: {  	[tilespmem:s29+$0x8180] =	vst v3  }
0x13c: {  	[tilespmem:s30+$0x8180] =	vst v1  }
0x13d: {  	[spmem:s3] =	stream.indirect.scatter.add.f32 [tilespmem:s23], [sflag:$0x4], $0x1, s10, s5, $0xb8;
	[tilespmem:$0xB5F0] =	vst v63  }
0x13e: {  	_ = 	snop  }
0x13f: {  	[spmem:s3] =	stream.indirect.scatter.add.f32 [tilespmem:s23], [sflag:$0x4], $0x1, s12, s5, $0xb8;
	[tilespmem:$0xB5F0] =	vst v63  }
0x140: {  	_ = 	snop  }
0x141: {  	[spmem:s3] =	stream.indirect.scatter.add.f32 [tilespmem:s23], [sflag:$0x4], $0x1, s13, s5, $0xb8;
	[tilespmem:$0xB5F0] =	vst v63  }
0x142: {  	s1 =	simm.s32 $0x5780;
	s10 =	simm.s32 $0xA80  }
0x143: {  	[tilespmem:s1], [sflag:$0x2] =	stream.indirect.gather [hbm4b:s0+s5], $0x1, s10, s5, $0xb8;
	[tilespmem:$0xB5F0] =	vst v63  }
0x144: {  	s12 =	simm.s32 $0x6C80  }
0x145: {  	[tilespmem:s12], [sflag:$0x2] =	stream.indirect.gather [hbm4b:s2+s5], $0x1, s10, s5, $0xb8;
	[tilespmem:$0xB5F0] =	vst v63  }
0x146: {  	s13 =	simm.s32 $0x5E80  }
0x147: {  	[tilespmem:s13], [sflag:$0x2] =	stream.indirect.gather [hbm4b:s0+s5], $0x1, s15, s5, $0xb8;
	[tilespmem:$0xB5F0] =	vst v63  }
0x148: {  	s16 =	simm.s32 $0x7380  }
0x149: {  	[tilespmem:s16], [sflag:$0x2] =	stream.indirect.gather [hbm4b:s2+s5], $0x1, s15, s5, $0xb8;
	[tilespmem:$0xB5F0] =	vst v63  }
0x14a: {  	s17 =	simm.s32 $0x6580  }
0x14b: {  	[tilespmem:s17], [sflag:$0x2] =	stream.indirect.gather [hbm4b:s0+s5], $0x1, s19, s5, $0xb8;
	[tilespmem:$0xB5F0] =	vst v63  }
0x14c: {  	s20 =	simm.s32 $0x7A80  }
0x14d: {  	[tilespmem:s20], [sflag:$0x2] =	stream.indirect.gather [hbm4b:s2+s5], $0x1, s19, s5, $0xb8;
	[tilespmem:$0xB5F0] =	vst v63  }
0x14e: {  	_ =	swait.ge [sflag:s4], $0x320  }
0x14f: {  	[sflag:s4] =	ssyncset.done $0x0  }
0x150: {  	[sflag:s4] =	ssyncadd.s32 $0xFFFFFCE0  }
0x151: {  	_ =	swait.ge [sflag:s4], $0x320  }
0x152: {  	[sflag:s4] =	ssyncset.done $0x0  }
0x153: {  	[sflag:s4] =	ssyncadd.s32 $0xFFFFFCE0  }
0x154: {  	_ =	swait.ge [sflag:s4], $0x320  }
0x155: {  	[sflag:s4] =	ssyncset.done $0x0  }
0x156: {  	[sflag:s4] =	ssyncadd.s32 $0xFFFFFCE0  }
0x157: {  	_ =	swait.ge [sflag:s4], $0x320  }
0x158: {  	[sflag:s4] =	ssyncset.done $0x0  }
0x159: {  	[sflag:s4] =	ssyncadd.s32 $0xFFFFFCE0  }
0x15a: {  	_ =	swait.ge [sflag:s4], $0x320  }
0x15b: {  	[sflag:s4] =	ssyncset.done $0x0  }
0x15c: {  	[sflag:s4] =	ssyncadd.s32 $0xFFFFFCE0  }
0x15d: {  	_ =	swait.ge [sflag:s4], $0x320  }
0x15e: {  	[sflag:s4] =	ssyncset.done $0x0  }
0x15f: {  	[sflag:s4] =	ssyncadd.s32 $0xFFFFFCE0  }
0x160: {  	_ =	swait.ge [sflag:s24], $0x320  }
0x161: {  	[sflag:s24] =	ssyncset.done $0x0  }
0x162: {  	[sflag:s24] =	ssyncadd.s32 $0xFFFFFCE0  }
0x163: {  	_ =	swait.ge [sflag:s24], $0x320  }
0x164: {  	[sflag:s24] =	ssyncset.done $0x0  }
0x165: {  	[sflag:s24] =	ssyncadd.s32 $0xFFFFFCE0  }
0x166: {  	_ =	swait.ge [sflag:s24], $0x320  }
0x167: {  	[sflag:s24] =	ssyncset.done $0x0  }
0x168: {  	s28 =	simm.s32 $0x0;
	[sflag:s24] =	ssyncadd.s32 $0xFFFFFCE0  }
0x169: {  	v1 =	vld [tilespmem:s28+$0x5B00]  }
0x16a: {  	v2 =	vld [tilespmem:s28+$0x5400]  }
0x16b: {  	v3 =	vld [tilespmem:s28+$0x7000]  }
0x16c: {  	v4 =	vld [tilespmem:s28+$0x6900]  }
0x16d: {  	v5 =	vld [tilespmem:s28+$0x6200]  }
0x16e: {  	s29 =	simm.s32 $0x10;
	v6 =	vld [tilespmem:s28+$0x7700]  }
0x16f: {  	v7 =	vld [tilespmem:s29+$0x5B00]  }
0x170: {  	v8 =	vld [tilespmem:s29+$0x5400]  }
0x171: {  	v9 =	vld [tilespmem:s29+$0x7000]  }
0x172: {  	v10 =	vld [tilespmem:s29+$0x6900];
	v11 =	vsub.f32 v1, v2;
	v3 =	vsub.f32 v3, v4  }
0x173: {  	v12 =	vld [tilespmem:s29+$0x6200];
	v2 =	vsub.f32 v5, v2;
	v4 =	vsub.f32 v6, v4  }
0x174: {  	s30 =	simm.s32 $0x20;
	v13 =	vld [tilespmem:s29+$0x7700]  }
0x175: {  	v1 =	vld [tilespmem:s30+$0x5B00];
	v5 =	vmul.f32 v4, v11;
	v3 =	vmul.f32 v2, v3  }
0x176: {  	v2 =	vld [tilespmem:s30+$0x5400]  }
0x177: {  	v4 =	vld [tilespmem:s30+$0x7000];
	v11 =	vsub.f32 v5, v3  }
0x178: {  	v6 =	vsub.f32 v7, v8;
	v7 =	vsub.f32 v9, v10;
	v3 =	vld [tilespmem:s30+$0x6900]  }
0x179: {  	s31 =	simm.s32 $0xC0;
	v8 =	vsub.f32 v12, v8;
	v10 =	vsub.f32 v13, v10;
	v5 =	vld [tilespmem:s30+$0x6200];
	v9 =	vand.u32 $0x7FFFFFFF, v11  }
.LBB2_8:
0x17a: {  	s1 =	sshra.s32 s31, $0x2;
	v11 =	vld [tilespmem:s30+$0x7700];
	v13 =	vmul.f32 $1.666666720e-01, v9;
	v12 =	vmov v1;
	p0 =	sne.s32 s31, $0xC40  }
.Ltmp3:
0x17b: {  	v1 =	vld [tilespmem:s1+$0x5B00];
	v6 =	vmul.f32 v10, v6;
	v7 =	vmul.f32 v8, v7;
	v8 =	vmov v2;
	(pc) =	sbr.rel @p0 .LBB2_8-.Ltmp3, $4  }
0x17c: {  	v2 =	vld [tilespmem:s1+$0x5400];
	[tilespmem:s28+$0x7E00] =	vst v13;
	v9 =	vmov v4;
	s28 =	smov.u32 s29;
	s29 =	smov.u32 s30;
	s30 =	smov.u32 s1  }
0x17d: {  	v4 =	vld [tilespmem:s30+$0x7000];
	v13 =	vsub.f32 v6, v7;
	v10 =	vmov v3  }
0x17e: {  	v6 =	vsub.f32 v12, v8;
	v3 =	vld [tilespmem:s30+$0x6900];
	v7 =	vsub.f32 v9, v10  }
0x17f: {  	s31 =	sadd.s32 $0x40, s31;
	v8 =	vsub.f32 v5, v8;
	v5 =	vld [tilespmem:s30+$0x6200];
	v10 =	vsub.f32 v11, v10;
	v9 =	vand.u32 $0x7FFFFFFF, v13  }
0x180: {  	v11 =	vld [tilespmem:s30+$0x7700];
	_ =	sdelay $0x3  }
0x181: {  	v1 =	vsub.f32 v1, v2;
	v4 =	vsub.f32 v4, v3  }
0x182: {  	v2 =	vsub.f32 v5, v2;
	v3 =	vsub.f32 v11, v3  }
0x183: {  	v5 =	vmul.f32 v10, v6;
	v6 =	vmul.f32 v8, v7  }
0x184: {  	v2 =	vmul.f32 v2, v4;
	v1 =	vmul.f32 v3, v1  }
0x185: {  	v3 =	vsub.f32 v5, v6  }
0x186: {  	v1 =	vsub.f32 v1, v2  }
0x187: {  	v2 =	vmul.f32 $1.666666720e-01, v9;
	v3 =	vand.u32 $0x7FFFFFFF, v3  }
0x188: {  	v3 =	vmul.f32 $1.666666720e-01, v3;
	v1 =	vand.u32 $0x7FFFFFFF, v1  }
0x189: {  	[tilespmem:s28+$0x7E00] =	vst v2;
	v1 =	vmul.f32 $1.666666720e-01, v1  }
0x18a: {  	[tilespmem:s29+$0x7E00] =	vst v3  }
0x18b: {  	s1 =	simm.s32 $0x700;
	[tilespmem:s30+$0x7E00] =	vst v1  }
0x18c: {  	[spmem:s3] =	stream.indirect.scatter.add.f32 [tilespmem:s21], [sflag:$0x3], $0x1, s1, s5, $0xb8;
	[tilespmem:$0xB5F0] =	vst v63  }
0x18d: {  	_ = 	snop  }
0x18e: {  	[spmem:s3] =	stream.indirect.scatter.add.f32 [tilespmem:s21], [sflag:$0x3], $0x1, s14, s5, $0xb8;
	[tilespmem:$0xB5F0] =	vst v63  }
0x18f: {  	_ = 	snop  }
0x190: {  	[spmem:s3] =	stream.indirect.scatter.add.f32 [tilespmem:s21], [sflag:$0x3], $0x1, s18, s5, $0xb8;
	[tilespmem:$0xB5F0] =	vst v63  }
0x191: {  	s18 =	simm.s32 $0xE00  }
0x192: {  	[tilespmem:s6], [sflag:$0x1] =	stream.indirect.gather [hbm4b:s0+s5], $0x1, s18, s5, $0xb8;
	[tilespmem:$0xB5F0] =	vst v63  }
0x193: {  	s11 =	simm.s32 $0x6900  }
0x194: {  	[tilespmem:s11], [sflag:$0x1] =	stream.indirect.gather [hbm4b:s2+s5], $0x1, s18, s5, $0xb8;
	[tilespmem:$0xB5F0] =	vst v63  }
0x195: {  	s20 =	simm.s32 $0x2A00;
	s13 =	simm.s32 $0x5B00  }
0x196: {  	[tilespmem:s13], [sflag:$0x1] =	stream.indirect.gather [hbm4b:s0+s5], $0x1, s20, s5, $0xb8;
	[tilespmem:$0xB5F0] =	vst v63  }
0x197: {  	s14 =	simm.s32 $0x7000  }
0x198: {  	[tilespmem:s14], [sflag:$0x1] =	stream.indirect.gather [hbm4b:s2+s5], $0x1, s20, s5, $0xb8;
	[tilespmem:$0xB5F0] =	vst v63  }
0x199: {  	s16 =	simm.s32 $0x4600;
	s17 =	simm.s32 $0x6200  }
0x19a: {  	[tilespmem:s17], [sflag:$0x1] =	stream.indirect.gather [hbm4b:s0+s5], $0x1, s16, s5, $0xb8;
	[tilespmem:$0xB5F0] =	vst v63  }
0x19b: {  	s18 =	simm.s32 $0x7700  }
0x19c: {  	[tilespmem:s18], [sflag:$0x1] =	stream.indirect.gather [hbm4b:s2+s5], $0x1, s16, s5, $0xb8;
	[tilespmem:$0xB5F0] =	vst v63  }
0x19d: {  	_ =	swait.ge [sflag:s22], $0x320  }
0x19e: {  	[sflag:s22] =	ssyncset.done $0x0  }
0x19f: {  	[sflag:s22] =	ssyncadd.s32 $0xFFFFFCE0  }
0x1a0: {  	_ =	swait.ge [sflag:s22], $0x320  }
0x1a1: {  	[sflag:s22] =	ssyncset.done $0x0  }
0x1a2: {  	[sflag:s22] =	ssyncadd.s32 $0xFFFFFCE0  }
0x1a3: {  	_ =	swait.ge [sflag:s22], $0x320  }
0x1a4: {  	[sflag:s22] =	ssyncset.done $0x0  }
0x1a5: {  	[sflag:s22] =	ssyncadd.s32 $0xFFFFFCE0  }
0x1a6: {  	_ =	swait.ge [sflag:s22], $0x320  }
0x1a7: {  	[sflag:s22] =	ssyncset.done $0x0  }
0x1a8: {  	[sflag:s22] =	ssyncadd.s32 $0xFFFFFCE0  }
0x1a9: {  	_ =	swait.ge [sflag:s22], $0x320  }
0x1aa: {  	[sflag:s22] =	ssyncset.done $0x0  }
0x1ab: {  	[sflag:s22] =	ssyncadd.s32 $0xFFFFFCE0  }
0x1ac: {  	_ =	swait.ge [sflag:s22], $0x320  }
0x1ad: {  	[sflag:s22] =	ssyncset.done $0x0  }
0x1ae: {  	[sflag:s22] =	ssyncadd.s32 $0xFFFFFCE0  }
0x1af: {  	_ =	swait.ge [sflag:s25], $0x320  }
0x1b0: {  	[sflag:s25] =	ssyncset.done $0x0  }
0x1b1: {  	[sflag:s25] =	ssyncadd.s32 $0xFFFFFCE0  }
0x1b2: {  	_ =	swait.ge [sflag:s25], $0x320  }
0x1b3: {  	[sflag:s25] =	ssyncset.done $0x0  }
0x1b4: {  	[sflag:s25] =	ssyncadd.s32 $0xFFFFFCE0  }
0x1b5: {  	_ =	swait.ge [sflag:s25], $0x320  }
0x1b6: {  	[sflag:s25] =	ssyncset.done $0x0  }
0x1b7: {  	s28 =	simm.s32 $0x0;
	[sflag:s25] =	ssyncadd.s32 $0xFFFFFCE0  }
0x1b8: {  	v1 =	vld [tilespmem:s28+$0x5E80]  }
0x1b9: {  	v2 =	vld [tilespmem:s28+$0x5780]  }
0x1ba: {  	v3 =	vld [tilespmem:s28+$0x7380]  }
0x1bb: {  	v4 =	vld [tilespmem:s28+$0x6C80]  }
0x1bc: {  	v5 =	vld [tilespmem:s28+$0x6580]  }
0x1bd: {  	s29 =	simm.s32 $0x10;
	v6 =	vld [tilespmem:s28+$0x7A80]  }
0x1be: {  	v7 =	vld [tilespmem:s29+$0x5E80]  }
0x1bf: {  	v8 =	vld [tilespmem:s29+$0x5780]  }
0x1c0: {  	v9 =	vld [tilespmem:s29+$0x7380]  }
0x1c1: {  	v10 =	vld [tilespmem:s29+$0x6C80];
	v11 =	vsub.f32 v1, v2;
	v3 =	vsub.f32 v3, v4  }
0x1c2: {  	v12 =	vld [tilespmem:s29+$0x6580];
	v2 =	vsub.f32 v5, v2;
	v4 =	vsub.f32 v6, v4  }
0x1c3: {  	s30 =	simm.s32 $0x20;
	v13 =	vld [tilespmem:s29+$0x7A80]  }
0x1c4: {  	v1 =	vld [tilespmem:s30+$0x5E80];
	v5 =	vmul.f32 v4, v11;
	v3 =	vmul.f32 v2, v3  }
0x1c5: {  	v2 =	vld [tilespmem:s30+$0x5780]  }
0x1c6: {  	v4 =	vld [tilespmem:s30+$0x7380];
	v11 =	vsub.f32 v5, v3  }
0x1c7: {  	v6 =	vsub.f32 v7, v8;
	v7 =	vsub.f32 v9, v10;
	v3 =	vld [tilespmem:s30+$0x6C80]  }
0x1c8: {  	s12 =	simm.s32 $0x2A00;
	s31 =	simm.s32 $0xC0;
	s20 =	simm.s32 $0x4600;
	v8 =	vsub.f32 v12, v8;
	v10 =	vsub.f32 v13, v10;
	v5 =	vld [tilespmem:s30+$0x6580];
	v9 =	vand.u32 $0x7FFFFFFF, v11  }
.LBB2_10:
0x1c9: {  	s1 =	sshra.s32 s31, $0x2;
	v11 =	vld [tilespmem:s30+$0x7A80];
	v13 =	vmul.f32 $1.666666720e-01, v9;
	v12 =	vmov v1;
	p0 =	sne.s32 s31, $0xC40  }
.Ltmp4:
0x1ca: {  	v1 =	vld [tilespmem:s1+$0x5E80];
	v6 =	vmul.f32 v10, v6;
	v7 =	vmul.f32 v8, v7;
	v8 =	vmov v2;
	(pc) =	sbr.rel @p0 .LBB2_10-.Ltmp4, $4  }
0x1cb: {  	v2 =	vld [tilespmem:s1+$0x5780];
	[tilespmem:s28+$0x8180] =	vst v13;
	v9 =	vmov v4;
	s28 =	smov.u32 s29;
	s29 =	smov.u32 s30;
	s30 =	smov.u32 s1  }
0x1cc: {  	v4 =	vld [tilespmem:s30+$0x7380];
	v13 =	vsub.f32 v6, v7;
	v10 =	vmov v3  }
0x1cd: {  	v6 =	vsub.f32 v12, v8;
	v3 =	vld [tilespmem:s30+$0x6C80];
	v7 =	vsub.f32 v9, v10  }
0x1ce: {  	s31 =	sadd.s32 $0x40, s31;
	v8 =	vsub.f32 v5, v8;
	v5 =	vld [tilespmem:s30+$0x6580];
	v10 =	vsub.f32 v11, v10;
	v9 =	vand.u32 $0x7FFFFFFF, v13  }
0x1cf: {  	v11 =	vld [tilespmem:s30+$0x7A80];
	_ =	sdelay $0x3  }
0x1d0: {  	v1 =	vsub.f32 v1, v2;
	v4 =	vsub.f32 v4, v3  }
0x1d1: {  	v2 =	vsub.f32 v5, v2;
	v3 =	vsub.f32 v11, v3  }
0x1d2: {  	v5 =	vmul.f32 v10, v6;
	v6 =	vmul.f32 v8, v7  }
0x1d3: {  	v2 =	vmul.f32 v2, v4;
	v1 =	vmul.f32 v3, v1  }
0x1d4: {  	v3 =	vsub.f32 v5, v6  }
0x1d5: {  	v1 =	vsub.f32 v1, v2  }
0x1d6: {  	v2 =	vmul.f32 $1.666666720e-01, v9;
	v3 =	vand.u32 $0x7FFFFFFF, v3  }
0x1d7: {  	v3 =	vmul.f32 $1.666666720e-01, v3;
	v1 =	vand.u32 $0x7FFFFFFF, v1  }
0x1d8: {  	[tilespmem:s28+$0x8180] =	vst v2;
	v1 =	vmul.f32 $1.666666720e-01, v1  }
0x1d9: {  	[tilespmem:s29+$0x8180] =	vst v3  }
0x1da: {  	[tilespmem:s30+$0x8180] =	vst v1  }
0x1db: {  	[spmem:s3] =	stream.indirect.scatter.add.f32 [tilespmem:s23], [sflag:$0x4], $0x1, s10, s5, $0xb8;
	[tilespmem:$0xB5F0] =	vst v63  }
0x1dc: {  	_ = 	snop  }
0x1dd: {  	[spmem:s3] =	stream.indirect.scatter.add.f32 [tilespmem:s23], [sflag:$0x4], $0x1, s15, s5, $0xb8;
	[tilespmem:$0xB5F0] =	vst v63  }
0x1de: {  	_ = 	snop  }
0x1df: {  	[spmem:s3] =	stream.indirect.scatter.add.f32 [tilespmem:s23], [sflag:$0x4], $0x1, s19, s5, $0xb8;
	[tilespmem:$0xB5F0] =	vst v63  }
0x1e0: {  	s1 =	simm.s32 $0x1180;
	s11 =	simm.s32 $0x5780  }
0x1e1: {  	[tilespmem:s11], [sflag:$0x2] =	stream.indirect.gather [hbm4b:s0+s5], $0x1, s1, s5, $0xb8;
	[tilespmem:$0xB5F0] =	vst v63  }
0x1e2: {  	s19 =	simm.s32 $0x6C80  }
0x1e3: {  	[tilespmem:s19], [sflag:$0x2] =	stream.indirect.gather [hbm4b:s2+s5], $0x1, s1, s5, $0xb8;
	[tilespmem:$0xB5F0] =	vst v63  }
0x1e4: {  	s14 =	simm.s32 $0x2D80;
	s15 =	simm.s32 $0x5E80  }
0x1e5: {  	[tilespmem:s15], [sflag:$0x2] =	stream.indirect.gather [hbm4b:s0+s5], $0x1, s14, s5, $0xb8;
	[tilespmem:$0xB5F0] =	vst v63  }
0x1e6: {  	s16 =	simm.s32 $0x7380  }
0x1e7: {  	[tilespmem:s16], [sflag:$0x2] =	stream.indirect.gather [hbm4b:s2+s5], $0x1, s14, s5, $0xb8;
	[tilespmem:$0xB5F0] =	vst v63  }
0x1e8: {  	s18 =	simm.s32 $0x4980;
	s19 =	simm.s32 $0x6580  }
0x1e9: {  	[tilespmem:s19], [sflag:$0x2] =	stream.indirect.gather [hbm4b:s0+s5], $0x1, s18, s5, $0xb8;
	[tilespmem:$0xB5F0] =	vst v63  }
0x1ea: {  	s14 =	simm.s32 $0x7A80  }
0x1eb: {  	[tilespmem:s14], [sflag:$0x2] =	stream.indirect.gather [hbm4b:s2+s5], $0x1, s18, s5, $0xb8;
	[tilespmem:$0xB5F0] =	vst v63  }
0x1ec: {  	_ =	swait.ge [sflag:s4], $0x320  }
0x1ed: {  	[sflag:s4] =	ssyncset.done $0x0  }
0x1ee: {  	[sflag:s4] =	ssyncadd.s32 $0xFFFFFCE0  }
0x1ef: {  	_ =	swait.ge [sflag:s4], $0x320  }
0x1f0: {  	[sflag:s4] =	ssyncset.done $0x0  }
0x1f1: {  	[sflag:s4] =	ssyncadd.s32 $0xFFFFFCE0  }
0x1f2: {  	_ =	swait.ge [sflag:s4], $0x320  }
0x1f3: {  	[sflag:s4] =	ssyncset.done $0x0  }
0x1f4: {  	[sflag:s4] =	ssyncadd.s32 $0xFFFFFCE0  }
0x1f5: {  	_ =	swait.ge [sflag:s4], $0x320  }
0x1f6: {  	[sflag:s4] =	ssyncset.done $0x0  }
0x1f7: {  	[sflag:s4] =	ssyncadd.s32 $0xFFFFFCE0  }
0x1f8: {  	_ =	swait.ge [sflag:s4], $0x320  }
0x1f9: {  	[sflag:s4] =	ssyncset.done $0x0  }
0x1fa: {  	[sflag:s4] =	ssyncadd.s32 $0xFFFFFCE0  }
0x1fb: {  	_ =	swait.ge [sflag:s4], $0x320  }
0x1fc: {  	[sflag:s4] =	ssyncset.done $0x0  }
0x1fd: {  	[sflag:s4] =	ssyncadd.s32 $0xFFFFFCE0  }
0x1fe: {  	_ =	swait.ge [sflag:s24], $0x320  }
0x1ff: {  	[sflag:s24] =	ssyncset.done $0x0  }
0x200: {  	[sflag:s24] =	ssyncadd.s32 $0xFFFFFCE0  }
0x201: {  	_ =	swait.ge [sflag:s24], $0x320  }
0x202: {  	[sflag:s24] =	ssyncset.done $0x0  }
0x203: {  	[sflag:s24] =	ssyncadd.s32 $0xFFFFFCE0  }
0x204: {  	_ =	swait.ge [sflag:s24], $0x320  }
0x205: {  	[sflag:s24] =	ssyncset.done $0x0  }
0x206: {  	s28 =	simm.s32 $0x0;
	[sflag:s24] =	ssyncadd.s32 $0xFFFFFCE0  }
0x207: {  	v1 =	vld [tilespmem:s28+$0x5B00]  }
0x208: {  	v2 =	vld [tilespmem:s28+$0x5400]  }
0x209: {  	v3 =	vld [tilespmem:s28+$0x7000]  }
0x20a: {  	v4 =	vld [tilespmem:s28+$0x6900]  }
0x20b: {  	v5 =	vld [tilespmem:s28+$0x6200]  }
0x20c: {  	s29 =	simm.s32 $0x10;
	v6 =	vld [tilespmem:s28+$0x7700]  }
0x20d: {  	v7 =	vld [tilespmem:s29+$0x5B00]  }
0x20e: {  	v8 =	vld [tilespmem:s29+$0x5400]  }
0x20f: {  	v9 =	vld [tilespmem:s29+$0x7000]  }
0x210: {  	v10 =	vld [tilespmem:s29+$0x6900];
	v11 =	vsub.f32 v1, v2;
	v3 =	vsub.f32 v3, v4  }
0x211: {  	v12 =	vld [tilespmem:s29+$0x6200];
	v2 =	vsub.f32 v5, v2;
	v4 =	vsub.f32 v6, v4  }
0x212: {  	s30 =	simm.s32 $0x20;
	v13 =	vld [tilespmem:s29+$0x7700]  }
0x213: {  	v1 =	vld [tilespmem:s30+$0x5B00];
	v5 =	vmul.f32 v4, v11;
	v3 =	vmul.f32 v2, v3  }
0x214: {  	v2 =	vld [tilespmem:s30+$0x5400]  }
0x215: {  	v4 =	vld [tilespmem:s30+$0x7000];
	v11 =	vsub.f32 v5, v3  }
0x216: {  	s13 =	simm.s32 $0x1180;
	v6 =	vsub.f32 v7, v8;
	v7 =	vsub.f32 v9, v10;
	v3 =	vld [tilespmem:s30+$0x6900]  }
0x217: {  	s17 =	simm.s32 $0x2D80;
	s31 =	simm.s32 $0xC0;
	s11 =	simm.s32 $0x4980;
	v8 =	vsub.f32 v12, v8;
	v10 =	vsub.f32 v13, v10;
	v5 =	vld [tilespmem:s30+$0x6200];
	v9 =	vand.u32 $0x7FFFFFFF, v11  }
.LBB2_12:
0x218: {  	s1 =	sshra.s32 s31, $0x2;
	v11 =	vld [tilespmem:s30+$0x7700];
	v13 =	vmul.f32 $1.666666720e-01, v9;
	v12 =	vmov v1;
	p0 =	sne.s32 s31, $0xC40  }
.Ltmp5:
0x219: {  	v1 =	vld [tilespmem:s1+$0x5B00];
	v6 =	vmul.f32 v10, v6;
	v7 =	vmul.f32 v8, v7;
	v8 =	vmov v2;
	(pc) =	sbr.rel @p0 .LBB2_12-.Ltmp5, $4  }
0x21a: {  	v2 =	vld [tilespmem:s1+$0x5400];
	[tilespmem:s28+$0x7E00] =	vst v13;
	v9 =	vmov v4;
	s28 =	smov.u32 s29;
	s29 =	smov.u32 s30;
	s30 =	smov.u32 s1  }
0x21b: {  	v4 =	vld [tilespmem:s30+$0x7000];
	v13 =	vsub.f32 v6, v7;
	v10 =	vmov v3  }
0x21c: {  	v6 =	vsub.f32 v12, v8;
	v3 =	vld [tilespmem:s30+$0x6900];
	v7 =	vsub.f32 v9, v10  }
0x21d: {  	s31 =	sadd.s32 $0x40, s31;
	v8 =	vsub.f32 v5, v8;
	v5 =	vld [tilespmem:s30+$0x6200];
	v10 =	vsub.f32 v11, v10;
	v9 =	vand.u32 $0x7FFFFFFF, v13  }
0x21e: {  	v11 =	vld [tilespmem:s30+$0x7700];
	_ =	sdelay $0x3  }
0x21f: {  	v1 =	vsub.f32 v1, v2;
	v4 =	vsub.f32 v4, v3  }
0x220: {  	v2 =	vsub.f32 v5, v2;
	v3 =	vsub.f32 v11, v3  }
0x221: {  	v5 =	vmul.f32 v10, v6;
	v6 =	vmul.f32 v8, v7  }
0x222: {  	v2 =	vmul.f32 v2, v4;
	v1 =	vmul.f32 v3, v1  }
0x223: {  	v3 =	vsub.f32 v5, v6  }
0x224: {  	v1 =	vsub.f32 v1, v2  }
0x225: {  	v2 =	vmul.f32 $1.666666720e-01, v9;
	v3 =	vand.u32 $0x7FFFFFFF, v3  }
0x226: {  	v3 =	vmul.f32 $1.666666720e-01, v3;
	v1 =	vand.u32 $0x7FFFFFFF, v1  }
0x227: {  	[tilespmem:s28+$0x7E00] =	vst v2;
	v1 =	vmul.f32 $1.666666720e-01, v1  }
0x228: {  	[tilespmem:s29+$0x7E00] =	vst v3  }
0x229: {  	s1 =	simm.s32 $0xE00;
	[tilespmem:s30+$0x7E00] =	vst v1  }
0x22a: {  	[spmem:s3] =	stream.indirect.scatter.add.f32 [tilespmem:s21], [sflag:$0x3], $0x1, s1, s5, $0xb8;
	[tilespmem:$0xB5F0] =	vst v63  }
0x22b: {  	_ = 	snop  }
0x22c: {  	[spmem:s3] =	stream.indirect.scatter.add.f32 [tilespmem:s21], [sflag:$0x3], $0x1, s12, s5, $0xb8;
	[tilespmem:$0xB5F0] =	vst v63  }
0x22d: {  	_ = 	snop  }
0x22e: {  	[spmem:s3] =	stream.indirect.scatter.add.f32 [tilespmem:s21], [sflag:$0x3], $0x1, s20, s5, $0xb8;
	[tilespmem:$0xB5F0] =	vst v63  }
0x22f: {  	s19 =	simm.s32 $0x1500  }
0x230: {  	[tilespmem:s6], [sflag:$0x1] =	stream.indirect.gather [hbm4b:s0+s5], $0x1, s19, s5, $0xb8;
	[tilespmem:$0xB5F0] =	vst v63  }
0x231: {  	s15 =	simm.s32 $0x6900  }
0x232: {  	[tilespmem:s15], [sflag:$0x1] =	stream.indirect.gather [hbm4b:s2+s5], $0x1, s19, s5, $0xb8;
	[tilespmem:$0xB5F0] =	vst v63  }
0x233: {  	s16 =	simm.s32 $0x3100;
	s19 =	simm.s32 $0x5B00  }
0x234: {  	[tilespmem:s19], [sflag:$0x1] =	stream.indirect.gather [hbm4b:s0+s5], $0x1, s16, s5, $0xb8;
	[tilespmem:$0xB5F0] =	vst v63  }
0x235: {  	s15 =	simm.s32 $0x7000  }
0x236: {  	[tilespmem:s15], [sflag:$0x1] =	stream.indirect.gather [hbm4b:s2+s5], $0x1, s16, s5, $0xb8;
	[tilespmem:$0xB5F0] =	vst v63  }
0x237: {  	s19 =	simm.s32 $0x6200;
	s16 =	simm.s32 $0x4D00  }
0x238: {  	[tilespmem:s19], [sflag:$0x1] =	stream.indirect.gather [hbm4b:s0+s5], $0x1, s16, s5, $0xb8;
	[tilespmem:$0xB5F0] =	vst v63  }
0x239: {  	s15 =	simm.s32 $0x7700  }
0x23a: {  	[tilespmem:s15], [sflag:$0x1] =	stream.indirect.gather [hbm4b:s2+s5], $0x1, s16, s5, $0xb8;
	[tilespmem:$0xB5F0] =	vst v63  }
0x23b: {  	_ =	swait.ge [sflag:s22], $0x320  }
0x23c: {  	[sflag:s22] =	ssyncset.done $0x0  }
0x23d: {  	[sflag:s22] =	ssyncadd.s32 $0xFFFFFCE0  }
0x23e: {  	_ =	swait.ge [sflag:s22], $0x320  }
0x23f: {  	[sflag:s22] =	ssyncset.done $0x0  }
0x240: {  	[sflag:s22] =	ssyncadd.s32 $0xFFFFFCE0  }
0x241: {  	_ =	swait.ge [sflag:s22], $0x320  }
0x242: {  	[sflag:s22] =	ssyncset.done $0x0  }
0x243: {  	[sflag:s22] =	ssyncadd.s32 $0xFFFFFCE0  }
0x244: {  	_ =	swait.ge [sflag:s22], $0x320  }
0x245: {  	[sflag:s22] =	ssyncset.done $0x0  }
0x246: {  	[sflag:s22] =	ssyncadd.s32 $0xFFFFFCE0  }
0x247: {  	_ =	swait.ge [sflag:s22], $0x320  }
0x248: {  	[sflag:s22] =	ssyncset.done $0x0  }
0x249: {  	[sflag:s22] =	ssyncadd.s32 $0xFFFFFCE0  }
0x24a: {  	_ =	swait.ge [sflag:s22], $0x320  }
0x24b: {  	[sflag:s22] =	ssyncset.done $0x0  }
0x24c: {  	[sflag:s22] =	ssyncadd.s32 $0xFFFFFCE0  }
0x24d: {  	_ =	swait.ge [sflag:s25], $0x320  }
0x24e: {  	[sflag:s25] =	ssyncset.done $0x0  }
0x24f: {  	[sflag:s25] =	ssyncadd.s32 $0xFFFFFCE0  }
0x250: {  	_ =	swait.ge [sflag:s25], $0x320  }
0x251: {  	[sflag:s25] =	ssyncset.done $0x0  }
0x252: {  	[sflag:s25] =	ssyncadd.s32 $0xFFFFFCE0  }
0x253: {  	_ =	swait.ge [sflag:s25], $0x320  }
0x254: {  	[sflag:s25] =	ssyncset.done $0x0  }
0x255: {  	s28 =	simm.s32 $0x0;
	[sflag:s25] =	ssyncadd.s32 $0xFFFFFCE0  }
0x256: {  	v1 =	vld [tilespmem:s28+$0x5E80]  }
0x257: {  	v2 =	vld [tilespmem:s28+$0x5780]  }
0x258: {  	v3 =	vld [tilespmem:s28+$0x7380]  }
0x259: {  	v4 =	vld [tilespmem:s28+$0x6C80]  }
0x25a: {  	v5 =	vld [tilespmem:s28+$0x6580]  }
0x25b: {  	s29 =	simm.s32 $0x10;
	v6 =	vld [tilespmem:s28+$0x7A80]  }
0x25c: {  	v7 =	vld [tilespmem:s29+$0x5E80]  }
0x25d: {  	v8 =	vld [tilespmem:s29+$0x5780]  }
0x25e: {  	v9 =	vld [tilespmem:s29+$0x7380]  }
0x25f: {  	v10 =	vld [tilespmem:s29+$0x6C80];
	v11 =	vsub.f32 v1, v2;
	v3 =	vsub.f32 v3, v4  }
0x260: {  	v12 =	vld [tilespmem:s29+$0x6580];
	v2 =	vsub.f32 v5, v2;
	v4 =	vsub.f32 v6, v4  }
0x261: {  	s30 =	simm.s32 $0x20;
	v13 =	vld [tilespmem:s29+$0x7A80]  }
0x262: {  	v1 =	vld [tilespmem:s30+$0x5E80];
	v5 =	vmul.f32 v4, v11;
	v3 =	vmul.f32 v2, v3  }
0x263: {  	v2 =	vld [tilespmem:s30+$0x5780]  }
0x264: {  	v4 =	vld [tilespmem:s30+$0x7380];
	v11 =	vsub.f32 v5, v3  }
0x265: {  	s14 =	simm.s32 $0x1500;
	v6 =	vsub.f32 v7, v8;
	v7 =	vsub.f32 v9, v10;
	v3 =	vld [tilespmem:s30+$0x6C80]  }
0x266: {  	s18 =	simm.s32 $0x3100;
	s31 =	simm.s32 $0xC0;
	s6 =	simm.s32 $0x4D00;
	v8 =	vsub.f32 v12, v8;
	v10 =	vsub.f32 v13, v10;
	v5 =	vld [tilespmem:s30+$0x6580];
	v9 =	vand.u32 $0x7FFFFFFF, v11  }
.LBB2_14:
0x267: {  	s1 =	sshra.s32 s31, $0x2;
	v11 =	vld [tilespmem:s30+$0x7A80];
	v13 =	vmul.f32 $1.666666720e-01, v9;
	v12 =	vmov v1;
	p0 =	sne.s32 s31, $0xC40  }
.Ltmp6:
0x268: {  	v1 =	vld [tilespmem:s1+$0x5E80];
	v6 =	vmul.f32 v10, v6;
	v7 =	vmul.f32 v8, v7;
	v8 =	vmov v2;
	(pc) =	sbr.rel @p0 .LBB2_14-.Ltmp6, $4  }
0x269: {  	v2 =	vld [tilespmem:s1+$0x5780];
	[tilespmem:s28+$0x8180] =	vst v13;
	v9 =	vmov v4;
	s28 =	smov.u32 s29;
	s29 =	smov.u32 s30;
	s30 =	smov.u32 s1  }
0x26a: {  	v4 =	vld [tilespmem:s30+$0x7380];
	v13 =	vsub.f32 v6, v7;
	v10 =	vmov v3  }
0x26b: {  	v6 =	vsub.f32 v12, v8;
	v3 =	vld [tilespmem:s30+$0x6C80];
	v7 =	vsub.f32 v9, v10  }
0x26c: {  	s31 =	sadd.s32 $0x40, s31;
	v8 =	vsub.f32 v5, v8;
	v5 =	vld [tilespmem:s30+$0x6580];
	v10 =	vsub.f32 v11, v10;
	v9 =	vand.u32 $0x7FFFFFFF, v13  }
0x26d: {  	v11 =	vld [tilespmem:s30+$0x7A80];
	_ =	sdelay $0x3  }
0x26e: {  	v1 =	vsub.f32 v1, v2;
	v4 =	vsub.f32 v4, v3  }
0x26f: {  	v2 =	vsub.f32 v5, v2;
	v3 =	vsub.f32 v11, v3  }
0x270: {  	v5 =	vmul.f32 v10, v6;
	v6 =	vmul.f32 v8, v7  }
0x271: {  	v2 =	vmul.f32 v2, v4;
	v1 =	vmul.f32 v3, v1  }
0x272: {  	v3 =	vsub.f32 v5, v6  }
0x273: {  	v1 =	vsub.f32 v1, v2  }
0x274: {  	v2 =	vmul.f32 $1.666666720e-01, v9;
	v3 =	vand.u32 $0x7FFFFFFF, v3  }
0x275: {  	v3 =	vmul.f32 $1.666666720e-01, v3;
	v1 =	vand.u32 $0x7FFFFFFF, v1  }
0x276: {  	[tilespmem:s28+$0x8180] =	vst v2;
	v1 =	vmul.f32 $1.666666720e-01, v1  }
0x277: {  	[tilespmem:s29+$0x8180] =	vst v3  }
0x278: {  	[tilespmem:s30+$0x8180] =	vst v1  }
0x279: {  	[spmem:s3] =	stream.indirect.scatter.add.f32 [tilespmem:s23], [sflag:$0x4], $0x1, s13, s5, $0xb8;
	[tilespmem:$0xB5F0] =	vst v63  }
0x27a: {  	_ = 	snop  }
0x27b: {  	[spmem:s3] =	stream.indirect.scatter.add.f32 [tilespmem:s23], [sflag:$0x4], $0x1, s17, s5, $0xb8;
	[tilespmem:$0xB5F0] =	vst v63  }
0x27c: {  	_ = 	snop  }
0x27d: {  	[spmem:s3] =	stream.indirect.scatter.add.f32 [tilespmem:s23], [sflag:$0x4], $0x1, s11, s5, $0xb8;
	[tilespmem:$0xB5F0] =	vst v63  }
0x27e: {  	s1 =	simm.s32 $0x1880;
	s15 =	simm.s32 $0x5780  }
0x27f: {  	[tilespmem:s15], [sflag:$0x2] =	stream.indirect.gather [hbm4b:s0+s5], $0x1, s1, s5, $0xb8;
	[tilespmem:$0xB5F0] =	vst v63  }
0x280: {  	s16 =	simm.s32 $0x6C80  }
0x281: {  	[tilespmem:s16], [sflag:$0x2] =	stream.indirect.gather [hbm4b:s2+s5], $0x1, s1, s5, $0xb8;
	[tilespmem:$0xB5F0] =	vst v63  }
0x282: {  	s19 =	simm.s32 $0x5E80;
	s1 =	simm.s32 $0x3480  }
0x283: {  	[tilespmem:s19], [sflag:$0x2] =	stream.indirect.gather [hbm4b:s0+s5], $0x1, s1, s5, $0xb8;
	[tilespmem:$0xB5F0] =	vst v63  }
0x284: {  	s16 =	simm.s32 $0x7380  }
0x285: {  	[tilespmem:s16], [sflag:$0x2] =	stream.indirect.gather [hbm4b:s2+s5], $0x1, s1, s5, $0xb8;
	[tilespmem:$0xB5F0] =	vst v63  }
0x286: {  	s1 =	simm.s32 $0x5080;
	s16 =	simm.s32 $0x6580  }
0x287: {  	[tilespmem:s16], [sflag:$0x2] =	stream.indirect.gather [hbm4b:s0+s5], $0x1, s1, s5, $0xb8;
	[tilespmem:$0xB5F0] =	vst v63  }
0x288: {  	s28 =	simm.s32 $0x7A80  }
0x289: {  	[tilespmem:s28], [sflag:$0x2] =	stream.indirect.gather [hbm4b:s2+s5], $0x1, s1, s5, $0xb8;
	[tilespmem:$0xB5F0] =	vst v63  }
0x28a: {  	_ =	swait.ge [sflag:s4], $0x320  }
0x28b: {  	[sflag:s4] =	ssyncset.done $0x0  }
0x28c: {  	[sflag:s4] =	ssyncadd.s32 $0xFFFFFCE0  }
0x28d: {  	_ =	swait.ge [sflag:s4], $0x320  }
0x28e: {  	[sflag:s4] =	ssyncset.done $0x0  }
0x28f: {  	[sflag:s4] =	ssyncadd.s32 $0xFFFFFCE0  }
0x290: {  	_ =	swait.ge [sflag:s4], $0x320  }
0x291: {  	[sflag:s4] =	ssyncset.done $0x0  }
0x292: {  	[sflag:s4] =	ssyncadd.s32 $0xFFFFFCE0  }
0x293: {  	_ =	swait.ge [sflag:s4], $0x320  }
0x294: {  	[sflag:s4] =	ssyncset.done $0x0  }
0x295: {  	[sflag:s4] =	ssyncadd.s32 $0xFFFFFCE0  }
0x296: {  	_ =	swait.ge [sflag:s4], $0x320  }
0x297: {  	[sflag:s4] =	ssyncset.done $0x0  }
0x298: {  	[sflag:s4] =	ssyncadd.s32 $0xFFFFFCE0  }
0x299: {  	_ =	swait.ge [sflag:s4], $0x320  }
0x29a: {  	[sflag:s4] =	ssyncset.done $0x0  }
0x29b: {  	[sflag:s4] =	ssyncadd.s32 $0xFFFFFCE0  }
0x29c: {  	_ =	swait.ge [sflag:s24], $0x320  }
0x29d: {  	[sflag:s24] =	ssyncset.done $0x0  }
0x29e: {  	[sflag:s24] =	ssyncadd.s32 $0xFFFFFCE0  }
0x29f: {  	_ =	swait.ge [sflag:s24], $0x320  }
0x2a0: {  	[sflag:s24] =	ssyncset.done $0x0  }
0x2a1: {  	[sflag:s24] =	ssyncadd.s32 $0xFFFFFCE0  }
0x2a2: {  	_ =	swait.ge [sflag:s24], $0x320  }
0x2a3: {  	[sflag:s24] =	ssyncset.done $0x0  }
0x2a4: {  	s28 =	simm.s32 $0x0;
	[sflag:s24] =	ssyncadd.s32 $0xFFFFFCE0  }
0x2a5: {  	v1 =	vld [tilespmem:s28+$0x5B00]  }
0x2a6: {  	v2 =	vld [tilespmem:s28+$0x5400]  }
0x2a7: {  	v3 =	vld [tilespmem:s28+$0x7000]  }
0x2a8: {  	v4 =	vld [tilespmem:s28+$0x6900]  }
0x2a9: {  	v5 =	vld [tilespmem:s28+$0x6200]  }
0x2aa: {  	s29 =	simm.s32 $0x10;
	v6 =	vld [tilespmem:s28+$0x7700]  }
0x2ab: {  	v7 =	vld [tilespmem:s29+$0x5B00]  }
0x2ac: {  	v8 =	vld [tilespmem:s29+$0x5400]  }
0x2ad: {  	v9 =	vld [tilespmem:s29+$0x7000]  }
0x2ae: {  	v10 =	vld [tilespmem:s29+$0x6900];
	v11 =	vsub.f32 v1, v2;
	v3 =	vsub.f32 v3, v4  }
0x2af: {  	v12 =	vld [tilespmem:s29+$0x6200];
	v2 =	vsub.f32 v5, v2;
	v4 =	vsub.f32 v6, v4  }
0x2b0: {  	s30 =	simm.s32 $0x20;
	v13 =	vld [tilespmem:s29+$0x7700]  }
0x2b1: {  	v1 =	vld [tilespmem:s30+$0x5B00];
	v5 =	vmul.f32 v4, v11;
	v3 =	vmul.f32 v2, v3  }
0x2b2: {  	v2 =	vld [tilespmem:s30+$0x5400]  }
0x2b3: {  	v4 =	vld [tilespmem:s30+$0x7000];
	v11 =	vsub.f32 v5, v3  }
0x2b4: {  	s31 =	simm.s32 $0xC0;
	v6 =	vsub.f32 v7, v8;
	v7 =	vsub.f32 v9, v10;
	v3 =	vld [tilespmem:s30+$0x6900]  }
0x2b5: {  	s15 =	simm.s32 $0x1880;
	s19 =	simm.s32 $0x3480;
	s16 =	simm.s32 $0x5080;
	v8 =	vsub.f32 v12, v8;
	v10 =	vsub.f32 v13, v10;
	v5 =	vld [tilespmem:s30+$0x6200];
	v9 =	vand.u32 $0x7FFFFFFF, v11  }
.LBB2_16:
0x2b6: {  	s1 =	sshra.s32 s31, $0x2;
	v11 =	vld [tilespmem:s30+$0x7700];
	v13 =	vmul.f32 $1.666666720e-01, v9;
	v12 =	vmov v1;
	p0 =	sne.s32 s31, $0xC40  }
.Ltmp7:
0x2b7: {  	v1 =	vld [tilespmem:s1+$0x5B00];
	v6 =	vmul.f32 v10, v6;
	v7 =	vmul.f32 v8, v7;
	v8 =	vmov v2;
	(pc) =	sbr.rel @p0 .LBB2_16-.Ltmp7, $4  }
0x2b8: {  	v2 =	vld [tilespmem:s1+$0x5400];
	[tilespmem:s28+$0x7E00] =	vst v13;
	v9 =	vmov v4;
	s28 =	smov.u32 s29;
	s29 =	smov.u32 s30;
	s30 =	smov.u32 s1  }
0x2b9: {  	v4 =	vld [tilespmem:s30+$0x7000];
	v13 =	vsub.f32 v6, v7;
	v10 =	vmov v3  }
0x2ba: {  	v6 =	vsub.f32 v12, v8;
	v3 =	vld [tilespmem:s30+$0x6900];
	v7 =	vsub.f32 v9, v10  }
0x2bb: {  	s31 =	sadd.s32 $0x40, s31;
	v8 =	vsub.f32 v5, v8;
	v5 =	vld [tilespmem:s30+$0x6200];
	v10 =	vsub.f32 v11, v10;
	v9 =	vand.u32 $0x7FFFFFFF, v13  }
0x2bc: {  	v11 =	vld [tilespmem:s30+$0x7700];
	_ =	sdelay $0x3  }
0x2bd: {  	v1 =	vsub.f32 v1, v2;
	v4 =	vsub.f32 v4, v3  }
0x2be: {  	v2 =	vsub.f32 v5, v2;
	v3 =	vsub.f32 v11, v3  }
0x2bf: {  	v5 =	vmul.f32 v10, v6;
	v6 =	vmul.f32 v8, v7  }
0x2c0: {  	v2 =	vmul.f32 v2, v4;
	v1 =	vmul.f32 v3, v1  }
0x2c1: {  	v3 =	vsub.f32 v5, v6  }
0x2c2: {  	v1 =	vsub.f32 v1, v2  }
0x2c3: {  	v2 =	vmul.f32 $1.666666720e-01, v9;
	v3 =	vand.u32 $0x7FFFFFFF, v3  }
0x2c4: {  	v3 =	vmul.f32 $1.666666720e-01, v3;
	v1 =	vand.u32 $0x7FFFFFFF, v1  }
0x2c5: {  	[tilespmem:s28+$0x7E00] =	vst v2;
	v1 =	vmul.f32 $1.666666720e-01, v1  }
0x2c6: {  	[tilespmem:s29+$0x7E00] =	vst v3  }
0x2c7: {  	[tilespmem:s30+$0x7E00] =	vst v1  }
0x2c8: {  	[spmem:s3] =	stream.indirect.scatter.add.f32 [tilespmem:s21], [sflag:$0x3], $0x1, s14, s5, $0xb8;
	[tilespmem:$0xB5F0] =	vst v63  }
0x2c9: {  	_ = 	snop  }
0x2ca: {  	[spmem:s3] =	stream.indirect.scatter.add.f32 [tilespmem:s21], [sflag:$0x3], $0x1, s18, s5, $0xb8;
	[tilespmem:$0xB5F0] =	vst v63  }
0x2cb: {  	_ = 	snop  }
0x2cc: {  	[spmem:s3] =	stream.indirect.scatter.add.f32 [tilespmem:s21], [sflag:$0x3], $0x1, s6, s5, $0xb8;
	[tilespmem:$0xB5F0] =	vst v63  }
0x2cd: {  	_ =	swait.ge [sflag:s22], $0x320  }
0x2ce: {  	[sflag:s22] =	ssyncset.done $0x0  }
0x2cf: {  	[sflag:s22] =	ssyncadd.s32 $0xFFFFFCE0  }
0x2d0: {  	_ =	swait.ge [sflag:s22], $0x320  }
0x2d1: {  	[sflag:s22] =	ssyncset.done $0x0  }
0x2d2: {  	[sflag:s22] =	ssyncadd.s32 $0xFFFFFCE0  }
0x2d3: {  	_ =	swait.ge [sflag:s22], $0x320  }
0x2d4: {  	[sflag:s22] =	ssyncset.done $0x0  }
0x2d5: {  	[sflag:s22] =	ssyncadd.s32 $0xFFFFFCE0  }
0x2d6: {  	_ =	swait.ge [sflag:s22], $0x320  }
0x2d7: {  	[sflag:s22] =	ssyncset.done $0x0  }
0x2d8: {  	[sflag:s22] =	ssyncadd.s32 $0xFFFFFCE0  }
0x2d9: {  	_ =	swait.ge [sflag:s22], $0x320  }
0x2da: {  	[sflag:s22] =	ssyncset.done $0x0  }
0x2db: {  	[sflag:s22] =	ssyncadd.s32 $0xFFFFFCE0  }
0x2dc: {  	_ =	swait.ge [sflag:s22], $0x320  }
0x2dd: {  	[sflag:s22] =	ssyncset.done $0x0  }
0x2de: {  	[sflag:s22] =	ssyncadd.s32 $0xFFFFFCE0  }
0x2df: {  	_ =	swait.ge [sflag:s25], $0x320  }
0x2e0: {  	[sflag:s25] =	ssyncset.done $0x0  }
0x2e1: {  	[sflag:s25] =	ssyncadd.s32 $0xFFFFFCE0  }
0x2e2: {  	_ =	swait.ge [sflag:s25], $0x320  }
0x2e3: {  	[sflag:s25] =	ssyncset.done $0x0  }
0x2e4: {  	[sflag:s25] =	ssyncadd.s32 $0xFFFFFCE0  }
0x2e5: {  	_ =	swait.ge [sflag:s25], $0x320  }
0x2e6: {  	[sflag:s25] =	ssyncset.done $0x0  }
0x2e7: {  	s28 =	simm.s32 $0x0;
	[sflag:s25] =	ssyncadd.s32 $0xFFFFFCE0  }
0x2e8: {  	v1 =	vld [tilespmem:s28+$0x5E80]  }
0x2e9: {  	v2 =	vld [tilespmem:s28+$0x5780]  }
0x2ea: {  	v3 =	vld [tilespmem:s28+$0x7380]  }
0x2eb: {  	v4 =	vld [tilespmem:s28+$0x6C80]  }
0x2ec: {  	v5 =	vld [tilespmem:s28+$0x6580]  }
0x2ed: {  	s29 =	simm.s32 $0x10;
	v6 =	vld [tilespmem:s28+$0x7A80]  }
0x2ee: {  	v7 =	vld [tilespmem:s29+$0x5E80]  }
0x2ef: {  	v8 =	vld [tilespmem:s29+$0x5780]  }
0x2f0: {  	v9 =	vld [tilespmem:s29+$0x7380]  }
0x2f1: {  	v10 =	vld [tilespmem:s29+$0x6C80];
	v11 =	vsub.f32 v1, v2;
	v3 =	vsub.f32 v3, v4  }
0x2f2: {  	v12 =	vld [tilespmem:s29+$0x6580];
	v2 =	vsub.f32 v5, v2;
	v4 =	vsub.f32 v6, v4  }
0x2f3: {  	s30 =	simm.s32 $0x20;
	v13 =	vld [tilespmem:s29+$0x7A80]  }
0x2f4: {  	v1 =	vld [tilespmem:s30+$0x5E80];
	v5 =	vmul.f32 v4, v11;
	v3 =	vmul.f32 v2, v3  }
0x2f5: {  	v2 =	vld [tilespmem:s30+$0x5780]  }
0x2f6: {  	v4 =	vld [tilespmem:s30+$0x7380];
	v11 =	vsub.f32 v5, v3  }
0x2f7: {  	v6 =	vsub.f32 v7, v8;
	v7 =	vsub.f32 v9, v10;
	v3 =	vld [tilespmem:s30+$0x6C80]  }
0x2f8: {  	s31 =	simm.s32 $0xC0;
	v8 =	vsub.f32 v12, v8;
	v10 =	vsub.f32 v13, v10;
	v5 =	vld [tilespmem:s30+$0x6580];
	v9 =	vand.u32 $0x7FFFFFFF, v11  }
.LBB2_18:
0x2f9: {  	s1 =	sshra.s32 s31, $0x2;
	v11 =	vld [tilespmem:s30+$0x7A80];
	v13 =	vmul.f32 $1.666666720e-01, v9;
	v12 =	vmov v1;
	p0 =	sne.s32 s31, $0xC40  }
.Ltmp8:
0x2fa: {  	v1 =	vld [tilespmem:s1+$0x5E80];
	v6 =	vmul.f32 v10, v6;
	v7 =	vmul.f32 v8, v7;
	v8 =	vmov v2;
	(pc) =	sbr.rel @p0 .LBB2_18-.Ltmp8, $4  }
0x2fb: {  	v2 =	vld [tilespmem:s1+$0x5780];
	[tilespmem:s28+$0x8180] =	vst v13;
	v9 =	vmov v4;
	s28 =	smov.u32 s29;
	s29 =	smov.u32 s30;
	s30 =	smov.u32 s1  }
0x2fc: {  	v4 =	vld [tilespmem:s30+$0x7380];
	v13 =	vsub.f32 v6, v7;
	v10 =	vmov v3  }
0x2fd: {  	v6 =	vsub.f32 v12, v8;
	v3 =	vld [tilespmem:s30+$0x6C80];
	v7 =	vsub.f32 v9, v10  }
0x2fe: {  	s31 =	sadd.s32 $0x40, s31;
	v8 =	vsub.f32 v5, v8;
	v5 =	vld [tilespmem:s30+$0x6580];
	v10 =	vsub.f32 v11, v10;
	v9 =	vand.u32 $0x7FFFFFFF, v13  }
0x2ff: {  	v11 =	vld [tilespmem:s30+$0x7A80];
	_ =	sdelay $0x3  }
0x300: {  	v1 =	vsub.f32 v1, v2;
	v4 =	vsub.f32 v4, v3  }
0x301: {  	v2 =	vsub.f32 v5, v2;
	v3 =	vsub.f32 v11, v3  }
0x302: {  	v62 =	vmul.f32 v10, v6;
	v63 =	vmul.f32 v8, v7  }
0x303: {  	v2 =	vmul.f32 v2, v4;
	v1 =	vmul.f32 v3, v1  }
0x304: {  	v3 =	vsub.f32 v62, v63  }
0x305: {  	v1 =	vsub.f32 v1, v2  }
0x306: {  	v2 =	vmul.f32 $1.666666720e-01, v9;
	v3 =	vand.u32 $0x7FFFFFFF, v3  }
0x307: {  	v3 =	vmul.f32 $1.666666720e-01, v3;
	v1 =	vand.u32 $0x7FFFFFFF, v1  }
0x308: {  	[tilespmem:s28+$0x8180] =	vst v2;
	v1 =	vmul.f32 $1.666666720e-01, v1  }
0x309: {  	[tilespmem:s29+$0x8180] =	vst v3  }
0x30a: {  	[tilespmem:s30+$0x8180] =	vst v1  }
0x30b: {  	[spmem:s3] =	stream.indirect.scatter.add.f32 [tilespmem:s23], [sflag:$0x4], $0x1, s15, s5, $0xb8;
	[tilespmem:$0xB5F0] =	vst v63  }
0x30c: {  	_ = 	snop  }
0x30d: {  	[spmem:s3] =	stream.indirect.scatter.add.f32 [tilespmem:s23], [sflag:$0x4], $0x1, s19, s5, $0xb8;
	[tilespmem:$0xB5F0] =	vst v63  }
0x30e: {  	_ = 	snop  }
0x30f: {  	[spmem:s3] =	stream.indirect.scatter.add.f32 [tilespmem:s23], [sflag:$0x4], $0x1, s16, s5, $0xb8;
	[tilespmem:$0xB5F0] =	vst v63  }
0x310: {  	_ =	swait.ge [sflag:s24], $0x320  }
0x311: {  	[sflag:s24] =	ssyncset.done $0x0  }
0x312: {  	[sflag:s24] =	ssyncadd.s32 $0xFFFFFCE0  }
0x313: {  	_ =	swait.ge [sflag:s24], $0x320  }
0x314: {  	[sflag:s24] =	ssyncset.done $0x0  }
0x315: {  	[sflag:s24] =	ssyncadd.s32 $0xFFFFFCE0  }
0x316: {  	_ =	swait.ge [sflag:s24], $0x320  }
0x317: {  	[sflag:s24] =	ssyncset.done $0x0  }
0x318: {  	[sflag:s24] =	ssyncadd.s32 $0xFFFFFCE0  }
0x319: {  	_ =	swait.ge [sflag:s25], $0x320  }
0x31a: {  	[sflag:s25] =	ssyncset.done $0x0  }
0x31b: {  	[sflag:s25] =	ssyncadd.s32 $0xFFFFFCE0  }
0x31c: {  	_ =	swait.ge [sflag:s25], $0x320  }
0x31d: {  	[sflag:s25] =	ssyncset.done $0x0  }
0x31e: {  	[sflag:s25] =	ssyncadd.s32 $0xFFFFFCE0  }
0x31f: {  	_ =	swait.ge [sflag:s25], $0x320  }
0x320: {  	[sflag:s25] =	ssyncset.done $0x0  }
0x321: {  	[sflag:s25] =	ssyncadd.s32 $0xFFFFFCE0  }
0x322: {  	s31 =	simm.s32 $0x8500;
	s28 =	simm.s32 $0x5;
	[bflag:$0x0] =	sbarrier.arrive $0xFFFF  }
0x323: {  	[tilespmem:s31], [sflag:$0x5] =	stream.linear.gather [spmem:s9], $0x1870, $0x38;
	[tilespmem:$0xB5F0] =	vst v63  }
0x324: {  	_ =	swait.ge [sflag:s28], $0x1870  }
0x325: {  	[sflag:s28] =	ssyncset.done $0x0  }
0x326: {  	s1 =	simm.s32 $0x0;
	s29 =	rddreg [dreg:$0x13];
	[sflag:s28] =	ssyncadd.s32 $0xFFFFE790  }
0x327: {  	[hbm4b:s29+s1] =	stream.linear.scatter [tilespmem:s31], [sflag:$0x5], $0x1870, $0x38;
	[tilespmem:$0xB5F0] =	vst v63  }
0x328: {  	_ =	swait.ge [sflag:s28], $0x1870  }
0x329: {  	s26 =	sadd.s32 $0x1, s26;
	s29 =	rddreg [dreg:$0x1c]  }
0x32a: {  	p0 =	sne.s32 s26, s29  }
.Ltmp9:
0x32b: {  	_ = 	snop;
	(pc) =	sbr.rel @p0 .LBB2_1-.Ltmp9, $3  }
0x32c: {  	_ =	sdelay $0x1  }
0x32d: {  	[sflag:s28] =	ssyncset.done $0x0  }
0x32e: {  	s30 =	smov.u32 s9;
	[sflag:s28] =	ssyncadd.s32 $0xFFFFE790  }
0x32f: {  	_ =	sfence.sel $0x180000  }
0x330: {  	[bflag:$0x0] =	sbarrier.arrive $0xFFFF  }
0x331: {  	_ =	strace $0x90000047  }
0x332: {  	s0 =	stileid.u32;
	[bflag:$0x2] =	sbarrier.arrive $0xFFFF  }
0x333: {  	p0 =	sne.s32 s0, $0x0;
	s0 =	rddreg [dreg:$0x2]  }
0x334: {  	s0 =	sadd.s32 @!p0 $0x100000, s0  }
0x335: {  	[sflag:s0] =	ssyncadd.tile.s32 @!p0 $0x1;
	_ =	shalt  }
.Lfunc_end2:
_tile_overlayer_lowered:
.L_overlay_start_2:
0x336: {  	(tag) =	ssettag $0x2  }
0x337: {  	s0 =	rddreg [dreg:$0x0];
	s2 =	stileid.u32  }
0x338: {  	s1 =	rddreg [dreg:$0x1];
	p0 =	sne.s32 s2, $0x0  }
0x339: {  	s3 =	rddreg [dreg:$0x2];
	[bflag:$0x3] =	sbarrier.arrive $0xFFFF;
	s2 =	simm.s32 @!p0 $0x1C05  }
0x33a: {  	[timem:s3], [sflag:s2] =	dma.local @!p0 [hbm:s0], s1  }
0x33b: {  	s0 =	simm.s32 @!p0 $0x5  }
0x33c: {  	_ =	swait.ge @!p0 [sflag:s0], s1  }
0x33d: {  	s1 =	ssub.s32 @!p0 $0x0, s1;
	[sflag:s0] =	ssyncset.done @!p0 $0x0  }
0x33e: {  	[sflag:s0] =	ssyncadd.s32 @!p0 s1  }
0x33f: {  	[bflag:$0x3] =	sbarrier.arrive $0xFFFF  }
0x340: {  	_ =	shalt  }

</sc_bundles>
